<compile_context>
chip_gen: v7x
topology: tpu7x:2x2x1
jax: 0.10.2.dev20260603
libtpu: 0.0.44.dev20260713+nightly
codegen_flags: <defaults>
</compile_context>

<pallas_src>
import functools

import jax
import jax.numpy as jnp
from jax import lax
from jax.experimental import pallas as pl
from jax.experimental.pallas import tpu as pltpu
from jax.experimental.pallas import tpu_sc as plsc

_N = 10000
_E = 320000
_D = 128
_G = 16
_NC = 2
_NS = 16
_NW = _NC * _NS
_K = 80
_EP = 327680
_CHT = 128
_NIT = _CHT // 8
_KD = 128
_CHD = 80
_SBD = 8
_NITD = _CHD // (2 * _SBD)
_NP = 10240
_RPT = _NP // _NS
_R = 1000


def _deg_body(didx_hbm, ones_hbm, zeros_hbm, out_hbm, ib0, ib1, ones_v, acc,
              ssem, isem):
    c = lax.axis_index("c")
    s = lax.axis_index("s")
    w = c * _NS + s
    pltpu.sync_copy(zeros_hbm.at[pl.ds(s * _RPT, _RPT)],
                    acc.at[pl.ds(s * _RPT, _RPT)])
    pltpu.sync_copy(ones_hbm, ones_v)
    plsc.subcore_barrier()
    pltpu.async_copy(didx_hbm.at[w, pl.ds(0, _SBD)], ib0, isem)

    def body(j, carry):
        for p, ib, ibn in ((0, ib0, ib1), (1, ib1, ib0)):
            pltpu.make_async_copy(
                didx_hbm.at[w, pl.ds(2 * _SBD * j + _SBD * p, _SBD)], ib,
                isem).wait()

            if p == 0:
                @pl.when(j != 0)
                def _():
                    for t in range(_SBD):
                        pltpu.make_async_copy(
                            ones_v, acc.at[ibn.at[t]], ssem).wait()
                pltpu.async_copy(
                    didx_hbm.at[w, pl.ds(2 * _SBD * j + _SBD, _SBD)], ibn, isem)
            else:
                for t in range(_SBD):
                    pltpu.make_async_copy(
                        ones_v, acc.at[ibn.at[t]], ssem).wait()

                @pl.when(j != _NITD - 1)
                def _():
                    pltpu.async_copy(
                        didx_hbm.at[w, pl.ds(2 * _SBD * j + 2 * _SBD, _SBD)],
                        ibn, isem)

            for t in range(_SBD):
                pltpu.async_copy(ones_v, acc.at[ib.at[t]], ssem, add=True)
        return carry

    lax.fori_loop(0, _NITD, body, 0)
    for t in range(_SBD):
        pltpu.make_async_copy(ones_v, acc.at[ib1.at[t]], ssem).wait()
    plsc.subcore_barrier()
    pltpu.sync_copy(acc.at[pl.ds(s * _RPT, _RPT)],
                    out_hbm.at[c, pl.ds(s * _RPT, _RPT)])


@functools.lru_cache(maxsize=None)
def _deg_call():
    mesh = plsc.VectorSubcoreMesh(core_axis_name="c", subcore_axis_name="s")
    return pl.kernel(
        _deg_body,
        out_type=jax.ShapeDtypeStruct((_NC, _NP), jnp.float32),
        mesh=mesh,
        scratch_types=[
            pltpu.VMEM((_SBD, _KD), jnp.int32),
            pltpu.VMEM((_SBD, _KD), jnp.int32),
            pltpu.VMEM((_KD,), jnp.float32),
            pltpu.VMEM_SHARED((_NP,), jnp.float32),
            pltpu.SemaphoreType.DMA,
            pltpu.SemaphoreType.DMA,
        ],
    )


def _edge_body(g_hbm, eidx_hbm, zeros_hbm, out_hbm,
               ib0, ib1, r0, r1, r2, r3, acc,
               gsem, ssem, isem):
    c = lax.axis_index("c")
    s = lax.axis_index("s")
    w = c * _NS + s
    rows = (r0, r1, r2, r3)
    pltpu.sync_copy(zeros_hbm.at[pl.ds(s * _RPT, _RPT)],
                    acc.at[pl.ds(s * _RPT, _RPT)])
    plsc.subcore_barrier()

    pltpu.async_copy(eidx_hbm.at[w, pl.ds(0, 8)], ib0, isem)

    def body(j, carry):
        pltpu.make_async_copy(
            eidx_hbm.at[w, pl.ds(16 * j, 8)], ib0, isem).wait()
        for t in (0, 1):
            pltpu.async_copy(g_hbm.at[ib0.at[2 * t]], rows[t], gsem)

        @pl.when(j != 0)
        def _():
            for t in (2, 3):
                pltpu.make_async_copy(
                    rows[t], acc.at[ib1.at[2 * t + 1]], ssem).wait()
        pltpu.async_copy(eidx_hbm.at[w, pl.ds(16 * j + 8, 8)], ib1, isem)
        for t in (0, 1):
            pltpu.make_async_copy(g_hbm.at[ib0.at[2 * t]], rows[t], gsem).wait()
        for t in (0, 1):
            pltpu.async_copy(rows[t], acc.at[ib0.at[2 * t + 1]], ssem, add=True)

        for t in (2, 3):
            pltpu.async_copy(g_hbm.at[ib0.at[2 * t]], rows[t], gsem)
        for t in (0, 1):
            pltpu.make_async_copy(
                rows[t], acc.at[ib0.at[2 * t + 1]], ssem).wait()
        for t in (2, 3):
            pltpu.make_async_copy(g_hbm.at[ib0.at[2 * t]], rows[t], gsem).wait()
        for t in (2, 3):
            pltpu.async_copy(rows[t], acc.at[ib0.at[2 * t + 1]], ssem, add=True)

        pltpu.make_async_copy(
            eidx_hbm.at[w, pl.ds(16 * j + 8, 8)], ib1, isem).wait()
        for t in (0, 1):
            pltpu.async_copy(g_hbm.at[ib1.at[2 * t]], rows[t], gsem)
        for t in (2, 3):
            pltpu.make_async_copy(
                rows[t], acc.at[ib0.at[2 * t + 1]], ssem).wait()

        @pl.when(j != _NIT - 1)
        def _():
            pltpu.async_copy(eidx_hbm.at[w, pl.ds(16 * j + 16, 8)], ib0, isem)
        for t in (0, 1):
            pltpu.make_async_copy(g_hbm.at[ib1.at[2 * t]], rows[t], gsem).wait()
        for t in (0, 1):
            pltpu.async_copy(rows[t], acc.at[ib1.at[2 * t + 1]], ssem, add=True)

        for t in (2, 3):
            pltpu.async_copy(g_hbm.at[ib1.at[2 * t]], rows[t], gsem)
        for t in (0, 1):
            pltpu.make_async_copy(
                rows[t], acc.at[ib1.at[2 * t + 1]], ssem).wait()
        for t in (2, 3):
            pltpu.make_async_copy(g_hbm.at[ib1.at[2 * t]], rows[t], gsem).wait()
        for t in (2, 3):
            pltpu.async_copy(rows[t], acc.at[ib1.at[2 * t + 1]], ssem, add=True)
        return carry

    lax.fori_loop(0, _NIT, body, 0)
    for t in (2, 3):
        pltpu.make_async_copy(
            rows[t], acc.at[ib1.at[2 * t + 1]], ssem).wait()
    plsc.subcore_barrier()
    pltpu.sync_copy(acc.at[pl.ds(s * _RPT, _RPT)],
                    out_hbm.at[c, pl.ds(s * _RPT, _RPT)])


@functools.lru_cache(maxsize=None)
def _edge_call():
    mesh = plsc.VectorSubcoreMesh(core_axis_name="c", subcore_axis_name="s")
    return pl.kernel(
        _edge_body,
        out_type=jax.ShapeDtypeStruct((_NC, _NP, _D), jnp.float32),
        mesh=mesh,
        scratch_types=[
            pltpu.VMEM((8, _K), jnp.int32),
            pltpu.VMEM((8, _K), jnp.int32),
        ] + [pltpu.VMEM((_K, _D), jnp.float32)] * 4 + [
            pltpu.VMEM_SHARED((_NP, _D), jnp.float32),
            pltpu.SemaphoreType.DMA,
            pltpu.SemaphoreType.DMA,
            pltpu.SemaphoreType.DMA,
        ],
    )


def _mm1_body(d0_ref, d1_ref, x_ref, w_ref, g_ref, dinv_ref):
    deg = d0_ref[...] + d1_ref[...] + 1.0
    dinv = lax.rsqrt(deg)
    hw = jnp.dot(x_ref[...], w_ref[...], preferred_element_type=jnp.float32)
    g_ref[...] = hw * dinv
    dinv_ref[...] = dinv


def _tc1(d0, d1, x, W1):
    return pl.pallas_call(
        _mm1_body,
        grid=(_N // _R,),
        in_specs=[
            pl.BlockSpec((_R, 1), lambda j: (j, 0)),
            pl.BlockSpec((_R, 1), lambda j: (j, 0)),
            pl.BlockSpec((_R, _D), lambda j: (j, 0)),
            pl.BlockSpec((_D, _D), lambda j: (0, 0)),
        ],
        out_specs=[
            pl.BlockSpec((_R, _D), lambda j: (j, 0)),
            pl.BlockSpec((_R, 1), lambda j: (j, 0)),
        ],
        out_shape=[
            jax.ShapeDtypeStruct((_N, _D), jnp.float32),
            jax.ShapeDtypeStruct((_N, 1), jnp.float32),
        ],
    )(d0, d1, x, W1)


def _mid_body(acc_ref, g_ref, dinv_ref, b_ref, w_ref, out_ref):
    a = acc_ref[...]
    ssum = a[0] + a[1] + g_ref[...]
    h = jnp.maximum(ssum * dinv_ref[...] + b_ref[...], 0.0)
    out_ref[...] = jnp.dot(h, w_ref[...],
                           preferred_element_type=jnp.float32) * dinv_ref[...]


def _tc2(acc, g, dinv, b, W2):
    return pl.pallas_call(
        _mid_body,
        grid=(_N // _R,),
        in_specs=[
            pl.BlockSpec((_NC, _R, _D), lambda j: (0, j, 0)),
            pl.BlockSpec((_R, _D), lambda j: (j, 0)),
            pl.BlockSpec((_R, 1), lambda j: (j, 0)),
            pl.BlockSpec((1, _D), lambda j: (0, 0)),
            pl.BlockSpec((_D, _D), lambda j: (0, 0)),
        ],
        out_specs=pl.BlockSpec((_R, _D), lambda j: (j, 0)),
        out_shape=jax.ShapeDtypeStruct((_N, _D), jnp.float32),
    )(acc, g, dinv, b, W2)


def _fin_body(acc_ref, g_ref, dinv_ref, b_ref, batch_ref, out_ref):
    j = pl.program_id(0)
    a = acc_ref[...]
    h = (a[0] + a[1] + g_ref[...]) * dinv_ref[...] + b_ref[...]
    bb = batch_ref[...]

    @pl.when(j == 0)
    def _():
        out_ref[...] = jnp.full((_G, _D), -jnp.inf, jnp.float32)

    for gi in range(_G):
        vals = jnp.where(bb == gi, h, -jnp.inf)
        m = jnp.max(vals, axis=0)
        out_ref[gi, :] = jnp.maximum(out_ref[gi, :], m)


def _tc3(acc, g, dinv, b, batch2d):
    return pl.pallas_call(
        _fin_body,
        grid=(_N // _R,),
        in_specs=[
            pl.BlockSpec((_NC, _R, _D), lambda j: (0, j, 0)),
            pl.BlockSpec((_R, _D), lambda j: (j, 0)),
            pl.BlockSpec((_R, 1), lambda j: (j, 0)),
            pl.BlockSpec((1, _D), lambda j: (0, 0)),
            pl.BlockSpec((_R, 1), lambda j: (j, 0)),
        ],
        out_specs=pl.BlockSpec((_G, _D), lambda j: (0, 0)),
        out_shape=jax.ShapeDtypeStruct((_G, _D), jnp.float32),
    )(acc, g, dinv, b, batch2d)


def kernel(x, edge_index, batch, W1, b1, W2, b2):
    npad = _EP - _E
    pad_src = (jnp.arange(npad, dtype=jnp.int32) % _N)
    pad_dst = _N + (jnp.arange(npad, dtype=jnp.int32) % (_NP - _N))
    srcf = jnp.concatenate([edge_index[0], pad_src])
    dstf = jnp.concatenate([edge_index[1], pad_dst])
    srcp = srcf.reshape(_NW, _CHT, _K)
    dstp = dstf.reshape(_NW, _CHT, _K)
    eidx = jnp.stack([srcp, dstp], axis=2).reshape(_NW, 2 * _CHT, _K)
    didx = dstf.reshape(_NW, _CHD, _KD)

    zeros_nd = jnp.zeros((_NP, _D), jnp.float32)
    zeros_n1 = jnp.zeros((_NP,), jnp.float32)
    ones_k1 = jnp.ones((_KD,), jnp.float32)

    degp = _deg_call()(didx, ones_k1, zeros_n1)
    d0 = degp[0].reshape(_NP, 1)
    d1 = degp[1].reshape(_NP, 1)
    g1, dinv = _tc1(d0, d1, x, W1)
    acc1 = _edge_call()(g1, eidx, zeros_nd)
    g2 = _tc2(acc1, g1, dinv, b1.reshape(1, _D), W2)
    acc2 = _edge_call()(g2, eidx, zeros_nd)
    out = _tc3(acc2, g2, dinv, b2.reshape(1, _D), batch.reshape(_N, 1))
    return out

# --- scband reference (transcript-rebuilt; emitter-appended) ---
"""Pipeline reference for scband-graph-cell-13322988552780 (READ-ONLY COPY).

The authoritative reference and input builder live on the scoring server;
editing this copy changes nothing except your own understanding.
"""

import jax, jax.numpy as jnp
import numpy as np

N = 10000
E = 320000
D_IN = 128
D_OUT = 128
N_GRAPHS = 16


def setup_inputs(seed: int = 0) -> dict:
    key = jax.random.key(seed)
    k1, k2, k3, k4, k5 = jax.random.split(key, 5)
    x = jax.random.normal(k1, (N, D_IN), dtype=jnp.float32)
    edge_index = jax.random.randint(k2, (2, E), 0, N, dtype=jnp.int32)
    batch = jnp.sort(jax.random.randint(k3, (N,), 0, N_GRAPHS, dtype=jnp.int32))
    W1 = jax.random.normal(k4, (D_IN, D_IN), dtype=jnp.float32) * (1.0 / np.sqrt(D_IN))
    b1 = jnp.zeros((D_IN,), dtype=jnp.float32)
    W2 = jax.random.normal(k5, (D_IN, D_OUT), dtype=jnp.float32) * (1.0 / np.sqrt(D_IN))
    b2 = jnp.zeros((D_OUT,), dtype=jnp.float32)
    return {"x": x, "edge_index": edge_index, "batch": batch, "W1": W1, "b1": b1, "W2": W2, "b2": b2}


def _gcn_conv(h, edge_index, W, b):
    # GCNConv: out = D^{-1/2} (A + I) D^{-1/2} (h @ W) + b
    src = edge_index[0]
    dst = edge_index[1]
    loop = jnp.arange(N, dtype=src.dtype)
    s = jnp.concatenate([src, loop])
    d = jnp.concatenate([dst, loop])
    deg = jnp.zeros((N,), dtype=h.dtype).at[d].add(1.0)
    dinv_sqrt = jax.lax.rsqrt(deg)
    norm = dinv_sqrt[s] * dinv_sqrt[d]
    hw = h @ W
    msg = hw[s] * norm[:, None]
    out = jnp.zeros((N, W.shape[1]), dtype=hw.dtype).at[d].add(msg)
    return out + b


def reference(x, edge_index, batch, W1, b1, W2, b2):
    h = _gcn_conv(x, edge_index, W1, b1)
    h = jax.nn.relu(h)
    h = _gcn_conv(h, edge_index, W2, b2)
    out = jax.ops.segment_max(h, batch, num_segments=N_GRAPHS)
    return out

if __name__ == "__main__":
    import jax
    _d = setup_inputs()
    print(jax.jit(kernel)(*tuple(_d.values())))

</pallas_src>

<mosaic_0001>
#map = affine_map<(d0, d1) -> (0, 0, 0)>
#map1 = affine_map<(d0, d1) -> (0)>
#map2 = affine_map<(d0, d1) -> (0, 0)>
module attributes {stable_mosaic.version = 14 : i64} {
  func.func @_deg_body(%arg0: i32, %arg1: i32, %arg2: memref<32x80x128xi32, #tpu.memory_space<hbm>>, %arg3: memref<128xf32, #tpu.memory_space<hbm>>, %arg4: memref<10240xf32, #tpu.memory_space<hbm>>, %arg5: memref<2x10240xf32, #tpu.memory_space<hbm>>, %arg6: memref<8x128xi32, #tpu.memory_space<vmem>>, %arg7: memref<8x128xi32, #tpu.memory_space<vmem>>, %arg8: memref<128xf32, #tpu.memory_space<vmem>>, %arg9: memref<10240xf32, #tpu.memory_space<vmem_shared>>, %arg10: memref<!tpu.dma_semaphore, #tpu.memory_space<semaphore_mem>>, %arg11: memref<!tpu.dma_semaphore, #tpu.memory_space<semaphore_mem>>) attributes {dimension_semantics = [#tpu.dimension_semantics<core_parallel>, #tpu.dimension_semantics<subcore_parallel>], iteration_bounds = array<i64: 2, 16>, scalar_prefetch = 0 : i64, scratch_operands = 6 : i64, tpu.core_type = #tpu.core_type<sc_vector_subcore>, window_params = [{transform_indices = #map}, {transform_indices = #map1}, {transform_indices = #map1}, {transform_indices = #map2}]} {
    %mul3A = arith.constant 16 : i32
    %mul3A_0 = arith.muli %arg0, %mul3A : i32
    %add3A = arith.addi %mul3A_0, %arg1 : i32
    %mul3A_1 = arith.constant 640 : i32
    %mul3A_2 = arith.muli %arg1, %mul3A_1 : i32
    %mul3A_3 = arith.constant 640 : i32
    %mul3A_4 = arith.muli %arg1, %mul3A_3 : i32
    "tpu.region"() ({
      %run_scoped3A = tpu.sem_alloc : memref<!tpu.dma_semaphore, #tpu.memory_space<semaphore_mem>>
      %dma_start3A_69 = tpu.memref_slice %arg9[%mul3A_4] : memref<10240xf32, #tpu.memory_space<vmem_shared>> -> memref<640xf32, #tpu.memory_space<vmem_shared>>
      %dma_start3A_70 = tpu.memref_slice %arg4[%mul3A_2] : memref<10240xf32, #tpu.memory_space<hbm>> -> memref<640xf32, #tpu.memory_space<hbm>>
      tpu.enqueue_dma source(%dma_start3A_70 : memref<640xf32, #tpu.memory_space<hbm>>) target(%dma_start3A_69 : memref<640xf32, #tpu.memory_space<vmem_shared>>) target_semaphore(%run_scoped3A : memref<!tpu.dma_semaphore, #tpu.memory_space<semaphore_mem>>)
      %dma_wait3A_71 = tpu.memref_slice %arg9[%mul3A_4] : memref<10240xf32, #tpu.memory_space<vmem_shared>> -> memref<640xf32, #tpu.memory_space<vmem_shared>>
      %dma_wait3A_72 = tpu.memref_slice %arg4[%mul3A_2] : memref<10240xf32, #tpu.memory_space<hbm>> -> memref<640xf32, #tpu.memory_space<hbm>>
      tpu.wait_dma2 semaphore(%run_scoped3A : memref<!tpu.dma_semaphore, #tpu.memory_space<semaphore_mem>>) src(%dma_wait3A_72 : memref<640xf32, #tpu.memory_space<hbm>>) dst(%dma_wait3A_71 : memref<640xf32, #tpu.memory_space<vmem_shared>>)
      tpu.yield
    }) : () -> ()
    "tpu.region"() ({
      %run_scoped3A = tpu.sem_alloc : memref<!tpu.dma_semaphore, #tpu.memory_space<semaphore_mem>>
      tpu.enqueue_dma source(%arg3 : memref<128xf32, #tpu.memory_space<hbm>>) target(%arg8 : memref<128xf32, #tpu.memory_space<vmem>>) target_semaphore(%run_scoped3A : memref<!tpu.dma_semaphore, #tpu.memory_space<semaphore_mem>>)
      tpu.wait_dma2 semaphore(%run_scoped3A : memref<!tpu.dma_semaphore, #tpu.memory_space<semaphore_mem>>) src(%arg3 : memref<128xf32, #tpu.memory_space<hbm>>) dst(%arg8 : memref<128xf32, #tpu.memory_space<vmem>>)
      tpu.yield
    }) : () -> ()
    %barrier3A = arith.constant 0 : index
    tpu.barrier barrier_id(%barrier3A)
    %dma_start3A = arith.constant 0 : i32
    %dma_start3A_5 = arith.constant 0 : i32
    %dma_start3A_6 = tpu.memref_slice %arg2[%add3A, %dma_start3A, %dma_start3A_5] : memref<32x80x128xi32, #tpu.memory_space<hbm>> -> memref<1x8x128xi32, #tpu.memory_space<hbm>>
    %dma_start3A_7 = tpu.memref_squeeze %dma_start3A_6 : memref<1x8x128xi32, #tpu.memory_space<hbm>> -> memref<8x128xi32, #tpu.memory_space<hbm>>
    %dma_start3A_8 = arith.constant 0 : i32
    %dma_start3A_9 = arith.constant 0 : i32
    %dma_start3A_10 = tpu.memref_slice %arg2[%add3A, %dma_start3A_8, %dma_start3A_9] : memref<32x80x128xi32, #tpu.memory_space<hbm>> -> memref<1x8x128xi32, #tpu.memory_space<hbm>>
    %dma_start3A_11 = tpu.memref_squeeze %dma_start3A_10 : memref<1x8x128xi32, #tpu.memory_space<hbm>> -> memref<8x128xi32, #tpu.memory_space<hbm>>
    tpu.enqueue_dma source(%dma_start3A_11 : memref<8x128xi32, #tpu.memory_space<hbm>>) target(%arg6 : memref<8x128xi32, #tpu.memory_space<vmem>>) target_semaphore(%arg11 : memref<!tpu.dma_semaphore, #tpu.memory_space<semaphore_mem>>)
    %scan3A = arith.constant 0 : i32
    %scan3A_12 = arith.constant 0 : i32
    %scan3A_13 = arith.constant 5 : i32
    %scan3A_14 = arith.addi %scan3A_12, %scan3A_13 : i32
    %scan3A_15 = arith.constant 1 : i32
    scf.for %scan3A_69 = %scan3A_12 to %scan3A_14 step %scan3A_15  : i32 {
      %mul3A_70 = arith.constant 16 : i32
      %mul3A_71 = arith.muli %mul3A_70, %scan3A_69 : i32
      %add3A_72 = arith.constant 0 : i32
      %add3A_73 = arith.addi %mul3A_71, %add3A_72 : i32
      %dma_wait3A_74 = arith.constant 0 : i32
      %dma_wait3A_75 = tpu.memref_slice %arg2[%add3A, %add3A_73, %dma_wait3A_74] : memref<32x80x128xi32, #tpu.memory_space<hbm>> -> memref<1x8x128xi32, #tpu.memory_space<hbm>>
      %dma_wait3A_76 = tpu.memref_squeeze %dma_wait3A_75 : memref<1x8x128xi32, #tpu.memory_space<hbm>> -> memref<8x128xi32, #tpu.memory_space<hbm>>
      %dma_wait3A_77 = arith.constant 0 : i32
      %dma_wait3A_78 = tpu.memref_slice %arg2[%add3A, %add3A_73, %dma_wait3A_77] : memref<32x80x128xi32, #tpu.memory_space<hbm>> -> memref<1x8x128xi32, #tpu.memory_space<hbm>>
      %dma_wait3A_79 = tpu.memref_squeeze %dma_wait3A_78 : memref<1x8x128xi32, #tpu.memory_space<hbm>> -> memref<8x128xi32, #tpu.memory_space<hbm>>
      tpu.wait_dma2 semaphore(%arg11 : memref<!tpu.dma_semaphore, #tpu.memory_space<semaphore_mem>>) src(%dma_wait3A_79 : memref<8x128xi32, #tpu.memory_space<hbm>>) dst(%arg6 : memref<8x128xi32, #tpu.memory_space<vmem>>)
      %ne3A = arith.constant 0 : i32
      %ne3A_80 = arith.cmpi ne, %scan3A_69, %ne3A : i32
      %convert_element_type3A = arith.extui %ne3A_80 : i1 to i32
      %cond3A = arith.constant 0 : i32
      %cond3A_81 = arith.cmpi ne, %convert_element_type3A, %cond3A : i32
      scf.if %cond3A_81 {
        %dma_wait3A_251 = arith.constant 0 : i32
        %dma_wait3A_252 = arith.constant 0 : i32
        %dma_wait3A_253 = tpu.memref_slice %arg7[%dma_wait3A_251, %dma_wait3A_252] : memref<8x128xi32, #tpu.memory_space<vmem>> -> memref<1x128xi32, #tpu.memory_space<vmem>>
        %dma_wait3A_254 = tpu.memref_squeeze %dma_wait3A_253 : memref<1x128xi32, #tpu.memory_space<vmem>> -> memref<128xi32, #tpu.memory_space<vmem>>
        %dma_wait3A_255 = arith.constant 0 : i32
        %dma_wait3A_256 = tpu.memref_slice %arg9[%dma_wait3A_255] : memref<10240xf32, #tpu.memory_space<vmem_shared>> -> memref<10240xf32, #tpu.memory_space<vmem_shared>>
        tpu.wait_indirect_dma semaphore(%arg10 : memref<!tpu.dma_semaphore, #tpu.memory_space<semaphore_mem>>) src(%arg8 : memref<128xf32, #tpu.memory_space<vmem>>) dst(%dma_wait3A_256 : memref<10240xf32, #tpu.memory_space<vmem_shared>>)
        %dma_wait3A_257 = arith.constant 1 : i32
        %dma_wait3A_258 = arith.constant 0 : i32
        %dma_wait3A_259 = tpu.memref_slice %arg7[%dma_wait3A_257, %dma_wait3A_258] : memref<8x128xi32, #tpu.memory_space<vmem>> -> memref<1x128xi32, #tpu.memory_space<vmem>>
        %dma_wait3A_260 = tpu.memref_squeeze %dma_wait3A_259 : memref<1x128xi32, #tpu.memory_space<vmem>> -> memref<128xi32, #tpu.memory_space<vmem>>
        %dma_wait3A_261 = arith.constant 0 : i32
        %dma_wait3A_262 = tpu.memref_slice %arg9[%dma_wait3A_261] : memref<10240xf32, #tpu.memory_space<vmem_shared>> -> memref<10240xf32, #tpu.memory_space<vmem_shared>>
        tpu.wait_indirect_dma semaphore(%arg10 : memref<!tpu.dma_semaphore, #tpu.memory_space<semaphore_mem>>) src(%arg8 : memref<128xf32, #tpu.memory_space<vmem>>) dst(%dma_wait3A_262 : memref<10240xf32, #tpu.memory_space<vmem_shared>>)
        %dma_wait3A_263 = arith.constant 2 : i32
        %dma_wait3A_264 = arith.constant 0 : i32
        %dma_wait3A_265 = tpu.memref_slice %arg7[%dma_wait3A_263, %dma_wait3A_264] : memref<8x128xi32, #tpu.memory_space<vmem>> -> memref<1x128xi32, #tpu.memory_space<vmem>>
        %dma_wait3A_266 = tpu.memref_squeeze %dma_wait3A_265 : memref<1x128xi32, #tpu.memory_space<vmem>> -> memref<128xi32, #tpu.memory_space<vmem>>
        %dma_wait3A_267 = arith.constant 0 : i32
        %dma_wait3A_268 = tpu.memref_slice %arg9[%dma_wait3A_267] : memref<10240xf32, #tpu.memory_space<vmem_shared>> -> memref<10240xf32, #tpu.memory_space<vmem_shared>>
        tpu.wait_indirect_dma semaphore(%arg10 : memref<!tpu.dma_semaphore, #tpu.memory_space<semaphore_mem>>) src(%arg8 : memref<128xf32, #tpu.memory_space<vmem>>) dst(%dma_wait3A_268 : memref<10240xf32, #tpu.memory_space<vmem_shared>>)
        %dma_wait3A_269 = arith.constant 3 : i32
        %dma_wait3A_270 = arith.constant 0 : i32
        %dma_wait3A_271 = tpu.memref_slice %arg7[%dma_wait3A_269, %dma_wait3A_270] : memref<8x128xi32, #tpu.memory_space<vmem>> -> memref<1x128xi32, #tpu.memory_space<vmem>>
        %dma_wait3A_272 = tpu.memref_squeeze %dma_wait3A_271 : memref<1x128xi32, #tpu.memory_space<vmem>> -> memref<128xi32, #tpu.memory_space<vmem>>
        %dma_wait3A_273 = arith.constant 0 : i32
        %dma_wait3A_274 = tpu.memref_slice %arg9[%dma_wait3A_273] : memref<10240xf32, #tpu.memory_space<vmem_shared>> -> memref<10240xf32, #tpu.memory_space<vmem_shared>>
        tpu.wait_indirect_dma semaphore(%arg10 : memref<!tpu.dma_semaphore, #tpu.memory_space<semaphore_mem>>) src(%arg8 : memref<128xf32, #tpu.memory_space<vmem>>) dst(%dma_wait3A_274 : memref<10240xf32, #tpu.memory_space<vmem_shared>>)
        %dma_wait3A_275 = arith.constant 4 : i32
        %dma_wait3A_276 = arith.constant 0 : i32
        %dma_wait3A_277 = tpu.memref_slice %arg7[%dma_wait3A_275, %dma_wait3A_276] : memref<8x128xi32, #tpu.memory_space<vmem>> -> memref<1x128xi32, #tpu.memory_space<vmem>>
        %dma_wait3A_278 = tpu.memref_squeeze %dma_wait3A_277 : memref<1x128xi32, #tpu.memory_space<vmem>> -> memref<128xi32, #tpu.memory_space<vmem>>
        %dma_wait3A_279 = arith.constant 0 : i32
        %dma_wait3A_280 = tpu.memref_slice %arg9[%dma_wait3A_279] : memref<10240xf32, #tpu.memory_space<vmem_shared>> -> memref<10240xf32, #tpu.memory_space<vmem_shared>>
        tpu.wait_indirect_dma semaphore(%arg10 : memref<!tpu.dma_semaphore, #tpu.memory_space<semaphore_mem>>) src(%arg8 : memref<128xf32, #tpu.memory_space<vmem>>) dst(%dma_wait3A_280 : memref<10240xf32, #tpu.memory_space<vmem_shared>>)
        %dma_wait3A_281 = arith.constant 5 : i32
        %dma_wait3A_282 = arith.constant 0 : i32
        %dma_wait3A_283 = tpu.memref_slice %arg7[%dma_wait3A_281, %dma_wait3A_282] : memref<8x128xi32, #tpu.memory_space<vmem>> -> memref<1x128xi32, #tpu.memory_space<vmem>>
        %dma_wait3A_284 = tpu.memref_squeeze %dma_wait3A_283 : memref<1x128xi32, #tpu.memory_space<vmem>> -> memref<128xi32, #tpu.memory_space<vmem>>
        %dma_wait3A_285 = arith.constant 0 : i32
        %dma_wait3A_286 = tpu.memref_slice %arg9[%dma_wait3A_285] : memref<10240xf32, #tpu.memory_space<vmem_shared>> -> memref<10240xf32, #tpu.memory_space<vmem_shared>>
        tpu.wait_indirect_dma semaphore(%arg10 : memref<!tpu.dma_semaphore, #tpu.memory_space<semaphore_mem>>) src(%arg8 : memref<128xf32, #tpu.memory_space<vmem>>) dst(%dma_wait3A_286 : memref<10240xf32, #tpu.memory_space<vmem_shared>>)
        %dma_wait3A_287 = arith.constant 6 : i32
        %dma_wait3A_288 = arith.constant 0 : i32
        %dma_wait3A_289 = tpu.memref_slice %arg7[%dma_wait3A_287, %dma_wait3A_288] : memref<8x128xi32, #tpu.memory_space<vmem>> -> memref<1x128xi32, #tpu.memory_space<vmem>>
        %dma_wait3A_290 = tpu.memref_squeeze %dma_wait3A_289 : memref<1x128xi32, #tpu.memory_space<vmem>> -> memref<128xi32, #tpu.memory_space<vmem>>
        %dma_wait3A_291 = arith.constant 0 : i32
        %dma_wait3A_292 = tpu.memref_slice %arg9[%dma_wait3A_291] : memref<10240xf32, #tpu.memory_space<vmem_shared>> -> memref<10240xf32, #tpu.memory_space<vmem_shared>>
        tpu.wait_indirect_dma semaphore(%arg10 : memref<!tpu.dma_semaphore, #tpu.memory_space<semaphore_mem>>) src(%arg8 : memref<128xf32, #tpu.memory_space<vmem>>) dst(%dma_wait3A_292 : memref<10240xf32, #tpu.memory_space<vmem_shared>>)
        %dma_wait3A_293 = arith.constant 7 : i32
        %dma_wait3A_294 = arith.constant 0 : i32
        %dma_wait3A_295 = tpu.memref_slice %arg7[%dma_wait3A_293, %dma_wait3A_294] : memref<8x128xi32, #tpu.memory_space<vmem>> -> memref<1x128xi32, #tpu.memory_space<vmem>>
        %dma_wait3A_296 = tpu.memref_squeeze %dma_wait3A_295 : memref<1x128xi32, #tpu.memory_space<vmem>> -> memref<128xi32, #tpu.memory_space<vmem>>
        %dma_wait3A_297 = arith.constant 0 : i32
        %dma_wait3A_298 = tpu.memref_slice %arg9[%dma_wait3A_297] : memref<10240xf32, #tpu.memory_space<vmem_shared>> -> memref<10240xf32, #tpu.memory_space<vmem_shared>>
        tpu.wait_indirect_dma semaphore(%arg10 : memref<!tpu.dma_semaphore, #tpu.memory_space<semaphore_mem>>) src(%arg8 : memref<128xf32, #tpu.memory_space<vmem>>) dst(%dma_wait3A_298 : memref<10240xf32, #tpu.memory_space<vmem_shared>>)
      } else {
      }
      %mul3A_82 = arith.constant 16 : i32
      %mul3A_83 = arith.muli %mul3A_82, %scan3A_69 : i32
      %add3A_84 = arith.constant 8 : i32
      %add3A_85 = arith.addi %mul3A_83, %add3A_84 : i32
      %dma_start3A_86 = arith.constant 0 : i32
      %dma_start3A_87 = tpu.memref_slice %arg2[%add3A, %add3A_85, %dma_start3A_86] : memref<32x80x128xi32, #tpu.memory_space<hbm>> -> memref<1x8x128xi32, #tpu.memory_space<hbm>>
      %dma_start3A_88 = tpu.memref_squeeze %dma_start3A_87 : memref<1x8x128xi32, #tpu.memory_space<hbm>> -> memref<8x128xi32, #tpu.memory_space<hbm>>
      %dma_start3A_89 = arith.constant 0 : i32
      %dma_start3A_90 = tpu.memref_slice %arg2[%add3A, %add3A_85, %dma_start3A_89] : memref<32x80x128xi32, #tpu.memory_space<hbm>> -> memref<1x8x128xi32, #tpu.memory_space<hbm>>
      %dma_start3A_91 = tpu.memref_squeeze %dma_start3A_90 : memref<1x8x128xi32, #tpu.memory_space<hbm>> -> memref<8x128xi32, #tpu.memory_space<hbm>>
      tpu.enqueue_dma source(%dma_start3A_91 : memref<8x128xi32, #tpu.memory_space<hbm>>) target(%arg7 : memref<8x128xi32, #tpu.memory_space<vmem>>) target_semaphore(%arg11 : memref<!tpu.dma_semaphore, #tpu.memory_space<semaphore_mem>>)
      %dma_start3A_92 = arith.constant 0 : i32
      %dma_start3A_93 = arith.constant 0 : i32
      %dma_start3A_94 = tpu.memref_slice %arg6[%dma_start3A_92, %dma_start3A_93] : memref<8x128xi32, #tpu.memory_space<vmem>> -> memref<1x128xi32, #tpu.memory_space<vmem>>
      %dma_start3A_95 = tpu.memref_squeeze %dma_start3A_94 : memref<1x128xi32, #tpu.memory_space<vmem>> -> memref<128xi32, #tpu.memory_space<vmem>>
      %dma_start3A_96 = arith.constant 0 : i32
      %dma_start3A_97 = tpu.memref_slice %arg9[%dma_start3A_96] : memref<10240xf32, #tpu.memory_space<vmem_shared>> -> memref<10240xf32, #tpu.memory_space<vmem_shared>>
      tpu.enqueue_indirect_dma source(%arg8 : memref<128xf32, #tpu.memory_space<vmem>>) target(%dma_start3A_97 : memref<10240xf32, #tpu.memory_space<vmem_shared>>) offsets(%dma_start3A_95 : memref<128xi32, #tpu.memory_space<vmem>>) semaphore(%arg10 : memref<!tpu.dma_semaphore, #tpu.memory_space<semaphore_mem>>) {add = true}
      %dma_start3A_98 = arith.constant 1 : i32
      %dma_start3A_99 = arith.constant 0 : i32
      %dma_start3A_100 = tpu.memref_slice %arg6[%dma_start3A_98, %dma_start3A_99] : memref<8x128xi32, #tpu.memory_space<vmem>> -> memref<1x128xi32, #tpu.memory_space<vmem>>
      %dma_start3A_101 = tpu.memref_squeeze %dma_start3A_100 : memref<1x128xi32, #tpu.memory_space<vmem>> -> memref<128xi32, #tpu.memory_space<vmem>>
      %dma_start3A_102 = arith.constant 0 : i32
      %dma_start3A_103 = tpu.memref_slice %arg9[%dma_start3A_102] : memref<10240xf32, #tpu.memory_space<vmem_shared>> -> memref<10240xf32, #tpu.memory_space<vmem_shared>>
      tpu.enqueue_indirect_dma source(%arg8 : memref<128xf32, #tpu.memory_space<vmem>>) target(%dma_start3A_103 : memref<10240xf32, #tpu.memory_space<vmem_shared>>) offsets(%dma_start3A_101 : memref<128xi32, #tpu.memory_space<vmem>>) semaphore(%arg10 : memref<!tpu.dma_semaphore, #tpu.memory_space<semaphore_mem>>) {add = true}
      %dma_start3A_104 = arith.constant 2 : i32
      %dma_start3A_105 = arith.constant 0 : i32
      %dma_start3A_106 = tpu.memref_slice %arg6[%dma_start3A_104, %dma_start3A_105] : memref<8x128xi32, #tpu.memory_space<vmem>> -> memref<1x128xi32, #tpu.memory_space<vmem>>
      %dma_start3A_107 = tpu.memref_squeeze %dma_start3A_106 : memref<1x128xi32, #tpu.memory_space<vmem>> -> memref<128xi32, #tpu.memory_space<vmem>>
      %dma_start3A_108 = arith.constant 0 : i32
      %dma_start3A_109 = tpu.memref_slice %arg9[%dma_start3A_108] : memref<10240xf32, #tpu.memory_space<vmem_shared>> -> memref<10240xf32, #tpu.memory_space<vmem_shared>>
      tpu.enqueue_indirect_dma source(%arg8 : memref<128xf32, #tpu.memory_space<vmem>>) target(%dma_start3A_109 : memref<10240xf32, #tpu.memory_space<vmem_shared>>) offsets(%dma_start3A_107 : memref<128xi32, #tpu.memory_space<vmem>>) semaphore(%arg10 : memref<!tpu.dma_semaphore, #tpu.memory_space<semaphore_mem>>) {add = true}
      %dma_start3A_110 = arith.constant 3 : i32
      %dma_start3A_111 = arith.constant 0 : i32
      %dma_start3A_112 = tpu.memref_slice %arg6[%dma_start3A_110, %dma_start3A_111] : memref<8x128xi32, #tpu.memory_space<vmem>> -> memref<1x128xi32, #tpu.memory_space<vmem>>
      %dma_start3A_113 = tpu.memref_squeeze %dma_start3A_112 : memref<1x128xi32, #tpu.memory_space<vmem>> -> memref<128xi32, #tpu.memory_space<vmem>>
      %dma_start3A_114 = arith.constant 0 : i32
      %dma_start3A_115 = tpu.memref_slice %arg9[%dma_start3A_114] : memref<10240xf32, #tpu.memory_space<vmem_shared>> -> memref<10240xf32, #tpu.memory_space<vmem_shared>>
      tpu.enqueue_indirect_dma source(%arg8 : memref<128xf32, #tpu.memory_space<vmem>>) target(%dma_start3A_115 : memref<10240xf32, #tpu.memory_space<vmem_shared>>) offsets(%dma_start3A_113 : memref<128xi32, #tpu.memory_space<vmem>>) semaphore(%arg10 : memref<!tpu.dma_semaphore, #tpu.memory_space<semaphore_mem>>) {add = true}
      %dma_start3A_116 = arith.constant 4 : i32
      %dma_start3A_117 = arith.constant 0 : i32
      %dma_start3A_118 = tpu.memref_slice %arg6[%dma_start3A_116, %dma_start3A_117] : memref<8x128xi32, #tpu.memory_space<vmem>> -> memref<1x128xi32, #tpu.memory_space<vmem>>
      %dma_start3A_119 = tpu.memref_squeeze %dma_start3A_118 : memref<1x128xi32, #tpu.memory_space<vmem>> -> memref<128xi32, #tpu.memory_space<vmem>>
      %dma_start3A_120 = arith.constant 0 : i32
      %dma_start3A_121 = tpu.memref_slice %arg9[%dma_start3A_120] : memref<10240xf32, #tpu.memory_space<vmem_shared>> -> memref<10240xf32, #tpu.memory_space<vmem_shared>>
      tpu.enqueue_indirect_dma source(%arg8 : memref<128xf32, #tpu.memory_space<vmem>>) target(%dma_start3A_121 : memref<10240xf32, #tpu.memory_space<vmem_shared>>) offsets(%dma_start3A_119 : memref<128xi32, #tpu.memory_space<vmem>>) semaphore(%arg10 : memref<!tpu.dma_semaphore, #tpu.memory_space<semaphore_mem>>) {add = true}
      %dma_start3A_122 = arith.constant 5 : i32
      %dma_start3A_123 = arith.constant 0 : i32
      %dma_start3A_124 = tpu.memref_slice %arg6[%dma_start3A_122, %dma_start3A_123] : memref<8x128xi32, #tpu.memory_space<vmem>> -> memref<1x128xi32, #tpu.memory_space<vmem>>
      %dma_start3A_125 = tpu.memref_squeeze %dma_start3A_124 : memref<1x128xi32, #tpu.memory_space<vmem>> -> memref<128xi32, #tpu.memory_space<vmem>>
      %dma_start3A_126 = arith.constant 0 : i32
      %dma_start3A_127 = tpu.memref_slice %arg9[%dma_start3A_126] : memref<10240xf32, #tpu.memory_space<vmem_shared>> -> memref<10240xf32, #tpu.memory_space<vmem_shared>>
      tpu.enqueue_indirect_dma source(%arg8 : memref<128xf32, #tpu.memory_space<vmem>>) target(%dma_start3A_127 : memref<10240xf32, #tpu.memory_space<vmem_shared>>) offsets(%dma_start3A_125 : memref<128xi32, #tpu.memory_space<vmem>>) semaphore(%arg10 : memref<!tpu.dma_semaphore, #tpu.memory_space<semaphore_mem>>) {add = true}
      %dma_start3A_128 = arith.constant 6 : i32
      %dma_start3A_129 = arith.constant 0 : i32
      %dma_start3A_130 = tpu.memref_slice %arg6[%dma_start3A_128, %dma_start3A_129] : memref<8x128xi32, #tpu.memory_space<vmem>> -> memref<1x128xi32, #tpu.memory_space<vmem>>
      %dma_start3A_131 = tpu.memref_squeeze %dma_start3A_130 : memref<1x128xi32, #tpu.memory_space<vmem>> -> memref<128xi32, #tpu.memory_space<vmem>>
      %dma_start3A_132 = arith.constant 0 : i32
      %dma_start3A_133 = tpu.memref_slice %arg9[%dma_start3A_132] : memref<10240xf32, #tpu.memory_space<vmem_shared>> -> memref<10240xf32, #tpu.memory_space<vmem_shared>>
      tpu.enqueue_indirect_dma source(%arg8 : memref<128xf32, #tpu.memory_space<vmem>>) target(%dma_start3A_133 : memref<10240xf32, #tpu.memory_space<vmem_shared>>) offsets(%dma_start3A_131 : memref<128xi32, #tpu.memory_space<vmem>>) semaphore(%arg10 : memref<!tpu.dma_semaphore, #tpu.memory_space<semaphore_mem>>) {add = true}
      %dma_start3A_134 = arith.constant 7 : i32
      %dma_start3A_135 = arith.constant 0 : i32
      %dma_start3A_136 = tpu.memref_slice %arg6[%dma_start3A_134, %dma_start3A_135] : memref<8x128xi32, #tpu.memory_space<vmem>> -> memref<1x128xi32, #tpu.memory_space<vmem>>
      %dma_start3A_137 = tpu.memref_squeeze %dma_start3A_136 : memref<1x128xi32, #tpu.memory_space<vmem>> -> memref<128xi32, #tpu.memory_space<vmem>>
      %dma_start3A_138 = arith.constant 0 : i32
      %dma_start3A_139 = tpu.memref_slice %arg9[%dma_start3A_138] : memref<10240xf32, #tpu.memory_space<vmem_shared>> -> memref<10240xf32, #tpu.memory_space<vmem_shared>>
      tpu.enqueue_indirect_dma source(%arg8 : memref<128xf32, #tpu.memory_space<vmem>>) target(%dma_start3A_139 : memref<10240xf32, #tpu.memory_space<vmem_shared>>) offsets(%dma_start3A_137 : memref<128xi32, #tpu.memory_space<vmem>>) semaphore(%arg10 : memref<!tpu.dma_semaphore, #tpu.memory_space<semaphore_mem>>) {add = true}
      %mul3A_140 = arith.constant 16 : i32
      %mul3A_141 = arith.muli %mul3A_140, %scan3A_69 : i32
      %add3A_142 = arith.constant 8 : i32
      %add3A_143 = arith.addi %mul3A_141, %add3A_142 : i32
      %dma_wait3A_144 = arith.constant 0 : i32
      %dma_wait3A_145 = tpu.memref_slice %arg2[%add3A, %add3A_143, %dma_wait3A_144] : memref<32x80x128xi32, #tpu.memory_space<hbm>> -> memref<1x8x128xi32, #tpu.memory_space<hbm>>
      %dma_wait3A_146 = tpu.memref_squeeze %dma_wait3A_145 : memref<1x8x128xi32, #tpu.memory_space<hbm>> -> memref<8x128xi32, #tpu.memory_space<hbm>>
      %dma_wait3A_147 = arith.constant 0 : i32
      %dma_wait3A_148 = tpu.memref_slice %arg2[%add3A, %add3A_143, %dma_wait3A_147] : memref<32x80x128xi32, #tpu.memory_space<hbm>> -> memref<1x8x128xi32, #tpu.memory_space<hbm>>
      %dma_wait3A_149 = tpu.memref_squeeze %dma_wait3A_148 : memref<1x8x128xi32, #tpu.memory_space<hbm>> -> memref<8x128xi32, #tpu.memory_space<hbm>>
      tpu.wait_dma2 semaphore(%arg11 : memref<!tpu.dma_semaphore, #tpu.memory_space<semaphore_mem>>) src(%dma_wait3A_149 : memref<8x128xi32, #tpu.memory_space<hbm>>) dst(%arg7 : memref<8x128xi32, #tpu.memory_space<vmem>>)
      %dma_wait3A_150 = arith.constant 0 : i32
      %dma_wait3A_151 = arith.constant 0 : i32
      %dma_wait3A_152 = tpu.memref_slice %arg6[%dma_wait3A_150, %dma_wait3A_151] : memref<8x128xi32, #tpu.memory_space<vmem>> -> memref<1x128xi32, #tpu.memory_space<vmem>>
      %dma_wait3A_153 = tpu.memref_squeeze %dma_wait3A_152 : memref<1x128xi32, #tpu.memory_space<vmem>> -> memref<128xi32, #tpu.memory_space<vmem>>
      %dma_wait3A_154 = arith.constant 0 : i32
      %dma_wait3A_155 = tpu.memref_slice %arg9[%dma_wait3A_154] : memref<10240xf32, #tpu.memory_space<vmem_shared>> -> memref<10240xf32, #tpu.memory_space<vmem_shared>>
      tpu.wait_indirect_dma semaphore(%arg10 : memref<!tpu.dma_semaphore, #tpu.memory_space<semaphore_mem>>) src(%arg8 : memref<128xf32, #tpu.memory_space<vmem>>) dst(%dma_wait3A_155 : memref<10240xf32, #tpu.memory_space<vmem_shared>>)
      %dma_wait3A_156 = arith.constant 1 : i32
      %dma_wait3A_157 = arith.constant 0 : i32
      %dma_wait3A_158 = tpu.memref_slice %arg6[%dma_wait3A_156, %dma_wait3A_157] : memref<8x128xi32, #tpu.memory_space<vmem>> -> memref<1x128xi32, #tpu.memory_space<vmem>>
      %dma_wait3A_159 = tpu.memref_squeeze %dma_wait3A_158 : memref<1x128xi32, #tpu.memory_space<vmem>> -> memref<128xi32, #tpu.memory_space<vmem>>
      %dma_wait3A_160 = arith.constant 0 : i32
      %dma_wait3A_161 = tpu.memref_slice %arg9[%dma_wait3A_160] : memref<10240xf32, #tpu.memory_space<vmem_shared>> -> memref<10240xf32, #tpu.memory_space<vmem_shared>>
      tpu.wait_indirect_dma semaphore(%arg10 : memref<!tpu.dma_semaphore, #tpu.memory_space<semaphore_mem>>) src(%arg8 : memref<128xf32, #tpu.memory_space<vmem>>) dst(%dma_wait3A_161 : memref<10240xf32, #tpu.memory_space<vmem_shared>>)
      %dma_wait3A_162 = arith.constant 2 : i32
      %dma_wait3A_163 = arith.constant 0 : i32
      %dma_wait3A_164 = tpu.memref_slice %arg6[%dma_wait3A_162, %dma_wait3A_163] : memref<8x128xi32, #tpu.memory_space<vmem>> -> memref<1x128xi32, #tpu.memory_space<vmem>>
      %dma_wait3A_165 = tpu.memref_squeeze %dma_wait3A_164 : memref<1x128xi32, #tpu.memory_space<vmem>> -> memref<128xi32, #tpu.memory_space<vmem>>
      %dma_wait3A_166 = arith.constant 0 : i32
      %dma_wait3A_167 = tpu.memref_slice %arg9[%dma_wait3A_166] : memref<10240xf32, #tpu.memory_space<vmem_shared>> -> memref<10240xf32, #tpu.memory_space<vmem_shared>>
      tpu.wait_indirect_dma semaphore(%arg10 : memref<!tpu.dma_semaphore, #tpu.memory_space<semaphore_mem>>) src(%arg8 : memref<128xf32, #tpu.memory_space<vmem>>) dst(%dma_wait3A_167 : memref<10240xf32, #tpu.memory_space<vmem_shared>>)
      %dma_wait3A_168 = arith.constant 3 : i32
      %dma_wait3A_169 = arith.constant 0 : i32
      %dma_wait3A_170 = tpu.memref_slice %arg6[%dma_wait3A_168, %dma_wait3A_169] : memref<8x128xi32, #tpu.memory_space<vmem>> -> memref<1x128xi32, #tpu.memory_space<vmem>>
      %dma_wait3A_171 = tpu.memref_squeeze %dma_wait3A_170 : memref<1x128xi32, #tpu.memory_space<vmem>> -> memref<128xi32, #tpu.memory_space<vmem>>
      %dma_wait3A_172 = arith.constant 0 : i32
      %dma_wait3A_173 = tpu.memref_slice %arg9[%dma_wait3A_172] : memref<10240xf32, #tpu.memory_space<vmem_shared>> -> memref<10240xf32, #tpu.memory_space<vmem_shared>>
      tpu.wait_indirect_dma semaphore(%arg10 : memref<!tpu.dma_semaphore, #tpu.memory_space<semaphore_mem>>) src(%arg8 : memref<128xf32, #tpu.memory_space<vmem>>) dst(%dma_wait3A_173 : memref<10240xf32, #tpu.memory_space<vmem_shared>>)
      %dma_wait3A_174 = arith.constant 4 : i32
      %dma_wait3A_175 = arith.constant 0 : i32
      %dma_wait3A_176 = tpu.memref_slice %arg6[%dma_wait3A_174, %dma_wait3A_175] : memref<8x128xi32, #tpu.memory_space<vmem>> -> memref<1x128xi32, #tpu.memory_space<vmem>>
      %dma_wait3A_177 = tpu.memref_squeeze %dma_wait3A_176 : memref<1x128xi32, #tpu.memory_space<vmem>> -> memref<128xi32, #tpu.memory_space<vmem>>
      %dma_wait3A_178 = arith.constant 0 : i32
      %dma_wait3A_179 = tpu.memref_slice %arg9[%dma_wait3A_178] : memref<10240xf32, #tpu.memory_space<vmem_shared>> -> memref<10240xf32, #tpu.memory_space<vmem_shared>>
      tpu.wait_indirect_dma semaphore(%arg10 : memref<!tpu.dma_semaphore, #tpu.memory_space<semaphore_mem>>) src(%arg8 : memref<128xf32, #tpu.memory_space<vmem>>) dst(%dma_wait3A_179 : memref<10240xf32, #tpu.memory_space<vmem_shared>>)
      %dma_wait3A_180 = arith.constant 5 : i32
      %dma_wait3A_181 = arith.constant 0 : i32
      %dma_wait3A_182 = tpu.memref_slice %arg6[%dma_wait3A_180, %dma_wait3A_181] : memref<8x128xi32, #tpu.memory_space<vmem>> -> memref<1x128xi32, #tpu.memory_space<vmem>>
      %dma_wait3A_183 = tpu.memref_squeeze %dma_wait3A_182 : memref<1x128xi32, #tpu.memory_space<vmem>> -> memref<128xi32, #tpu.memory_space<vmem>>
      %dma_wait3A_184 = arith.constant 0 : i32
      %dma_wait3A_185 = tpu.memref_slice %arg9[%dma_wait3A_184] : memref<10240xf32, #tpu.memory_space<vmem_shared>> -> memref<10240xf32, #tpu.memory_space<vmem_shared>>
      tpu.wait_indirect_dma semaphore(%arg10 : memref<!tpu.dma_semaphore, #tpu.memory_space<semaphore_mem>>) src(%arg8 : memref<128xf32, #tpu.memory_space<vmem>>) dst(%dma_wait3A_185 : memref<10240xf32, #tpu.memory_space<vmem_shared>>)
      %dma_wait3A_186 = arith.constant 6 : i32
      %dma_wait3A_187 = arith.constant 0 : i32
      %dma_wait3A_188 = tpu.memref_slice %arg6[%dma_wait3A_186, %dma_wait3A_187] : memref<8x128xi32, #tpu.memory_space<vmem>> -> memref<1x128xi32, #tpu.memory_space<vmem>>
      %dma_wait3A_189 = tpu.memref_squeeze %dma_wait3A_188 : memref<1x128xi32, #tpu.memory_space<vmem>> -> memref<128xi32, #tpu.memory_space<vmem>>
      %dma_wait3A_190 = arith.constant 0 : i32
      %dma_wait3A_191 = tpu.memref_slice %arg9[%dma_wait3A_190] : memref<10240xf32, #tpu.memory_space<vmem_shared>> -> memref<10240xf32, #tpu.memory_space<vmem_shared>>
      tpu.wait_indirect_dma semaphore(%arg10 : memref<!tpu.dma_semaphore, #tpu.memory_space<semaphore_mem>>) src(%arg8 : memref<128xf32, #tpu.memory_space<vmem>>) dst(%dma_wait3A_191 : memref<10240xf32, #tpu.memory_space<vmem_shared>>)
      %dma_wait3A_192 = arith.constant 7 : i32
      %dma_wait3A_193 = arith.constant 0 : i32
      %dma_wait3A_194 = tpu.memref_slice %arg6[%dma_wait3A_192, %dma_wait3A_193] : memref<8x128xi32, #tpu.memory_space<vmem>> -> memref<1x128xi32, #tpu.memory_space<vmem>>
      %dma_wait3A_195 = tpu.memref_squeeze %dma_wait3A_194 : memref<1x128xi32, #tpu.memory_space<vmem>> -> memref<128xi32, #tpu.memory_space<vmem>>
      %dma_wait3A_196 = arith.constant 0 : i32
      %dma_wait3A_197 = tpu.memref_slice %arg9[%dma_wait3A_196] : memref<10240xf32, #tpu.memory_space<vmem_shared>> -> memref<10240xf32, #tpu.memory_space<vmem_shared>>
      tpu.wait_indirect_dma semaphore(%arg10 : memref<!tpu.dma_semaphore, #tpu.memory_space<semaphore_mem>>) src(%arg8 : memref<128xf32, #tpu.memory_space<vmem>>) dst(%dma_wait3A_197 : memref<10240xf32, #tpu.memory_space<vmem_shared>>)
      %ne3A_198 = arith.constant 4 : i32
      %ne3A_199 = arith.cmpi ne, %scan3A_69, %ne3A_198 : i32
      %convert_element_type3A_200 = arith.extui %ne3A_199 : i1 to i32
      %cond3A_201 = arith.constant 0 : i32
      %cond3A_202 = arith.cmpi ne, %convert_element_type3A_200, %cond3A_201 : i32
      scf.if %cond3A_202 {
        %mul3A_251 = arith.constant 16 : i32
        %mul3A_252 = arith.muli %mul3A_251, %scan3A_69 : i32
        %add3A_253 = arith.constant 16 : i32
        %add3A_254 = arith.addi %mul3A_252, %add3A_253 : i32
        %dma_start3A_255 = arith.constant 0 : i32
        %dma_start3A_256 = tpu.memref_slice %arg2[%add3A, %add3A_254, %dma_start3A_255] : memref<32x80x128xi32, #tpu.memory_space<hbm>> -> memref<1x8x128xi32, #tpu.memory_space<hbm>>
        %dma_start3A_257 = tpu.memref_squeeze %dma_start3A_256 : memref<1x8x128xi32, #tpu.memory_space<hbm>> -> memref<8x128xi32, #tpu.memory_space<hbm>>
        %dma_start3A_258 = arith.constant 0 : i32
        %dma_start3A_259 = tpu.memref_slice %arg2[%add3A, %add3A_254, %dma_start3A_258] : memref<32x80x128xi32, #tpu.memory_space<hbm>> -> memref<1x8x128xi32, #tpu.memory_space<hbm>>
        %dma_start3A_260 = tpu.memref_squeeze %dma_start3A_259 : memref<1x8x128xi32, #tpu.memory_space<hbm>> -> memref<8x128xi32, #tpu.memory_space<hbm>>
        tpu.enqueue_dma source(%dma_start3A_260 : memref<8x128xi32, #tpu.memory_space<hbm>>) target(%arg6 : memref<8x128xi32, #tpu.memory_space<vmem>>) target_semaphore(%arg11 : memref<!tpu.dma_semaphore, #tpu.memory_space<semaphore_mem>>)
      } else {
      }
      %dma_start3A_203 = arith.constant 0 : i32
      %dma_start3A_204 = arith.constant 0 : i32
      %dma_start3A_205 = tpu.memref_slice %arg7[%dma_start3A_203, %dma_start3A_204] : memref<8x128xi32, #tpu.memory_space<vmem>> -> memref<1x128xi32, #tpu.memory_space<vmem>>
      %dma_start3A_206 = tpu.memref_squeeze %dma_start3A_205 : memref<1x128xi32, #tpu.memory_space<vmem>> -> memref<128xi32, #tpu.memory_space<vmem>>
      %dma_start3A_207 = arith.constant 0 : i32
      %dma_start3A_208 = tpu.memref_slice %arg9[%dma_start3A_207] : memref<10240xf32, #tpu.memory_space<vmem_shared>> -> memref<10240xf32, #tpu.memory_space<vmem_shared>>
      tpu.enqueue_indirect_dma source(%arg8 : memref<128xf32, #tpu.memory_space<vmem>>) target(%dma_start3A_208 : memref<10240xf32, #tpu.memory_space<vmem_shared>>) offsets(%dma_start3A_206 : memref<128xi32, #tpu.memory_space<vmem>>) semaphore(%arg10 : memref<!tpu.dma_semaphore, #tpu.memory_space<semaphore_mem>>) {add = true}
      %dma_start3A_209 = arith.constant 1 : i32
      %dma_start3A_210 = arith.constant 0 : i32
      %dma_start3A_211 = tpu.memref_slice %arg7[%dma_start3A_209, %dma_start3A_210] : memref<8x128xi32, #tpu.memory_space<vmem>> -> memref<1x128xi32, #tpu.memory_space<vmem>>
      %dma_start3A_212 = tpu.memref_squeeze %dma_start3A_211 : memref<1x128xi32, #tpu.memory_space<vmem>> -> memref<128xi32, #tpu.memory_space<vmem>>
      %dma_start3A_213 = arith.constant 0 : i32
      %dma_start3A_214 = tpu.memref_slice %arg9[%dma_start3A_213] : memref<10240xf32, #tpu.memory_space<vmem_shared>> -> memref<10240xf32, #tpu.memory_space<vmem_shared>>
      tpu.enqueue_indirect_dma source(%arg8 : memref<128xf32, #tpu.memory_space<vmem>>) target(%dma_start3A_214 : memref<10240xf32, #tpu.memory_space<vmem_shared>>) offsets(%dma_start3A_212 : memref<128xi32, #tpu.memory_space<vmem>>) semaphore(%arg10 : memref<!tpu.dma_semaphore, #tpu.memory_space<semaphore_mem>>) {add = true}
      %dma_start3A_215 = arith.constant 2 : i32
      %dma_start3A_216 = arith.constant 0 : i32
      %dma_start3A_217 = tpu.memref_slice %arg7[%dma_start3A_215, %dma_start3A_216] : memref<8x128xi32, #tpu.memory_space<vmem>> -> memref<1x128xi32, #tpu.memory_space<vmem>>
      %dma_start3A_218 = tpu.memref_squeeze %dma_start3A_217 : memref<1x128xi32, #tpu.memory_space<vmem>> -> memref<128xi32, #tpu.memory_space<vmem>>
      %dma_start3A_219 = arith.constant 0 : i32
      %dma_start3A_220 = tpu.memref_slice %arg9[%dma_start3A_219] : memref<10240xf32, #tpu.memory_space<vmem_shared>> -> memref<10240xf32, #tpu.memory_space<vmem_shared>>
      tpu.enqueue_indirect_dma source(%arg8 : memref<128xf32, #tpu.memory_space<vmem>>) target(%dma_start3A_220 : memref<10240xf32, #tpu.memory_space<vmem_shared>>) offsets(%dma_start3A_218 : memref<128xi32, #tpu.memory_space<vmem>>) semaphore(%arg10 : memref<!tpu.dma_semaphore, #tpu.memory_space<semaphore_mem>>) {add = true}
      %dma_start3A_221 = arith.constant 3 : i32
      %dma_start3A_222 = arith.constant 0 : i32
      %dma_start3A_223 = tpu.memref_slice %arg7[%dma_start3A_221, %dma_start3A_222] : memref<8x128xi32, #tpu.memory_space<vmem>> -> memref<1x128xi32, #tpu.memory_space<vmem>>
      %dma_start3A_224 = tpu.memref_squeeze %dma_start3A_223 : memref<1x128xi32, #tpu.memory_space<vmem>> -> memref<128xi32, #tpu.memory_space<vmem>>
      %dma_start3A_225 = arith.constant 0 : i32
      %dma_start3A_226 = tpu.memref_slice %arg9[%dma_start3A_225] : memref<10240xf32, #tpu.memory_space<vmem_shared>> -> memref<10240xf32, #tpu.memory_space<vmem_shared>>
      tpu.enqueue_indirect_dma source(%arg8 : memref<128xf32, #tpu.memory_space<vmem>>) target(%dma_start3A_226 : memref<10240xf32, #tpu.memory_space<vmem_shared>>) offsets(%dma_start3A_224 : memref<128xi32, #tpu.memory_space<vmem>>) semaphore(%arg10 : memref<!tpu.dma_semaphore, #tpu.memory_space<semaphore_mem>>) {add = true}
      %dma_start3A_227 = arith.constant 4 : i32
      %dma_start3A_228 = arith.constant 0 : i32
      %dma_start3A_229 = tpu.memref_slice %arg7[%dma_start3A_227, %dma_start3A_228] : memref<8x128xi32, #tpu.memory_space<vmem>> -> memref<1x128xi32, #tpu.memory_space<vmem>>
      %dma_start3A_230 = tpu.memref_squeeze %dma_start3A_229 : memref<1x128xi32, #tpu.memory_space<vmem>> -> memref<128xi32, #tpu.memory_space<vmem>>
      %dma_start3A_231 = arith.constant 0 : i32
      %dma_start3A_232 = tpu.memref_slice %arg9[%dma_start3A_231] : memref<10240xf32, #tpu.memory_space<vmem_shared>> -> memref<10240xf32, #tpu.memory_space<vmem_shared>>
      tpu.enqueue_indirect_dma source(%arg8 : memref<128xf32, #tpu.memory_space<vmem>>) target(%dma_start3A_232 : memref<10240xf32, #tpu.memory_space<vmem_shared>>) offsets(%dma_start3A_230 : memref<128xi32, #tpu.memory_space<vmem>>) semaphore(%arg10 : memref<!tpu.dma_semaphore, #tpu.memory_space<semaphore_mem>>) {add = true}
      %dma_start3A_233 = arith.constant 5 : i32
      %dma_start3A_234 = arith.constant 0 : i32
      %dma_start3A_235 = tpu.memref_slice %arg7[%dma_start3A_233, %dma_start3A_234] : memref<8x128xi32, #tpu.memory_space<vmem>> -> memref<1x128xi32, #tpu.memory_space<vmem>>
      %dma_start3A_236 = tpu.memref_squeeze %dma_start3A_235 : memref<1x128xi32, #tpu.memory_space<vmem>> -> memref<128xi32, #tpu.memory_space<vmem>>
      %dma_start3A_237 = arith.constant 0 : i32
      %dma_start3A_238 = tpu.memref_slice %arg9[%dma_start3A_237] : memref<10240xf32, #tpu.memory_space<vmem_shared>> -> memref<10240xf32, #tpu.memory_space<vmem_shared>>
      tpu.enqueue_indirect_dma source(%arg8 : memref<128xf32, #tpu.memory_space<vmem>>) target(%dma_start3A_238 : memref<10240xf32, #tpu.memory_space<vmem_shared>>) offsets(%dma_start3A_236 : memref<128xi32, #tpu.memory_space<vmem>>) semaphore(%arg10 : memref<!tpu.dma_semaphore, #tpu.memory_space<semaphore_mem>>) {add = true}
      %dma_start3A_239 = arith.constant 6 : i32
      %dma_start3A_240 = arith.constant 0 : i32
      %dma_start3A_241 = tpu.memref_slice %arg7[%dma_start3A_239, %dma_start3A_240] : memref<8x128xi32, #tpu.memory_space<vmem>> -> memref<1x128xi32, #tpu.memory_space<vmem>>
      %dma_start3A_242 = tpu.memref_squeeze %dma_start3A_241 : memref<1x128xi32, #tpu.memory_space<vmem>> -> memref<128xi32, #tpu.memory_space<vmem>>
      %dma_start3A_243 = arith.constant 0 : i32
      %dma_start3A_244 = tpu.memref_slice %arg9[%dma_start3A_243] : memref<10240xf32, #tpu.memory_space<vmem_shared>> -> memref<10240xf32, #tpu.memory_space<vmem_shared>>
      tpu.enqueue_indirect_dma source(%arg8 : memref<128xf32, #tpu.memory_space<vmem>>) target(%dma_start3A_244 : memref<10240xf32, #tpu.memory_space<vmem_shared>>) offsets(%dma_start3A_242 : memref<128xi32, #tpu.memory_space<vmem>>) semaphore(%arg10 : memref<!tpu.dma_semaphore, #tpu.memory_space<semaphore_mem>>) {add = true}
      %dma_start3A_245 = arith.constant 7 : i32
      %dma_start3A_246 = arith.constant 0 : i32
      %dma_start3A_247 = tpu.memref_slice %arg7[%dma_start3A_245, %dma_start3A_246] : memref<8x128xi32, #tpu.memory_space<vmem>> -> memref<1x128xi32, #tpu.memory_space<vmem>>
      %dma_start3A_248 = tpu.memref_squeeze %dma_start3A_247 : memref<1x128xi32, #tpu.memory_space<vmem>> -> memref<128xi32, #tpu.memory_space<vmem>>
      %dma_start3A_249 = arith.constant 0 : i32
      %dma_start3A_250 = tpu.memref_slice %arg9[%dma_start3A_249] : memref<10240xf32, #tpu.memory_space<vmem_shared>> -> memref<10240xf32, #tpu.memory_space<vmem_shared>>
      tpu.enqueue_indirect_dma source(%arg8 : memref<128xf32, #tpu.memory_space<vmem>>) target(%dma_start3A_250 : memref<10240xf32, #tpu.memory_space<vmem_shared>>) offsets(%dma_start3A_248 : memref<128xi32, #tpu.memory_space<vmem>>) semaphore(%arg10 : memref<!tpu.dma_semaphore, #tpu.memory_space<semaphore_mem>>) {add = true}
    }
    %scan3A_16 = arith.constant 5 : i32
    %dma_wait3A = arith.constant 0 : i32
    %dma_wait3A_17 = arith.constant 0 : i32
    %dma_wait3A_18 = tpu.memref_slice %arg7[%dma_wait3A, %dma_wait3A_17] : memref<8x128xi32, #tpu.memory_space<vmem>> -> memref<1x128xi32, #tpu.memory_space<vmem>>
    %dma_wait3A_19 = tpu.memref_squeeze %dma_wait3A_18 : memref<1x128xi32, #tpu.memory_space<vmem>> -> memref<128xi32, #tpu.memory_space<vmem>>
    %dma_wait3A_20 = arith.constant 0 : i32
    %dma_wait3A_21 = tpu.memref_slice %arg9[%dma_wait3A_20] : memref<10240xf32, #tpu.memory_space<vmem_shared>> -> memref<10240xf32, #tpu.memory_space<vmem_shared>>
    tpu.wait_indirect_dma semaphore(%arg10 : memref<!tpu.dma_semaphore, #tpu.memory_space<semaphore_mem>>) src(%arg8 : memref<128xf32, #tpu.memory_space<vmem>>) dst(%dma_wait3A_21 : memref<10240xf32, #tpu.memory_space<vmem_shared>>)
    %dma_wait3A_22 = arith.constant 1 : i32
    %dma_wait3A_23 = arith.constant 0 : i32
    %dma_wait3A_24 = tpu.memref_slice %arg7[%dma_wait3A_22, %dma_wait3A_23] : memref<8x128xi32, #tpu.memory_space<vmem>> -> memref<1x128xi32, #tpu.memory_space<vmem>>
    %dma_wait3A_25 = tpu.memref_squeeze %dma_wait3A_24 : memref<1x128xi32, #tpu.memory_space<vmem>> -> memref<128xi32, #tpu.memory_space<vmem>>
    %dma_wait3A_26 = arith.constant 0 : i32
    %dma_wait3A_27 = tpu.memref_slice %arg9[%dma_wait3A_26] : memref<10240xf32, #tpu.memory_space<vmem_shared>> -> memref<10240xf32, #tpu.memory_space<vmem_shared>>
    tpu.wait_indirect_dma semaphore(%arg10 : memref<!tpu.dma_semaphore, #tpu.memory_space<semaphore_mem>>) src(%arg8 : memref<128xf32, #tpu.memory_space<vmem>>) dst(%dma_wait3A_27 : memref<10240xf32, #tpu.memory_space<vmem_shared>>)
    %dma_wait3A_28 = arith.constant 2 : i32
    %dma_wait3A_29 = arith.constant 0 : i32
    %dma_wait3A_30 = tpu.memref_slice %arg7[%dma_wait3A_28, %dma_wait3A_29] : memref<8x128xi32, #tpu.memory_space<vmem>> -> memref<1x128xi32, #tpu.memory_space<vmem>>
    %dma_wait3A_31 = tpu.memref_squeeze %dma_wait3A_30 : memref<1x128xi32, #tpu.memory_space<vmem>> -> memref<128xi32, #tpu.memory_space<vmem>>
    %dma_wait3A_32 = arith.constant 0 : i32
    %dma_wait3A_33 = tpu.memref_slice %arg9[%dma_wait3A_32] : memref<10240xf32, #tpu.memory_space<vmem_shared>> -> memref<10240xf32, #tpu.memory_space<vmem_shared>>
    tpu.wait_indirect_dma semaphore(%arg10 : memref<!tpu.dma_semaphore, #tpu.memory_space<semaphore_mem>>) src(%arg8 : memref<128xf32, #tpu.memory_space<vmem>>) dst(%dma_wait3A_33 : memref<10240xf32, #tpu.memory_space<vmem_shared>>)
    %dma_wait3A_34 = arith.constant 3 : i32
    %dma_wait3A_35 = arith.constant 0 : i32
    %dma_wait3A_36 = tpu.memref_slice %arg7[%dma_wait3A_34, %dma_wait3A_35] : memref<8x128xi32, #tpu.memory_space<vmem>> -> memref<1x128xi32, #tpu.memory_space<vmem>>
    %dma_wait3A_37 = tpu.memref_squeeze %dma_wait3A_36 : memref<1x128xi32, #tpu.memory_space<vmem>> -> memref<128xi32, #tpu.memory_space<vmem>>
    %dma_wait3A_38 = arith.constant 0 : i32
    %dma_wait3A_39 = tpu.memref_slice %arg9[%dma_wait3A_38] : memref<10240xf32, #tpu.memory_space<vmem_shared>> -> memref<10240xf32, #tpu.memory_space<vmem_shared>>
    tpu.wait_indirect_dma semaphore(%arg10 : memref<!tpu.dma_semaphore, #tpu.memory_space<semaphore_mem>>) src(%arg8 : memref<128xf32, #tpu.memory_space<vmem>>) dst(%dma_wait3A_39 : memref<10240xf32, #tpu.memory_space<vmem_shared>>)
    %dma_wait3A_40 = arith.constant 4 : i32
    %dma_wait3A_41 = arith.constant 0 : i32
    %dma_wait3A_42 = tpu.memref_slice %arg7[%dma_wait3A_40, %dma_wait3A_41] : memref<8x128xi32, #tpu.memory_space<vmem>> -> memref<1x128xi32, #tpu.memory_space<vmem>>
    %dma_wait3A_43 = tpu.memref_squeeze %dma_wait3A_42 : memref<1x128xi32, #tpu.memory_space<vmem>> -> memref<128xi32, #tpu.memory_space<vmem>>
    %dma_wait3A_44 = arith.constant 0 : i32
    %dma_wait3A_45 = tpu.memref_slice %arg9[%dma_wait3A_44] : memref<10240xf32, #tpu.memory_space<vmem_shared>> -> memref<10240xf32, #tpu.memory_space<vmem_shared>>
    tpu.wait_indirect_dma semaphore(%arg10 : memref<!tpu.dma_semaphore, #tpu.memory_space<semaphore_mem>>) src(%arg8 : memref<128xf32, #tpu.memory_space<vmem>>) dst(%dma_wait3A_45 : memref<10240xf32, #tpu.memory_space<vmem_shared>>)
    %dma_wait3A_46 = arith.constant 5 : i32
    %dma_wait3A_47 = arith.constant 0 : i32
    %dma_wait3A_48 = tpu.memref_slice %arg7[%dma_wait3A_46, %dma_wait3A_47] : memref<8x128xi32, #tpu.memory_space<vmem>> -> memref<1x128xi32, #tpu.memory_space<vmem>>
    %dma_wait3A_49 = tpu.memref_squeeze %dma_wait3A_48 : memref<1x128xi32, #tpu.memory_space<vmem>> -> memref<128xi32, #tpu.memory_space<vmem>>
    %dma_wait3A_50 = arith.constant 0 : i32
    %dma_wait3A_51 = tpu.memref_slice %arg9[%dma_wait3A_50] : memref<10240xf32, #tpu.memory_space<vmem_shared>> -> memref<10240xf32, #tpu.memory_space<vmem_shared>>
    tpu.wait_indirect_dma semaphore(%arg10 : memref<!tpu.dma_semaphore, #tpu.memory_space<semaphore_mem>>) src(%arg8 : memref<128xf32, #tpu.memory_space<vmem>>) dst(%dma_wait3A_51 : memref<10240xf32, #tpu.memory_space<vmem_shared>>)
    %dma_wait3A_52 = arith.constant 6 : i32
    %dma_wait3A_53 = arith.constant 0 : i32
    %dma_wait3A_54 = tpu.memref_slice %arg7[%dma_wait3A_52, %dma_wait3A_53] : memref<8x128xi32, #tpu.memory_space<vmem>> -> memref<1x128xi32, #tpu.memory_space<vmem>>
    %dma_wait3A_55 = tpu.memref_squeeze %dma_wait3A_54 : memref<1x128xi32, #tpu.memory_space<vmem>> -> memref<128xi32, #tpu.memory_space<vmem>>
    %dma_wait3A_56 = arith.constant 0 : i32
    %dma_wait3A_57 = tpu.memref_slice %arg9[%dma_wait3A_56] : memref<10240xf32, #tpu.memory_space<vmem_shared>> -> memref<10240xf32, #tpu.memory_space<vmem_shared>>
    tpu.wait_indirect_dma semaphore(%arg10 : memref<!tpu.dma_semaphore, #tpu.memory_space<semaphore_mem>>) src(%arg8 : memref<128xf32, #tpu.memory_space<vmem>>) dst(%dma_wait3A_57 : memref<10240xf32, #tpu.memory_space<vmem_shared>>)
    %dma_wait3A_58 = arith.constant 7 : i32
    %dma_wait3A_59 = arith.constant 0 : i32
    %dma_wait3A_60 = tpu.memref_slice %arg7[%dma_wait3A_58, %dma_wait3A_59] : memref<8x128xi32, #tpu.memory_space<vmem>> -> memref<1x128xi32, #tpu.memory_space<vmem>>
    %dma_wait3A_61 = tpu.memref_squeeze %dma_wait3A_60 : memref<1x128xi32, #tpu.memory_space<vmem>> -> memref<128xi32, #tpu.memory_space<vmem>>
    %dma_wait3A_62 = arith.constant 0 : i32
    %dma_wait3A_63 = tpu.memref_slice %arg9[%dma_wait3A_62] : memref<10240xf32, #tpu.memory_space<vmem_shared>> -> memref<10240xf32, #tpu.memory_space<vmem_shared>>
    tpu.wait_indirect_dma semaphore(%arg10 : memref<!tpu.dma_semaphore, #tpu.memory_space<semaphore_mem>>) src(%arg8 : memref<128xf32, #tpu.memory_space<vmem>>) dst(%dma_wait3A_63 : memref<10240xf32, #tpu.memory_space<vmem_shared>>)
    %barrier3A_64 = arith.constant 0 : index
    tpu.barrier barrier_id(%barrier3A_64)
    %mul3A_65 = arith.constant 640 : i32
    %mul3A_66 = arith.muli %arg1, %mul3A_65 : i32
    %mul3A_67 = arith.constant 640 : i32
    %mul3A_68 = arith.muli %arg1, %mul3A_67 : i32
    "tpu.region"() ({
      %run_scoped3A = tpu.sem_alloc : memref<!tpu.dma_semaphore, #tpu.memory_space<semaphore_mem>>
      %dma_start3A_69 = tpu.memref_slice %arg5[%arg0, %mul3A_68] : memref<2x10240xf32, #tpu.memory_space<hbm>> -> memref<1x640xf32, #tpu.memory_space<hbm>>
      %dma_start3A_70 = tpu.memref_squeeze %dma_start3A_69 : memref<1x640xf32, #tpu.memory_space<hbm>> -> memref<640xf32, #tpu.memory_space<hbm>>
      %dma_start3A_71 = tpu.memref_slice %arg9[%mul3A_66] : memref<10240xf32, #tpu.memory_space<vmem_shared>> -> memref<640xf32, #tpu.memory_space<vmem_shared>>
      tpu.enqueue_dma source(%dma_start3A_71 : memref<640xf32, #tpu.memory_space<vmem_shared>>) target(%dma_start3A_70 : memref<640xf32, #tpu.memory_space<hbm>>) target_semaphore(%run_scoped3A : memref<!tpu.dma_semaphore, #tpu.memory_space<semaphore_mem>>)
      %dma_wait3A_72 = tpu.memref_slice %arg5[%arg0, %mul3A_68] : memref<2x10240xf32, #tpu.memory_space<hbm>> -> memref<1x640xf32, #tpu.memory_space<hbm>>
      %dma_wait3A_73 = tpu.memref_squeeze %dma_wait3A_72 : memref<1x640xf32, #tpu.memory_space<hbm>> -> memref<640xf32, #tpu.memory_space<hbm>>
      %dma_wait3A_74 = tpu.memref_slice %arg9[%mul3A_66] : memref<10240xf32, #tpu.memory_space<vmem_shared>> -> memref<640xf32, #tpu.memory_space<vmem_shared>>
      tpu.wait_dma2 semaphore(%run_scoped3A : memref<!tpu.dma_semaphore, #tpu.memory_space<semaphore_mem>>) src(%dma_wait3A_74 : memref<640xf32, #tpu.memory_space<vmem_shared>>) dst(%dma_wait3A_73 : memref<640xf32, #tpu.memory_space<hbm>>)
      tpu.yield
    }) : () -> ()
    return
  }
}

#map = affine_map<(d0, d1) -> (0, 0)>
#map1 = affine_map<(d0, d1) -> (0, 0, 0)>
module attributes {stable_mosaic.version = 14 : i64} {
  func.func @_edge_body(%arg0: i32, %arg1: i32, %arg2: memref<10000x128xf32, #tpu.memory_space<hbm>>, %arg3: memref<32x256x80xi32, #tpu.memory_space<hbm>>, %arg4: memref<10240x128xf32, #tpu.memory_space<hbm>>, %arg5: memref<2x10240x128xf32, #tpu.memory_space<hbm>>, %arg6: memref<8x80xi32, #tpu.memory_space<vmem>>, %arg7: memref<8x80xi32, #tpu.memory_space<vmem>>, %arg8: memref<80x128xf32, #tpu.memory_space<vmem>>, %arg9: memref<80x128xf32, #tpu.memory_space<vmem>>, %arg10: memref<80x128xf32, #tpu.memory_space<vmem>>, %arg11: memref<80x128xf32, #tpu.memory_space<vmem>>, %arg12: memref<10240x128xf32, #tpu.memory_space<vmem_shared>>, %arg13: memref<!tpu.dma_semaphore, #tpu.memory_space<semaphore_mem>>, %arg14: memref<!tpu.dma_semaphore, #tpu.memory_space<semaphore_mem>>, %arg15: memref<!tpu.dma_semaphore, #tpu.memory_space<semaphore_mem>>) attributes {dimension_semantics = [#tpu.dimension_semantics<core_parallel>, #tpu.dimension_semantics<subcore_parallel>], iteration_bounds = array<i64: 2, 16>, scalar_prefetch = 0 : i64, scratch_operands = 10 : i64, tpu.core_type = #tpu.core_type<sc_vector_subcore>, window_params = [{transform_indices = #map}, {transform_indices = #map1}, {transform_indices = #map}, {transform_indices = #map1}]} {
    %mul3A = arith.constant 16 : i32
    %mul3A_0 = arith.muli %arg0, %mul3A : i32
    %add3A = arith.addi %mul3A_0, %arg1 : i32
    %mul3A_1 = arith.constant 640 : i32
    %mul3A_2 = arith.muli %arg1, %mul3A_1 : i32
    %mul3A_3 = arith.constant 640 : i32
    %mul3A_4 = arith.muli %arg1, %mul3A_3 : i32
    "tpu.region"() ({
      %run_scoped3A = tpu.sem_alloc : memref<!tpu.dma_semaphore, #tpu.memory_space<semaphore_mem>>
      %dma_start3A_35 = arith.constant 0 : i32
      %dma_start3A_36 = tpu.memref_slice %arg12[%mul3A_4, %dma_start3A_35] : memref<10240x128xf32, #tpu.memory_space<vmem_shared>> -> memref<640x128xf32, #tpu.memory_space<vmem_shared>>
      %dma_start3A_37 = arith.constant 0 : i32
      %dma_start3A_38 = tpu.memref_slice %arg4[%mul3A_2, %dma_start3A_37] : memref<10240x128xf32, #tpu.memory_space<hbm>> -> memref<640x128xf32, #tpu.memory_space<hbm>>
      tpu.enqueue_dma source(%dma_start3A_38 : memref<640x128xf32, #tpu.memory_space<hbm>>) target(%dma_start3A_36 : memref<640x128xf32, #tpu.memory_space<vmem_shared>>) target_semaphore(%run_scoped3A : memref<!tpu.dma_semaphore, #tpu.memory_space<semaphore_mem>>)
      %dma_wait3A_39 = arith.constant 0 : i32
      %dma_wait3A_40 = tpu.memref_slice %arg12[%mul3A_4, %dma_wait3A_39] : memref<10240x128xf32, #tpu.memory_space<vmem_shared>> -> memref<640x128xf32, #tpu.memory_space<vmem_shared>>
      %dma_wait3A_41 = arith.constant 0 : i32
      %dma_wait3A_42 = tpu.memref_slice %arg4[%mul3A_2, %dma_wait3A_41] : memref<10240x128xf32, #tpu.memory_space<hbm>> -> memref<640x128xf32, #tpu.memory_space<hbm>>
      tpu.wait_dma2 semaphore(%run_scoped3A : memref<!tpu.dma_semaphore, #tpu.memory_space<semaphore_mem>>) src(%dma_wait3A_42 : memref<640x128xf32, #tpu.memory_space<hbm>>) dst(%dma_wait3A_40 : memref<640x128xf32, #tpu.memory_space<vmem_shared>>)
      tpu.yield
    }) : () -> ()
    %barrier3A = arith.constant 0 : index
    tpu.barrier barrier_id(%barrier3A)
    %dma_start3A = arith.constant 0 : i32
    %dma_start3A_5 = arith.constant 0 : i32
    %dma_start3A_6 = tpu.memref_slice %arg3[%add3A, %dma_start3A, %dma_start3A_5] : memref<32x256x80xi32, #tpu.memory_space<hbm>> -> memref<1x8x80xi32, #tpu.memory_space<hbm>>
    %dma_start3A_7 = tpu.memref_squeeze %dma_start3A_6 : memref<1x8x80xi32, #tpu.memory_space<hbm>> -> memref<8x80xi32, #tpu.memory_space<hbm>>
    %dma_start3A_8 = arith.constant 0 : i32
    %dma_start3A_9 = arith.constant 0 : i32
    %dma_start3A_10 = tpu.memref_slice %arg3[%add3A, %dma_start3A_8, %dma_start3A_9] : memref<32x256x80xi32, #tpu.memory_space<hbm>> -> memref<1x8x80xi32, #tpu.memory_space<hbm>>
    %dma_start3A_11 = tpu.memref_squeeze %dma_start3A_10 : memref<1x8x80xi32, #tpu.memory_space<hbm>> -> memref<8x80xi32, #tpu.memory_space<hbm>>
    tpu.enqueue_dma source(%dma_start3A_11 : memref<8x80xi32, #tpu.memory_space<hbm>>) target(%arg6 : memref<8x80xi32, #tpu.memory_space<vmem>>) target_semaphore(%arg15 : memref<!tpu.dma_semaphore, #tpu.memory_space<semaphore_mem>>)
    %scan3A = arith.constant 0 : i32
    %scan3A_12 = arith.constant 0 : i32
    %scan3A_13 = arith.constant 16 : i32
    %scan3A_14 = arith.addi %scan3A_12, %scan3A_13 : i32
    %scan3A_15 = arith.constant 1 : i32
    scf.for %scan3A_35 = %scan3A_12 to %scan3A_14 step %scan3A_15  : i32 {
      %mul3A_36 = arith.constant 16 : i32
      %mul3A_37 = arith.muli %mul3A_36, %scan3A_35 : i32
      %dma_wait3A_38 = arith.constant 0 : i32
      %dma_wait3A_39 = tpu.memref_slice %arg3[%add3A, %mul3A_37, %dma_wait3A_38] : memref<32x256x80xi32, #tpu.memory_space<hbm>> -> memref<1x8x80xi32, #tpu.memory_space<hbm>>
      %dma_wait3A_40 = tpu.memref_squeeze %dma_wait3A_39 : memref<1x8x80xi32, #tpu.memory_space<hbm>> -> memref<8x80xi32, #tpu.memory_space<hbm>>
      %dma_wait3A_41 = arith.constant 0 : i32
      %dma_wait3A_42 = tpu.memref_slice %arg3[%add3A, %mul3A_37, %dma_wait3A_41] : memref<32x256x80xi32, #tpu.memory_space<hbm>> -> memref<1x8x80xi32, #tpu.memory_space<hbm>>
      %dma_wait3A_43 = tpu.memref_squeeze %dma_wait3A_42 : memref<1x8x80xi32, #tpu.memory_space<hbm>> -> memref<8x80xi32, #tpu.memory_space<hbm>>
      tpu.wait_dma2 semaphore(%arg15 : memref<!tpu.dma_semaphore, #tpu.memory_space<semaphore_mem>>) src(%dma_wait3A_43 : memref<8x80xi32, #tpu.memory_space<hbm>>) dst(%arg6 : memref<8x80xi32, #tpu.memory_space<vmem>>)
      %dma_start3A_44 = arith.constant 0 : i32
      %dma_start3A_45 = arith.constant 0 : i32
      %dma_start3A_46 = tpu.memref_slice %arg6[%dma_start3A_44, %dma_start3A_45] : memref<8x80xi32, #tpu.memory_space<vmem>> -> memref<1x80xi32, #tpu.memory_space<vmem>>
      %dma_start3A_47 = tpu.memref_squeeze %dma_start3A_46 : memref<1x80xi32, #tpu.memory_space<vmem>> -> memref<80xi32, #tpu.memory_space<vmem>>
      %dma_start3A_48 = arith.constant 0 : i32
      %dma_start3A_49 = arith.constant 0 : i32
      %dma_start3A_50 = tpu.memref_slice %arg2[%dma_start3A_48, %dma_start3A_49] : memref<10000x128xf32, #tpu.memory_space<hbm>> -> memref<10000x128xf32, #tpu.memory_space<hbm>>
      tpu.enqueue_indirect_dma source(%dma_start3A_50 : memref<10000x128xf32, #tpu.memory_space<hbm>>) target(%arg8 : memref<80x128xf32, #tpu.memory_space<vmem>>) offsets(%dma_start3A_47 : memref<80xi32, #tpu.memory_space<vmem>>) semaphore(%arg13 : memref<!tpu.dma_semaphore, #tpu.memory_space<semaphore_mem>>)
      %dma_start3A_51 = arith.constant 2 : i32
      %dma_start3A_52 = arith.constant 0 : i32
      %dma_start3A_53 = tpu.memref_slice %arg6[%dma_start3A_51, %dma_start3A_52] : memref<8x80xi32, #tpu.memory_space<vmem>> -> memref<1x80xi32, #tpu.memory_space<vmem>>
      %dma_start3A_54 = tpu.memref_squeeze %dma_start3A_53 : memref<1x80xi32, #tpu.memory_space<vmem>> -> memref<80xi32, #tpu.memory_space<vmem>>
      %dma_start3A_55 = arith.constant 0 : i32
      %dma_start3A_56 = arith.constant 0 : i32
      %dma_start3A_57 = tpu.memref_slice %arg2[%dma_start3A_55, %dma_start3A_56] : memref<10000x128xf32, #tpu.memory_space<hbm>> -> memref<10000x128xf32, #tpu.memory_space<hbm>>
      tpu.enqueue_indirect_dma source(%dma_start3A_57 : memref<10000x128xf32, #tpu.memory_space<hbm>>) target(%arg9 : memref<80x128xf32, #tpu.memory_space<vmem>>) offsets(%dma_start3A_54 : memref<80xi32, #tpu.memory_space<vmem>>) semaphore(%arg13 : memref<!tpu.dma_semaphore, #tpu.memory_space<semaphore_mem>>)
      %ne3A = arith.constant 0 : i32
      %ne3A_58 = arith.cmpi ne, %scan3A_35, %ne3A : i32
      %convert_element_type3A = arith.extui %ne3A_58 : i1 to i32
      %cond3A = arith.constant 0 : i32
      %cond3A_59 = arith.cmpi ne, %convert_element_type3A, %cond3A : i32
      scf.if %cond3A_59 {
        %dma_wait3A_281 = arith.constant 5 : i32
        %dma_wait3A_282 = arith.constant 0 : i32
        %dma_wait3A_283 = tpu.memref_slice %arg7[%dma_wait3A_281, %dma_wait3A_282] : memref<8x80xi32, #tpu.memory_space<vmem>> -> memref<1x80xi32, #tpu.memory_space<vmem>>
        %dma_wait3A_284 = tpu.memref_squeeze %dma_wait3A_283 : memref<1x80xi32, #tpu.memory_space<vmem>> -> memref<80xi32, #tpu.memory_space<vmem>>
        %dma_wait3A_285 = arith.constant 0 : i32
        %dma_wait3A_286 = arith.constant 0 : i32
        %dma_wait3A_287 = tpu.memref_slice %arg12[%dma_wait3A_285, %dma_wait3A_286] : memref<10240x128xf32, #tpu.memory_space<vmem_shared>> -> memref<10240x128xf32, #tpu.memory_space<vmem_shared>>
        tpu.wait_indirect_dma semaphore(%arg14 : memref<!tpu.dma_semaphore, #tpu.memory_space<semaphore_mem>>) src(%arg10 : memref<80x128xf32, #tpu.memory_space<vmem>>) dst(%dma_wait3A_287 : memref<10240x128xf32, #tpu.memory_space<vmem_shared>>)
        %dma_wait3A_288 = arith.constant 7 : i32
        %dma_wait3A_289 = arith.constant 0 : i32
        %dma_wait3A_290 = tpu.memref_slice %arg7[%dma_wait3A_288, %dma_wait3A_289] : memref<8x80xi32, #tpu.memory_space<vmem>> -> memref<1x80xi32, #tpu.memory_space<vmem>>
        %dma_wait3A_291 = tpu.memref_squeeze %dma_wait3A_290 : memref<1x80xi32, #tpu.memory_space<vmem>> -> memref<80xi32, #tpu.memory_space<vmem>>
        %dma_wait3A_292 = arith.constant 0 : i32
        %dma_wait3A_293 = arith.constant 0 : i32
        %dma_wait3A_294 = tpu.memref_slice %arg12[%dma_wait3A_292, %dma_wait3A_293] : memref<10240x128xf32, #tpu.memory_space<vmem_shared>> -> memref<10240x128xf32, #tpu.memory_space<vmem_shared>>
        tpu.wait_indirect_dma semaphore(%arg14 : memref<!tpu.dma_semaphore, #tpu.memory_space<semaphore_mem>>) src(%arg11 : memref<80x128xf32, #tpu.memory_space<vmem>>) dst(%dma_wait3A_294 : memref<10240x128xf32, #tpu.memory_space<vmem_shared>>)
      } else {
      }
      %mul3A_60 = arith.constant 16 : i32
      %mul3A_61 = arith.muli %mul3A_60, %scan3A_35 : i32
      %add3A_62 = arith.constant 8 : i32
      %add3A_63 = arith.addi %mul3A_61, %add3A_62 : i32
      %dma_start3A_64 = arith.constant 0 : i32
      %dma_start3A_65 = tpu.memref_slice %arg3[%add3A, %add3A_63, %dma_start3A_64] : memref<32x256x80xi32, #tpu.memory_space<hbm>> -> memref<1x8x80xi32, #tpu.memory_space<hbm>>
      %dma_start3A_66 = tpu.memref_squeeze %dma_start3A_65 : memref<1x8x80xi32, #tpu.memory_space<hbm>> -> memref<8x80xi32, #tpu.memory_space<hbm>>
      %dma_start3A_67 = arith.constant 0 : i32
      %dma_start3A_68 = tpu.memref_slice %arg3[%add3A, %add3A_63, %dma_start3A_67] : memref<32x256x80xi32, #tpu.memory_space<hbm>> -> memref<1x8x80xi32, #tpu.memory_space<hbm>>
      %dma_start3A_69 = tpu.memref_squeeze %dma_start3A_68 : memref<1x8x80xi32, #tpu.memory_space<hbm>> -> memref<8x80xi32, #tpu.memory_space<hbm>>
      tpu.enqueue_dma source(%dma_start3A_69 : memref<8x80xi32, #tpu.memory_space<hbm>>) target(%arg7 : memref<8x80xi32, #tpu.memory_space<vmem>>) target_semaphore(%arg15 : memref<!tpu.dma_semaphore, #tpu.memory_space<semaphore_mem>>)
      %dma_wait3A_70 = arith.constant 0 : i32
      %dma_wait3A_71 = arith.constant 0 : i32
      %dma_wait3A_72 = tpu.memref_slice %arg6[%dma_wait3A_70, %dma_wait3A_71] : memref<8x80xi32, #tpu.memory_space<vmem>> -> memref<1x80xi32, #tpu.memory_space<vmem>>
      %dma_wait3A_73 = tpu.memref_squeeze %dma_wait3A_72 : memref<1x80xi32, #tpu.memory_space<vmem>> -> memref<80xi32, #tpu.memory_space<vmem>>
      %dma_wait3A_74 = arith.constant 0 : i32
      %dma_wait3A_75 = arith.constant 0 : i32
      %dma_wait3A_76 = tpu.memref_slice %arg2[%dma_wait3A_74, %dma_wait3A_75] : memref<10000x128xf32, #tpu.memory_space<hbm>> -> memref<10000x128xf32, #tpu.memory_space<hbm>>
      tpu.wait_indirect_dma semaphore(%arg13 : memref<!tpu.dma_semaphore, #tpu.memory_space<semaphore_mem>>) src(%dma_wait3A_76 : memref<10000x128xf32, #tpu.memory_space<hbm>>) dst(%arg8 : memref<80x128xf32, #tpu.memory_space<vmem>>)
      %dma_wait3A_77 = arith.constant 2 : i32
      %dma_wait3A_78 = arith.constant 0 : i32
      %dma_wait3A_79 = tpu.memref_slice %arg6[%dma_wait3A_77, %dma_wait3A_78] : memref<8x80xi32, #tpu.memory_space<vmem>> -> memref<1x80xi32, #tpu.memory_space<vmem>>
      %dma_wait3A_80 = tpu.memref_squeeze %dma_wait3A_79 : memref<1x80xi32, #tpu.memory_space<vmem>> -> memref<80xi32, #tpu.memory_space<vmem>>
      %dma_wait3A_81 = arith.constant 0 : i32
      %dma_wait3A_82 = arith.constant 0 : i32
      %dma_wait3A_83 = tpu.memref_slice %arg2[%dma_wait3A_81, %dma_wait3A_82] : memref<10000x128xf32, #tpu.memory_space<hbm>> -> memref<10000x128xf32, #tpu.memory_space<hbm>>
      tpu.wait_indirect_dma semaphore(%arg13 : memref<!tpu.dma_semaphore, #tpu.memory_space<semaphore_mem>>) src(%dma_wait3A_83 : memref<10000x128xf32, #tpu.memory_space<hbm>>) dst(%arg9 : memref<80x128xf32, #tpu.memory_space<vmem>>)
      %dma_start3A_84 = arith.constant 1 : i32
      %dma_start3A_85 = arith.constant 0 : i32
      %dma_start3A_86 = tpu.memref_slice %arg6[%dma_start3A_84, %dma_start3A_85] : memref<8x80xi32, #tpu.memory_space<vmem>> -> memref<1x80xi32, #tpu.memory_space<vmem>>
      %dma_start3A_87 = tpu.memref_squeeze %dma_start3A_86 : memref<1x80xi32, #tpu.memory_space<vmem>> -> memref<80xi32, #tpu.memory_space<vmem>>
      %dma_start3A_88 = arith.constant 0 : i32
      %dma_start3A_89 = arith.constant 0 : i32
      %dma_start3A_90 = tpu.memref_slice %arg12[%dma_start3A_88, %dma_start3A_89] : memref<10240x128xf32, #tpu.memory_space<vmem_shared>> -> memref<10240x128xf32, #tpu.memory_space<vmem_shared>>
      tpu.enqueue_indirect_dma source(%arg8 : memref<80x128xf32, #tpu.memory_space<vmem>>) target(%dma_start3A_90 : memref<10240x128xf32, #tpu.memory_space<vmem_shared>>) offsets(%dma_start3A_87 : memref<80xi32, #tpu.memory_space<vmem>>) semaphore(%arg14 : memref<!tpu.dma_semaphore, #tpu.memory_space<semaphore_mem>>) {add = true}
      %dma_start3A_91 = arith.constant 3 : i32
      %dma_start3A_92 = arith.constant 0 : i32
      %dma_start3A_93 = tpu.memref_slice %arg6[%dma_start3A_91, %dma_start3A_92] : memref<8x80xi32, #tpu.memory_space<vmem>> -> memref<1x80xi32, #tpu.memory_space<vmem>>
      %dma_start3A_94 = tpu.memref_squeeze %dma_start3A_93 : memref<1x80xi32, #tpu.memory_space<vmem>> -> memref<80xi32, #tpu.memory_space<vmem>>
      %dma_start3A_95 = arith.constant 0 : i32
      %dma_start3A_96 = arith.constant 0 : i32
      %dma_start3A_97 = tpu.memref_slice %arg12[%dma_start3A_95, %dma_start3A_96] : memref<10240x128xf32, #tpu.memory_space<vmem_shared>> -> memref<10240x128xf32, #tpu.memory_space<vmem_shared>>
      tpu.enqueue_indirect_dma source(%arg9 : memref<80x128xf32, #tpu.memory_space<vmem>>) target(%dma_start3A_97 : memref<10240x128xf32, #tpu.memory_space<vmem_shared>>) offsets(%dma_start3A_94 : memref<80xi32, #tpu.memory_space<vmem>>) semaphore(%arg14 : memref<!tpu.dma_semaphore, #tpu.memory_space<semaphore_mem>>) {add = true}
      %dma_start3A_98 = arith.constant 4 : i32
      %dma_start3A_99 = arith.constant 0 : i32
      %dma_start3A_100 = tpu.memref_slice %arg6[%dma_start3A_98, %dma_start3A_99] : memref<8x80xi32, #tpu.memory_space<vmem>> -> memref<1x80xi32, #tpu.memory_space<vmem>>
      %dma_start3A_101 = tpu.memref_squeeze %dma_start3A_100 : memref<1x80xi32, #tpu.memory_space<vmem>> -> memref<80xi32, #tpu.memory_space<vmem>>
      %dma_start3A_102 = arith.constant 0 : i32
      %dma_start3A_103 = arith.constant 0 : i32
      %dma_start3A_104 = tpu.memref_slice %arg2[%dma_start3A_102, %dma_start3A_103] : memref<10000x128xf32, #tpu.memory_space<hbm>> -> memref<10000x128xf32, #tpu.memory_space<hbm>>
      tpu.enqueue_indirect_dma source(%dma_start3A_104 : memref<10000x128xf32, #tpu.memory_space<hbm>>) target(%arg10 : memref<80x128xf32, #tpu.memory_space<vmem>>) offsets(%dma_start3A_101 : memref<80xi32, #tpu.memory_space<vmem>>) semaphore(%arg13 : memref<!tpu.dma_semaphore, #tpu.memory_space<semaphore_mem>>)
      %dma_start3A_105 = arith.constant 6 : i32
      %dma_start3A_106 = arith.constant 0 : i32
      %dma_start3A_107 = tpu.memref_slice %arg6[%dma_start3A_105, %dma_start3A_106] : memref<8x80xi32, #tpu.memory_space<vmem>> -> memref<1x80xi32, #tpu.memory_space<vmem>>
      %dma_start3A_108 = tpu.memref_squeeze %dma_start3A_107 : memref<1x80xi32, #tpu.memory_space<vmem>> -> memref<80xi32, #tpu.memory_space<vmem>>
      %dma_start3A_109 = arith.constant 0 : i32
      %dma_start3A_110 = arith.constant 0 : i32
      %dma_start3A_111 = tpu.memref_slice %arg2[%dma_start3A_109, %dma_start3A_110] : memref<10000x128xf32, #tpu.memory_space<hbm>> -> memref<10000x128xf32, #tpu.memory_space<hbm>>
      tpu.enqueue_indirect_dma source(%dma_start3A_111 : memref<10000x128xf32, #tpu.memory_space<hbm>>) target(%arg11 : memref<80x128xf32, #tpu.memory_space<vmem>>) offsets(%dma_start3A_108 : memref<80xi32, #tpu.memory_space<vmem>>) semaphore(%arg13 : memref<!tpu.dma_semaphore, #tpu.memory_space<semaphore_mem>>)
      %dma_wait3A_112 = arith.constant 1 : i32
      %dma_wait3A_113 = arith.constant 0 : i32
      %dma_wait3A_114 = tpu.memref_slice %arg6[%dma_wait3A_112, %dma_wait3A_113] : memref<8x80xi32, #tpu.memory_space<vmem>> -> memref<1x80xi32, #tpu.memory_space<vmem>>
      %dma_wait3A_115 = tpu.memref_squeeze %dma_wait3A_114 : memref<1x80xi32, #tpu.memory_space<vmem>> -> memref<80xi32, #tpu.memory_space<vmem>>
      %dma_wait3A_116 = arith.constant 0 : i32
      %dma_wait3A_117 = arith.constant 0 : i32
      %dma_wait3A_118 = tpu.memref_slice %arg12[%dma_wait3A_116, %dma_wait3A_117] : memref<10240x128xf32, #tpu.memory_space<vmem_shared>> -> memref<10240x128xf32, #tpu.memory_space<vmem_shared>>
      tpu.wait_indirect_dma semaphore(%arg14 : memref<!tpu.dma_semaphore, #tpu.memory_space<semaphore_mem>>) src(%arg8 : memref<80x128xf32, #tpu.memory_space<vmem>>) dst(%dma_wait3A_118 : memref<10240x128xf32, #tpu.memory_space<vmem_shared>>)
      %dma_wait3A_119 = arith.constant 3 : i32
      %dma_wait3A_120 = arith.constant 0 : i32
      %dma_wait3A_121 = tpu.memref_slice %arg6[%dma_wait3A_119, %dma_wait3A_120] : memref<8x80xi32, #tpu.memory_space<vmem>> -> memref<1x80xi32, #tpu.memory_space<vmem>>
      %dma_wait3A_122 = tpu.memref_squeeze %dma_wait3A_121 : memref<1x80xi32, #tpu.memory_space<vmem>> -> memref<80xi32, #tpu.memory_space<vmem>>
      %dma_wait3A_123 = arith.constant 0 : i32
      %dma_wait3A_124 = arith.constant 0 : i32
      %dma_wait3A_125 = tpu.memref_slice %arg12[%dma_wait3A_123, %dma_wait3A_124] : memref<10240x128xf32, #tpu.memory_space<vmem_shared>> -> memref<10240x128xf32, #tpu.memory_space<vmem_shared>>
      tpu.wait_indirect_dma semaphore(%arg14 : memref<!tpu.dma_semaphore, #tpu.memory_space<semaphore_mem>>) src(%arg9 : memref<80x128xf32, #tpu.memory_space<vmem>>) dst(%dma_wait3A_125 : memref<10240x128xf32, #tpu.memory_space<vmem_shared>>)
      %dma_wait3A_126 = arith.constant 4 : i32
      %dma_wait3A_127 = arith.constant 0 : i32
      %dma_wait3A_128 = tpu.memref_slice %arg6[%dma_wait3A_126, %dma_wait3A_127] : memref<8x80xi32, #tpu.memory_space<vmem>> -> memref<1x80xi32, #tpu.memory_space<vmem>>
      %dma_wait3A_129 = tpu.memref_squeeze %dma_wait3A_128 : memref<1x80xi32, #tpu.memory_space<vmem>> -> memref<80xi32, #tpu.memory_space<vmem>>
      %dma_wait3A_130 = arith.constant 0 : i32
      %dma_wait3A_131 = arith.constant 0 : i32
      %dma_wait3A_132 = tpu.memref_slice %arg2[%dma_wait3A_130, %dma_wait3A_131] : memref<10000x128xf32, #tpu.memory_space<hbm>> -> memref<10000x128xf32, #tpu.memory_space<hbm>>
      tpu.wait_indirect_dma semaphore(%arg13 : memref<!tpu.dma_semaphore, #tpu.memory_space<semaphore_mem>>) src(%dma_wait3A_132 : memref<10000x128xf32, #tpu.memory_space<hbm>>) dst(%arg10 : memref<80x128xf32, #tpu.memory_space<vmem>>)
      %dma_wait3A_133 = arith.constant 6 : i32
      %dma_wait3A_134 = arith.constant 0 : i32
      %dma_wait3A_135 = tpu.memref_slice %arg6[%dma_wait3A_133, %dma_wait3A_134] : memref<8x80xi32, #tpu.memory_space<vmem>> -> memref<1x80xi32, #tpu.memory_space<vmem>>
      %dma_wait3A_136 = tpu.memref_squeeze %dma_wait3A_135 : memref<1x80xi32, #tpu.memory_space<vmem>> -> memref<80xi32, #tpu.memory_space<vmem>>
      %dma_wait3A_137 = arith.constant 0 : i32
      %dma_wait3A_138 = arith.constant 0 : i32
      %dma_wait3A_139 = tpu.memref_slice %arg2[%dma_wait3A_137, %dma_wait3A_138] : memref<10000x128xf32, #tpu.memory_space<hbm>> -> memref<10000x128xf32, #tpu.memory_space<hbm>>
      tpu.wait_indirect_dma semaphore(%arg13 : memref<!tpu.dma_semaphore, #tpu.memory_space<semaphore_mem>>) src(%dma_wait3A_139 : memref<10000x128xf32, #tpu.memory_space<hbm>>) dst(%arg11 : memref<80x128xf32, #tpu.memory_space<vmem>>)
      %dma_start3A_140 = arith.constant 5 : i32
      %dma_start3A_141 = arith.constant 0 : i32
      %dma_start3A_142 = tpu.memref_slice %arg6[%dma_start3A_140, %dma_start3A_141] : memref<8x80xi32, #tpu.memory_space<vmem>> -> memref<1x80xi32, #tpu.memory_space<vmem>>
      %dma_start3A_143 = tpu.memref_squeeze %dma_start3A_142 : memref<1x80xi32, #tpu.memory_space<vmem>> -> memref<80xi32, #tpu.memory_space<vmem>>
      %dma_start3A_144 = arith.constant 0 : i32
      %dma_start3A_145 = arith.constant 0 : i32
      %dma_start3A_146 = tpu.memref_slice %arg12[%dma_start3A_144, %dma_start3A_145] : memref<10240x128xf32, #tpu.memory_space<vmem_shared>> -> memref<10240x128xf32, #tpu.memory_space<vmem_shared>>
      tpu.enqueue_indirect_dma source(%arg10 : memref<80x128xf32, #tpu.memory_space<vmem>>) target(%dma_start3A_146 : memref<10240x128xf32, #tpu.memory_space<vmem_shared>>) offsets(%dma_start3A_143 : memref<80xi32, #tpu.memory_space<vmem>>) semaphore(%arg14 : memref<!tpu.dma_semaphore, #tpu.memory_space<semaphore_mem>>) {add = true}
      %dma_start3A_147 = arith.constant 7 : i32
      %dma_start3A_148 = arith.constant 0 : i32
      %dma_start3A_149 = tpu.memref_slice %arg6[%dma_start3A_147, %dma_start3A_148] : memref<8x80xi32, #tpu.memory_space<vmem>> -> memref<1x80xi32, #tpu.memory_space<vmem>>
      %dma_start3A_150 = tpu.memref_squeeze %dma_start3A_149 : memref<1x80xi32, #tpu.memory_space<vmem>> -> memref<80xi32, #tpu.memory_space<vmem>>
      %dma_start3A_151 = arith.constant 0 : i32
      %dma_start3A_152 = arith.constant 0 : i32
      %dma_start3A_153 = tpu.memref_slice %arg12[%dma_start3A_151, %dma_start3A_152] : memref<10240x128xf32, #tpu.memory_space<vmem_shared>> -> memref<10240x128xf32, #tpu.memory_space<vmem_shared>>
      tpu.enqueue_indirect_dma source(%arg11 : memref<80x128xf32, #tpu.memory_space<vmem>>) target(%dma_start3A_153 : memref<10240x128xf32, #tpu.memory_space<vmem_shared>>) offsets(%dma_start3A_150 : memref<80xi32, #tpu.memory_space<vmem>>) semaphore(%arg14 : memref<!tpu.dma_semaphore, #tpu.memory_space<semaphore_mem>>) {add = true}
      %mul3A_154 = arith.constant 16 : i32
      %mul3A_155 = arith.muli %mul3A_154, %scan3A_35 : i32
      %add3A_156 = arith.constant 8 : i32
      %add3A_157 = arith.addi %mul3A_155, %add3A_156 : i32
      %dma_wait3A_158 = arith.constant 0 : i32
      %dma_wait3A_159 = tpu.memref_slice %arg3[%add3A, %add3A_157, %dma_wait3A_158] : memref<32x256x80xi32, #tpu.memory_space<hbm>> -> memref<1x8x80xi32, #tpu.memory_space<hbm>>
      %dma_wait3A_160 = tpu.memref_squeeze %dma_wait3A_159 : memref<1x8x80xi32, #tpu.memory_space<hbm>> -> memref<8x80xi32, #tpu.memory_space<hbm>>
      %dma_wait3A_161 = arith.constant 0 : i32
      %dma_wait3A_162 = tpu.memref_slice %arg3[%add3A, %add3A_157, %dma_wait3A_161] : memref<32x256x80xi32, #tpu.memory_space<hbm>> -> memref<1x8x80xi32, #tpu.memory_space<hbm>>
      %dma_wait3A_163 = tpu.memref_squeeze %dma_wait3A_162 : memref<1x8x80xi32, #tpu.memory_space<hbm>> -> memref<8x80xi32, #tpu.memory_space<hbm>>
      tpu.wait_dma2 semaphore(%arg15 : memref<!tpu.dma_semaphore, #tpu.memory_space<semaphore_mem>>) src(%dma_wait3A_163 : memref<8x80xi32, #tpu.memory_space<hbm>>) dst(%arg7 : memref<8x80xi32, #tpu.memory_space<vmem>>)
      %dma_start3A_164 = arith.constant 0 : i32
      %dma_start3A_165 = arith.constant 0 : i32
      %dma_start3A_166 = tpu.memref_slice %arg7[%dma_start3A_164, %dma_start3A_165] : memref<8x80xi32, #tpu.memory_space<vmem>> -> memref<1x80xi32, #tpu.memory_space<vmem>>
      %dma_start3A_167 = tpu.memref_squeeze %dma_start3A_166 : memref<1x80xi32, #tpu.memory_space<vmem>> -> memref<80xi32, #tpu.memory_space<vmem>>
      %dma_start3A_168 = arith.constant 0 : i32
      %dma_start3A_169 = arith.constant 0 : i32
      %dma_start3A_170 = tpu.memref_slice %arg2[%dma_start3A_168, %dma_start3A_169] : memref<10000x128xf32, #tpu.memory_space<hbm>> -> memref<10000x128xf32, #tpu.memory_space<hbm>>
      tpu.enqueue_indirect_dma source(%dma_start3A_170 : memref<10000x128xf32, #tpu.memory_space<hbm>>) target(%arg8 : memref<80x128xf32, #tpu.memory_space<vmem>>) offsets(%dma_start3A_167 : memref<80xi32, #tpu.memory_space<vmem>>) semaphore(%arg13 : memref<!tpu.dma_semaphore, #tpu.memory_space<semaphore_mem>>)
      %dma_start3A_171 = arith.constant 2 : i32
      %dma_start3A_172 = arith.constant 0 : i32
      %dma_start3A_173 = tpu.memref_slice %arg7[%dma_start3A_171, %dma_start3A_172] : memref<8x80xi32, #tpu.memory_space<vmem>> -> memref<1x80xi32, #tpu.memory_space<vmem>>
      %dma_start3A_174 = tpu.memref_squeeze %dma_start3A_173 : memref<1x80xi32, #tpu.memory_space<vmem>> -> memref<80xi32, #tpu.memory_space<vmem>>
      %dma_start3A_175 = arith.constant 0 : i32
      %dma_start3A_176 = arith.constant 0 : i32
      %dma_start3A_177 = tpu.memref_slice %arg2[%dma_start3A_175, %dma_start3A_176] : memref<10000x128xf32, #tpu.memory_space<hbm>> -> memref<10000x128xf32, #tpu.memory_space<hbm>>
      tpu.enqueue_indirect_dma source(%dma_start3A_177 : memref<10000x128xf32, #tpu.memory_space<hbm>>) target(%arg9 : memref<80x128xf32, #tpu.memory_space<vmem>>) offsets(%dma_start3A_174 : memref<80xi32, #tpu.memory_space<vmem>>) semaphore(%arg13 : memref<!tpu.dma_semaphore, #tpu.memory_space<semaphore_mem>>)
      %dma_wait3A_178 = arith.constant 5 : i32
      %dma_wait3A_179 = arith.constant 0 : i32
      %dma_wait3A_180 = tpu.memref_slice %arg6[%dma_wait3A_178, %dma_wait3A_179] : memref<8x80xi32, #tpu.memory_space<vmem>> -> memref<1x80xi32, #tpu.memory_space<vmem>>
      %dma_wait3A_181 = tpu.memref_squeeze %dma_wait3A_180 : memref<1x80xi32, #tpu.memory_space<vmem>> -> memref<80xi32, #tpu.memory_space<vmem>>
      %dma_wait3A_182 = arith.constant 0 : i32
      %dma_wait3A_183 = arith.constant 0 : i32
      %dma_wait3A_184 = tpu.memref_slice %arg12[%dma_wait3A_182, %dma_wait3A_183] : memref<10240x128xf32, #tpu.memory_space<vmem_shared>> -> memref<10240x128xf32, #tpu.memory_space<vmem_shared>>
      tpu.wait_indirect_dma semaphore(%arg14 : memref<!tpu.dma_semaphore, #tpu.memory_space<semaphore_mem>>) src(%arg10 : memref<80x128xf32, #tpu.memory_space<vmem>>) dst(%dma_wait3A_184 : memref<10240x128xf32, #tpu.memory_space<vmem_shared>>)
      %dma_wait3A_185 = arith.constant 7 : i32
      %dma_wait3A_186 = arith.constant 0 : i32
      %dma_wait3A_187 = tpu.memref_slice %arg6[%dma_wait3A_185, %dma_wait3A_186] : memref<8x80xi32, #tpu.memory_space<vmem>> -> memref<1x80xi32, #tpu.memory_space<vmem>>
      %dma_wait3A_188 = tpu.memref_squeeze %dma_wait3A_187 : memref<1x80xi32, #tpu.memory_space<vmem>> -> memref<80xi32, #tpu.memory_space<vmem>>
      %dma_wait3A_189 = arith.constant 0 : i32
      %dma_wait3A_190 = arith.constant 0 : i32
      %dma_wait3A_191 = tpu.memref_slice %arg12[%dma_wait3A_189, %dma_wait3A_190] : memref<10240x128xf32, #tpu.memory_space<vmem_shared>> -> memref<10240x128xf32, #tpu.memory_space<vmem_shared>>
      tpu.wait_indirect_dma semaphore(%arg14 : memref<!tpu.dma_semaphore, #tpu.memory_space<semaphore_mem>>) src(%arg11 : memref<80x128xf32, #tpu.memory_space<vmem>>) dst(%dma_wait3A_191 : memref<10240x128xf32, #tpu.memory_space<vmem_shared>>)
      %ne3A_192 = arith.constant 15 : i32
      %ne3A_193 = arith.cmpi ne, %scan3A_35, %ne3A_192 : i32
      %convert_element_type3A_194 = arith.extui %ne3A_193 : i1 to i32
      %cond3A_195 = arith.constant 0 : i32
      %cond3A_196 = arith.cmpi ne, %convert_element_type3A_194, %cond3A_195 : i32
      scf.if %cond3A_196 {
        %mul3A_281 = arith.constant 16 : i32
        %mul3A_282 = arith.muli %mul3A_281, %scan3A_35 : i32
        %add3A_283 = arith.constant 16 : i32
        %add3A_284 = arith.addi %mul3A_282, %add3A_283 : i32
        %dma_start3A_285 = arith.constant 0 : i32
        %dma_start3A_286 = tpu.memref_slice %arg3[%add3A, %add3A_284, %dma_start3A_285] : memref<32x256x80xi32, #tpu.memory_space<hbm>> -> memref<1x8x80xi32, #tpu.memory_space<hbm>>
        %dma_start3A_287 = tpu.memref_squeeze %dma_start3A_286 : memref<1x8x80xi32, #tpu.memory_space<hbm>> -> memref<8x80xi32, #tpu.memory_space<hbm>>
        %dma_start3A_288 = arith.constant 0 : i32
        %dma_start3A_289 = tpu.memref_slice %arg3[%add3A, %add3A_284, %dma_start3A_288] : memref<32x256x80xi32, #tpu.memory_space<hbm>> -> memref<1x8x80xi32, #tpu.memory_space<hbm>>
        %dma_start3A_290 = tpu.memref_squeeze %dma_start3A_289 : memref<1x8x80xi32, #tpu.memory_space<hbm>> -> memref<8x80xi32, #tpu.memory_space<hbm>>
        tpu.enqueue_dma source(%dma_start3A_290 : memref<8x80xi32, #tpu.memory_space<hbm>>) target(%arg6 : memref<8x80xi32, #tpu.memory_space<vmem>>) target_semaphore(%arg15 : memref<!tpu.dma_semaphore, #tpu.memory_space<semaphore_mem>>)
      } else {
      }
      %dma_wait3A_197 = arith.constant 0 : i32
      %dma_wait3A_198 = arith.constant 0 : i32
      %dma_wait3A_199 = tpu.memref_slice %arg7[%dma_wait3A_197, %dma_wait3A_198] : memref<8x80xi32, #tpu.memory_space<vmem>> -> memref<1x80xi32, #tpu.memory_space<vmem>>
      %dma_wait3A_200 = tpu.memref_squeeze %dma_wait3A_199 : memref<1x80xi32, #tpu.memory_space<vmem>> -> memref<80xi32, #tpu.memory_space<vmem>>
      %dma_wait3A_201 = arith.constant 0 : i32
      %dma_wait3A_202 = arith.constant 0 : i32
      %dma_wait3A_203 = tpu.memref_slice %arg2[%dma_wait3A_201, %dma_wait3A_202] : memref<10000x128xf32, #tpu.memory_space<hbm>> -> memref<10000x128xf32, #tpu.memory_space<hbm>>
      tpu.wait_indirect_dma semaphore(%arg13 : memref<!tpu.dma_semaphore, #tpu.memory_space<semaphore_mem>>) src(%dma_wait3A_203 : memref<10000x128xf32, #tpu.memory_space<hbm>>) dst(%arg8 : memref<80x128xf32, #tpu.memory_space<vmem>>)
      %dma_wait3A_204 = arith.constant 2 : i32
      %dma_wait3A_205 = arith.constant 0 : i32
      %dma_wait3A_206 = tpu.memref_slice %arg7[%dma_wait3A_204, %dma_wait3A_205] : memref<8x80xi32, #tpu.memory_space<vmem>> -> memref<1x80xi32, #tpu.memory_space<vmem>>
      %dma_wait3A_207 = tpu.memref_squeeze %dma_wait3A_206 : memref<1x80xi32, #tpu.memory_space<vmem>> -> memref<80xi32, #tpu.memory_space<vmem>>
      %dma_wait3A_208 = arith.constant 0 : i32
      %dma_wait3A_209 = arith.constant 0 : i32
      %dma_wait3A_210 = tpu.memref_slice %arg2[%dma_wait3A_208, %dma_wait3A_209] : memref<10000x128xf32, #tpu.memory_space<hbm>> -> memref<10000x128xf32, #tpu.memory_space<hbm>>
      tpu.wait_indirect_dma semaphore(%arg13 : memref<!tpu.dma_semaphore, #tpu.memory_space<semaphore_mem>>) src(%dma_wait3A_210 : memref<10000x128xf32, #tpu.memory_space<hbm>>) dst(%arg9 : memref<80x128xf32, #tpu.memory_space<vmem>>)
      %dma_start3A_211 = arith.constant 1 : i32
      %dma_start3A_212 = arith.constant 0 : i32
      %dma_start3A_213 = tpu.memref_slice %arg7[%dma_start3A_211, %dma_start3A_212] : memref<8x80xi32, #tpu.memory_space<vmem>> -> memref<1x80xi32, #tpu.memory_space<vmem>>
      %dma_start3A_214 = tpu.memref_squeeze %dma_start3A_213 : memref<1x80xi32, #tpu.memory_space<vmem>> -> memref<80xi32, #tpu.memory_space<vmem>>
      %dma_start3A_215 = arith.constant 0 : i32
      %dma_start3A_216 = arith.constant 0 : i32
      %dma_start3A_217 = tpu.memref_slice %arg12[%dma_start3A_215, %dma_start3A_216] : memref<10240x128xf32, #tpu.memory_space<vmem_shared>> -> memref<10240x128xf32, #tpu.memory_space<vmem_shared>>
      tpu.enqueue_indirect_dma source(%arg8 : memref<80x128xf32, #tpu.memory_space<vmem>>) target(%dma_start3A_217 : memref<10240x128xf32, #tpu.memory_space<vmem_shared>>) offsets(%dma_start3A_214 : memref<80xi32, #tpu.memory_space<vmem>>) semaphore(%arg14 : memref<!tpu.dma_semaphore, #tpu.memory_space<semaphore_mem>>) {add = true}
      %dma_start3A_218 = arith.constant 3 : i32
      %dma_start3A_219 = arith.constant 0 : i32
      %dma_start3A_220 = tpu.memref_slice %arg7[%dma_start3A_218, %dma_start3A_219] : memref<8x80xi32, #tpu.memory_space<vmem>> -> memref<1x80xi32, #tpu.memory_space<vmem>>
      %dma_start3A_221 = tpu.memref_squeeze %dma_start3A_220 : memref<1x80xi32, #tpu.memory_space<vmem>> -> memref<80xi32, #tpu.memory_space<vmem>>
      %dma_start3A_222 = arith.constant 0 : i32
      %dma_start3A_223 = arith.constant 0 : i32
      %dma_start3A_224 = tpu.memref_slice %arg12[%dma_start3A_222, %dma_start3A_223] : memref<10240x128xf32, #tpu.memory_space<vmem_shared>> -> memref<10240x128xf32, #tpu.memory_space<vmem_shared>>
      tpu.enqueue_indirect_dma source(%arg9 : memref<80x128xf32, #tpu.memory_space<vmem>>) target(%dma_start3A_224 : memref<10240x128xf32, #tpu.memory_space<vmem_shared>>) offsets(%dma_start3A_221 : memref<80xi32, #tpu.memory_space<vmem>>) semaphore(%arg14 : memref<!tpu.dma_semaphore, #tpu.memory_space<semaphore_mem>>) {add = true}
      %dma_start3A_225 = arith.constant 4 : i32
      %dma_start3A_226 = arith.constant 0 : i32
      %dma_start3A_227 = tpu.memref_slice %arg7[%dma_start3A_225, %dma_start3A_226] : memref<8x80xi32, #tpu.memory_space<vmem>> -> memref<1x80xi32, #tpu.memory_space<vmem>>
      %dma_start3A_228 = tpu.memref_squeeze %dma_start3A_227 : memref<1x80xi32, #tpu.memory_space<vmem>> -> memref<80xi32, #tpu.memory_space<vmem>>
      %dma_start3A_229 = arith.constant 0 : i32
      %dma_start3A_230 = arith.constant 0 : i32
      %dma_start3A_231 = tpu.memref_slice %arg2[%dma_start3A_229, %dma_start3A_230] : memref<10000x128xf32, #tpu.memory_space<hbm>> -> memref<10000x128xf32, #tpu.memory_space<hbm>>
      tpu.enqueue_indirect_dma source(%dma_start3A_231 : memref<10000x128xf32, #tpu.memory_space<hbm>>) target(%arg10 : memref<80x128xf32, #tpu.memory_space<vmem>>) offsets(%dma_start3A_228 : memref<80xi32, #tpu.memory_space<vmem>>) semaphore(%arg13 : memref<!tpu.dma_semaphore, #tpu.memory_space<semaphore_mem>>)
      %dma_start3A_232 = arith.constant 6 : i32
      %dma_start3A_233 = arith.constant 0 : i32
      %dma_start3A_234 = tpu.memref_slice %arg7[%dma_start3A_232, %dma_start3A_233] : memref<8x80xi32, #tpu.memory_space<vmem>> -> memref<1x80xi32, #tpu.memory_space<vmem>>
      %dma_start3A_235 = tpu.memref_squeeze %dma_start3A_234 : memref<1x80xi32, #tpu.memory_space<vmem>> -> memref<80xi32, #tpu.memory_space<vmem>>
      %dma_start3A_236 = arith.constant 0 : i32
      %dma_start3A_237 = arith.constant 0 : i32
      %dma_start3A_238 = tpu.memref_slice %arg2[%dma_start3A_236, %dma_start3A_237] : memref<10000x128xf32, #tpu.memory_space<hbm>> -> memref<10000x128xf32, #tpu.memory_space<hbm>>
      tpu.enqueue_indirect_dma source(%dma_start3A_238 : memref<10000x128xf32, #tpu.memory_space<hbm>>) target(%arg11 : memref<80x128xf32, #tpu.memory_space<vmem>>) offsets(%dma_start3A_235 : memref<80xi32, #tpu.memory_space<vmem>>) semaphore(%arg13 : memref<!tpu.dma_semaphore, #tpu.memory_space<semaphore_mem>>)
      %dma_wait3A_239 = arith.constant 1 : i32
      %dma_wait3A_240 = arith.constant 0 : i32
      %dma_wait3A_241 = tpu.memref_slice %arg7[%dma_wait3A_239, %dma_wait3A_240] : memref<8x80xi32, #tpu.memory_space<vmem>> -> memref<1x80xi32, #tpu.memory_space<vmem>>
      %dma_wait3A_242 = tpu.memref_squeeze %dma_wait3A_241 : memref<1x80xi32, #tpu.memory_space<vmem>> -> memref<80xi32, #tpu.memory_space<vmem>>
      %dma_wait3A_243 = arith.constant 0 : i32
      %dma_wait3A_244 = arith.constant 0 : i32
      %dma_wait3A_245 = tpu.memref_slice %arg12[%dma_wait3A_243, %dma_wait3A_244] : memref<10240x128xf32, #tpu.memory_space<vmem_shared>> -> memref<10240x128xf32, #tpu.memory_space<vmem_shared>>
      tpu.wait_indirect_dma semaphore(%arg14 : memref<!tpu.dma_semaphore, #tpu.memory_space<semaphore_mem>>) src(%arg8 : memref<80x128xf32, #tpu.memory_space<vmem>>) dst(%dma_wait3A_245 : memref<10240x128xf32, #tpu.memory_space<vmem_shared>>)
      %dma_wait3A_246 = arith.constant 3 : i32
      %dma_wait3A_247 = arith.constant 0 : i32
      %dma_wait3A_248 = tpu.memref_slice %arg7[%dma_wait3A_246, %dma_wait3A_247] : memref<8x80xi32, #tpu.memory_space<vmem>> -> memref<1x80xi32, #tpu.memory_space<vmem>>
      %dma_wait3A_249 = tpu.memref_squeeze %dma_wait3A_248 : memref<1x80xi32, #tpu.memory_space<vmem>> -> memref<80xi32, #tpu.memory_space<vmem>>
      %dma_wait3A_250 = arith.constant 0 : i32
      %dma_wait3A_251 = arith.constant 0 : i32
      %dma_wait3A_252 = tpu.memref_slice %arg12[%dma_wait3A_250, %dma_wait3A_251] : memref<10240x128xf32, #tpu.memory_space<vmem_shared>> -> memref<10240x128xf32, #tpu.memory_space<vmem_shared>>
      tpu.wait_indirect_dma semaphore(%arg14 : memref<!tpu.dma_semaphore, #tpu.memory_space<semaphore_mem>>) src(%arg9 : memref<80x128xf32, #tpu.memory_space<vmem>>) dst(%dma_wait3A_252 : memref<10240x128xf32, #tpu.memory_space<vmem_shared>>)
      %dma_wait3A_253 = arith.constant 4 : i32
      %dma_wait3A_254 = arith.constant 0 : i32
      %dma_wait3A_255 = tpu.memref_slice %arg7[%dma_wait3A_253, %dma_wait3A_254] : memref<8x80xi32, #tpu.memory_space<vmem>> -> memref<1x80xi32, #tpu.memory_space<vmem>>
      %dma_wait3A_256 = tpu.memref_squeeze %dma_wait3A_255 : memref<1x80xi32, #tpu.memory_space<vmem>> -> memref<80xi32, #tpu.memory_space<vmem>>
      %dma_wait3A_257 = arith.constant 0 : i32
      %dma_wait3A_258 = arith.constant 0 : i32
      %dma_wait3A_259 = tpu.memref_slice %arg2[%dma_wait3A_257, %dma_wait3A_258] : memref<10000x128xf32, #tpu.memory_space<hbm>> -> memref<10000x128xf32, #tpu.memory_space<hbm>>
      tpu.wait_indirect_dma semaphore(%arg13 : memref<!tpu.dma_semaphore, #tpu.memory_space<semaphore_mem>>) src(%dma_wait3A_259 : memref<10000x128xf32, #tpu.memory_space<hbm>>) dst(%arg10 : memref<80x128xf32, #tpu.memory_space<vmem>>)
      %dma_wait3A_260 = arith.constant 6 : i32
      %dma_wait3A_261 = arith.constant 0 : i32
      %dma_wait3A_262 = tpu.memref_slice %arg7[%dma_wait3A_260, %dma_wait3A_261] : memref<8x80xi32, #tpu.memory_space<vmem>> -> memref<1x80xi32, #tpu.memory_space<vmem>>
      %dma_wait3A_263 = tpu.memref_squeeze %dma_wait3A_262 : memref<1x80xi32, #tpu.memory_space<vmem>> -> memref<80xi32, #tpu.memory_space<vmem>>
      %dma_wait3A_264 = arith.constant 0 : i32
      %dma_wait3A_265 = arith.constant 0 : i32
      %dma_wait3A_266 = tpu.memref_slice %arg2[%dma_wait3A_264, %dma_wait3A_265] : memref<10000x128xf32, #tpu.memory_space<hbm>> -> memref<10000x128xf32, #tpu.memory_space<hbm>>
      tpu.wait_indirect_dma semaphore(%arg13 : memref<!tpu.dma_semaphore, #tpu.memory_space<semaphore_mem>>) src(%dma_wait3A_266 : memref<10000x128xf32, #tpu.memory_space<hbm>>) dst(%arg11 : memref<80x128xf32, #tpu.memory_space<vmem>>)
      %dma_start3A_267 = arith.constant 5 : i32
      %dma_start3A_268 = arith.constant 0 : i32
      %dma_start3A_269 = tpu.memref_slice %arg7[%dma_start3A_267, %dma_start3A_268] : memref<8x80xi32, #tpu.memory_space<vmem>> -> memref<1x80xi32, #tpu.memory_space<vmem>>
      %dma_start3A_270 = tpu.memref_squeeze %dma_start3A_269 : memref<1x80xi32, #tpu.memory_space<vmem>> -> memref<80xi32, #tpu.memory_space<vmem>>
      %dma_start3A_271 = arith.constant 0 : i32
      %dma_start3A_272 = arith.constant 0 : i32
      %dma_start3A_273 = tpu.memref_slice %arg12[%dma_start3A_271, %dma_start3A_272] : memref<10240x128xf32, #tpu.memory_space<vmem_shared>> -> memref<10240x128xf32, #tpu.memory_space<vmem_shared>>
      tpu.enqueue_indirect_dma source(%arg10 : memref<80x128xf32, #tpu.memory_space<vmem>>) target(%dma_start3A_273 : memref<10240x128xf32, #tpu.memory_space<vmem_shared>>) offsets(%dma_start3A_270 : memref<80xi32, #tpu.memory_space<vmem>>) semaphore(%arg14 : memref<!tpu.dma_semaphore, #tpu.memory_space<semaphore_mem>>) {add = true}
      %dma_start3A_274 = arith.constant 7 : i32
      %dma_start3A_275 = arith.constant 0 : i32
      %dma_start3A_276 = tpu.memref_slice %arg7[%dma_start3A_274, %dma_start3A_275] : memref<8x80xi32, #tpu.memory_space<vmem>> -> memref<1x80xi32, #tpu.memory_space<vmem>>
      %dma_start3A_277 = tpu.memref_squeeze %dma_start3A_276 : memref<1x80xi32, #tpu.memory_space<vmem>> -> memref<80xi32, #tpu.memory_space<vmem>>
      %dma_start3A_278 = arith.constant 0 : i32
      %dma_start3A_279 = arith.constant 0 : i32
      %dma_start3A_280 = tpu.memref_slice %arg12[%dma_start3A_278, %dma_start3A_279] : memref<10240x128xf32, #tpu.memory_space<vmem_shared>> -> memref<10240x128xf32, #tpu.memory_space<vmem_shared>>
      tpu.enqueue_indirect_dma source(%arg11 : memref<80x128xf32, #tpu.memory_space<vmem>>) target(%dma_start3A_280 : memref<10240x128xf32, #tpu.memory_space<vmem_shared>>) offsets(%dma_start3A_277 : memref<80xi32, #tpu.memory_space<vmem>>) semaphore(%arg14 : memref<!tpu.dma_semaphore, #tpu.memory_space<semaphore_mem>>) {add = true}
    }
    %scan3A_16 = arith.constant 16 : i32
    %dma_wait3A = arith.constant 5 : i32
    %dma_wait3A_17 = arith.constant 0 : i32
    %dma_wait3A_18 = tpu.memref_slice %arg7[%dma_wait3A, %dma_wait3A_17] : memref<8x80xi32, #tpu.memory_space<vmem>> -> memref<1x80xi32, #tpu.memory_space<vmem>>
    %dma_wait3A_19 = tpu.memref_squeeze %dma_wait3A_18 : memref<1x80xi32, #tpu.memory_space<vmem>> -> memref<80xi32, #tpu.memory_space<vmem>>
    %dma_wait3A_20 = arith.constant 0 : i32
    %dma_wait3A_21 = arith.constant 0 : i32
    %dma_wait3A_22 = tpu.memref_slice %arg12[%dma_wait3A_20, %dma_wait3A_21] : memref<10240x128xf32, #tpu.memory_space<vmem_shared>> -> memref<10240x128xf32, #tpu.memory_space<vmem_shared>>
    tpu.wait_indirect_dma semaphore(%arg14 : memref<!tpu.dma_semaphore, #tpu.memory_space<semaphore_mem>>) src(%arg10 : memref<80x128xf32, #tpu.memory_space<vmem>>) dst(%dma_wait3A_22 : memref<10240x128xf32, #tpu.memory_space<vmem_shared>>)
    %dma_wait3A_23 = arith.constant 7 : i32
    %dma_wait3A_24 = arith.constant 0 : i32
    %dma_wait3A_25 = tpu.memref_slice %arg7[%dma_wait3A_23, %dma_wait3A_24] : memref<8x80xi32, #tpu.memory_space<vmem>> -> memref<1x80xi32, #tpu.memory_space<vmem>>
    %dma_wait3A_26 = tpu.memref_squeeze %dma_wait3A_25 : memref<1x80xi32, #tpu.memory_space<vmem>> -> memref<80xi32, #tpu.memory_space<vmem>>
    %dma_wait3A_27 = arith.constant 0 : i32
    %dma_wait3A_28 = arith.constant 0 : i32
    %dma_wait3A_29 = tpu.memref_slice %arg12[%dma_wait3A_27, %dma_wait3A_28] : memref<10240x128xf32, #tpu.memory_space<vmem_shared>> -> memref<10240x128xf32, #tpu.memory_space<vmem_shared>>
    tpu.wait_indirect_dma semaphore(%arg14 : memref<!tpu.dma_semaphore, #tpu.memory_space<semaphore_mem>>) src(%arg11 : memref<80x128xf32, #tpu.memory_space<vmem>>) dst(%dma_wait3A_29 : memref<10240x128xf32, #tpu.memory_space<vmem_shared>>)
    %barrier3A_30 = arith.constant 0 : index
    tpu.barrier barrier_id(%barrier3A_30)
    %mul3A_31 = arith.constant 640 : i32
    %mul3A_32 = arith.muli %arg1, %mul3A_31 : i32
    %mul3A_33 = arith.constant 640 : i32
    %mul3A_34 = arith.muli %arg1, %mul3A_33 : i32
    "tpu.region"() ({
      %run_scoped3A = tpu.sem_alloc : memref<!tpu.dma_semaphore, #tpu.memory_space<semaphore_mem>>
      %dma_start3A_35 = arith.constant 0 : i32
      %dma_start3A_36 = tpu.memref_slice %arg5[%arg0, %mul3A_34, %dma_start3A_35] : memref<2x10240x128xf32, #tpu.memory_space<hbm>> -> memref<1x640x128xf32, #tpu.memory_space<hbm>>
      %dma_start3A_37 = tpu.memref_squeeze %dma_start3A_36 : memref<1x640x128xf32, #tpu.memory_space<hbm>> -> memref<640x128xf32, #tpu.memory_space<hbm>>
      %dma_start3A_38 = arith.constant 0 : i32
      %dma_start3A_39 = tpu.memref_slice %arg12[%mul3A_32, %dma_start3A_38] : memref<10240x128xf32, #tpu.memory_space<vmem_shared>> -> memref<640x128xf32, #tpu.memory_space<vmem_shared>>
      tpu.enqueue_dma source(%dma_start3A_39 : memref<640x128xf32, #tpu.memory_space<vmem_shared>>) target(%dma_start3A_37 : memref<640x128xf32, #tpu.memory_space<hbm>>) target_semaphore(%run_scoped3A : memref<!tpu.dma_semaphore, #tpu.memory_space<semaphore_mem>>)
      %dma_wait3A_40 = arith.constant 0 : i32
      %dma_wait3A_41 = tpu.memref_slice %arg5[%arg0, %mul3A_34, %dma_wait3A_40] : memref<2x10240x128xf32, #tpu.memory_space<hbm>> -> memref<1x640x128xf32, #tpu.memory_space<hbm>>
      %dma_wait3A_42 = tpu.memref_squeeze %dma_wait3A_41 : memref<1x640x128xf32, #tpu.memory_space<hbm>> -> memref<640x128xf32, #tpu.memory_space<hbm>>
      %dma_wait3A_43 = arith.constant 0 : i32
      %dma_wait3A_44 = tpu.memref_slice %arg12[%mul3A_32, %dma_wait3A_43] : memref<10240x128xf32, #tpu.memory_space<vmem_shared>> -> memref<640x128xf32, #tpu.memory_space<vmem_shared>>
      tpu.wait_dma2 semaphore(%run_scoped3A : memref<!tpu.dma_semaphore, #tpu.memory_space<semaphore_mem>>) src(%dma_wait3A_44 : memref<640x128xf32, #tpu.memory_space<vmem_shared>>) dst(%dma_wait3A_42 : memref<640x128xf32, #tpu.memory_space<hbm>>)
      tpu.yield
    }) : () -> ()
    return
  }
}

#map = affine_map<(d0, d1) -> (0, 0)>
#map1 = affine_map<(d0, d1) -> (0, 0, 0)>
module attributes {stable_mosaic.version = 14 : i64} {
  func.func @_edge_body(%arg0: i32, %arg1: i32, %arg2: memref<10000x128xf32, #tpu.memory_space<hbm>>, %arg3: memref<32x256x80xi32, #tpu.memory_space<hbm>>, %arg4: memref<10240x128xf32, #tpu.memory_space<hbm>>, %arg5: memref<2x10240x128xf32, #tpu.memory_space<hbm>>, %arg6: memref<8x80xi32, #tpu.memory_space<vmem>>, %arg7: memref<8x80xi32, #tpu.memory_space<vmem>>, %arg8: memref<80x128xf32, #tpu.memory_space<vmem>>, %arg9: memref<80x128xf32, #tpu.memory_space<vmem>>, %arg10: memref<80x128xf32, #tpu.memory_space<vmem>>, %arg11: memref<80x128xf32, #tpu.memory_space<vmem>>, %arg12: memref<10240x128xf32, #tpu.memory_space<vmem_shared>>, %arg13: memref<!tpu.dma_semaphore, #tpu.memory_space<semaphore_mem>>, %arg14: memref<!tpu.dma_semaphore, #tpu.memory_space<semaphore_mem>>, %arg15: memref<!tpu.dma_semaphore, #tpu.memory_space<semaphore_mem>>) attributes {dimension_semantics = [#tpu.dimension_semantics<core_parallel>, #tpu.dimension_semantics<subcore_parallel>], iteration_bounds = array<i64: 2, 16>, scalar_prefetch = 0 : i64, scratch_operands = 10 : i64, tpu.core_type = #tpu.core_type<sc_vector_subcore>, window_params = [{transform_indices = #map}, {transform_indices = #map1}, {transform_indices = #map}, {transform_indices = #map1}]} {
    %mul3A = arith.constant 16 : i32
    %mul3A_0 = arith.muli %arg0, %mul3A : i32
    %add3A = arith.addi %mul3A_0, %arg1 : i32
    %mul3A_1 = arith.constant 640 : i32
    %mul3A_2 = arith.muli %arg1, %mul3A_1 : i32
    %mul3A_3 = arith.constant 640 : i32
    %mul3A_4 = arith.muli %arg1, %mul3A_3 : i32
    "tpu.region"() ({
      %run_scoped3A = tpu.sem_alloc : memref<!tpu.dma_semaphore, #tpu.memory_space<semaphore_mem>>
      %dma_start3A_35 = arith.constant 0 : i32
      %dma_start3A_36 = tpu.memref_slice %arg12[%mul3A_4, %dma_start3A_35] : memref<10240x128xf32, #tpu.memory_space<vmem_shared>> -> memref<640x128xf32, #tpu.memory_space<vmem_shared>>
      %dma_start3A_37 = arith.constant 0 : i32
      %dma_start3A_38 = tpu.memref_slice %arg4[%mul3A_2, %dma_start3A_37] : memref<10240x128xf32, #tpu.memory_space<hbm>> -> memref<640x128xf32, #tpu.memory_space<hbm>>
      tpu.enqueue_dma source(%dma_start3A_38 : memref<640x128xf32, #tpu.memory_space<hbm>>) target(%dma_start3A_36 : memref<640x128xf32, #tpu.memory_space<vmem_shared>>) target_semaphore(%run_scoped3A : memref<!tpu.dma_semaphore, #tpu.memory_space<semaphore_mem>>)
      %dma_wait3A_39 = arith.constant 0 : i32
      %dma_wait3A_40 = tpu.memref_slice %arg12[%mul3A_4, %dma_wait3A_39] : memref<10240x128xf32, #tpu.memory_space<vmem_shared>> -> memref<640x128xf32, #tpu.memory_space<vmem_shared>>
      %dma_wait3A_41 = arith.constant 0 : i32
      %dma_wait3A_42 = tpu.memref_slice %arg4[%mul3A_2, %dma_wait3A_41] : memref<10240x128xf32, #tpu.memory_space<hbm>> -> memref<640x128xf32, #tpu.memory_space<hbm>>
      tpu.wait_dma2 semaphore(%run_scoped3A : memref<!tpu.dma_semaphore, #tpu.memory_space<semaphore_mem>>) src(%dma_wait3A_42 : memref<640x128xf32, #tpu.memory_space<hbm>>) dst(%dma_wait3A_40 : memref<640x128xf32, #tpu.memory_space<vmem_shared>>)
      tpu.yield
    }) : () -> ()
    %barrier3A = arith.constant 0 : index
    tpu.barrier barrier_id(%barrier3A)
    %dma_start3A = arith.constant 0 : i32
    %dma_start3A_5 = arith.constant 0 : i32
    %dma_start3A_6 = tpu.memref_slice %arg3[%add3A, %dma_start3A, %dma_start3A_5] : memref<32x256x80xi32, #tpu.memory_space<hbm>> -> memref<1x8x80xi32, #tpu.memory_space<hbm>>
    %dma_start3A_7 = tpu.memref_squeeze %dma_start3A_6 : memref<1x8x80xi32, #tpu.memory_space<hbm>> -> memref<8x80xi32, #tpu.memory_space<hbm>>
    %dma_start3A_8 = arith.constant 0 : i32
    %dma_start3A_9 = arith.constant 0 : i32
    %dma_start3A_10 = tpu.memref_slice %arg3[%add3A, %dma_start3A_8, %dma_start3A_9] : memref<32x256x80xi32, #tpu.memory_space<hbm>> -> memref<1x8x80xi32, #tpu.memory_space<hbm>>
    %dma_start3A_11 = tpu.memref_squeeze %dma_start3A_10 : memref<1x8x80xi32, #tpu.memory_space<hbm>> -> memref<8x80xi32, #tpu.memory_space<hbm>>
    tpu.enqueue_dma source(%dma_start3A_11 : memref<8x80xi32, #tpu.memory_space<hbm>>) target(%arg6 : memref<8x80xi32, #tpu.memory_space<vmem>>) target_semaphore(%arg15 : memref<!tpu.dma_semaphore, #tpu.memory_space<semaphore_mem>>)
    %scan3A = arith.constant 0 : i32
    %scan3A_12 = arith.constant 0 : i32
    %scan3A_13 = arith.constant 16 : i32
    %scan3A_14 = arith.addi %scan3A_12, %scan3A_13 : i32
    %scan3A_15 = arith.constant 1 : i32
    scf.for %scan3A_35 = %scan3A_12 to %scan3A_14 step %scan3A_15  : i32 {
      %mul3A_36 = arith.constant 16 : i32
      %mul3A_37 = arith.muli %mul3A_36, %scan3A_35 : i32
      %dma_wait3A_38 = arith.constant 0 : i32
      %dma_wait3A_39 = tpu.memref_slice %arg3[%add3A, %mul3A_37, %dma_wait3A_38] : memref<32x256x80xi32, #tpu.memory_space<hbm>> -> memref<1x8x80xi32, #tpu.memory_space<hbm>>
      %dma_wait3A_40 = tpu.memref_squeeze %dma_wait3A_39 : memref<1x8x80xi32, #tpu.memory_space<hbm>> -> memref<8x80xi32, #tpu.memory_space<hbm>>
      %dma_wait3A_41 = arith.constant 0 : i32
      %dma_wait3A_42 = tpu.memref_slice %arg3[%add3A, %mul3A_37, %dma_wait3A_41] : memref<32x256x80xi32, #tpu.memory_space<hbm>> -> memref<1x8x80xi32, #tpu.memory_space<hbm>>
      %dma_wait3A_43 = tpu.memref_squeeze %dma_wait3A_42 : memref<1x8x80xi32, #tpu.memory_space<hbm>> -> memref<8x80xi32, #tpu.memory_space<hbm>>
      tpu.wait_dma2 semaphore(%arg15 : memref<!tpu.dma_semaphore, #tpu.memory_space<semaphore_mem>>) src(%dma_wait3A_43 : memref<8x80xi32, #tpu.memory_space<hbm>>) dst(%arg6 : memref<8x80xi32, #tpu.memory_space<vmem>>)
      %dma_start3A_44 = arith.constant 0 : i32
      %dma_start3A_45 = arith.constant 0 : i32
      %dma_start3A_46 = tpu.memref_slice %arg6[%dma_start3A_44, %dma_start3A_45] : memref<8x80xi32, #tpu.memory_space<vmem>> -> memref<1x80xi32, #tpu.memory_space<vmem>>
      %dma_start3A_47 = tpu.memref_squeeze %dma_start3A_46 : memref<1x80xi32, #tpu.memory_space<vmem>> -> memref<80xi32, #tpu.memory_space<vmem>>
      %dma_start3A_48 = arith.constant 0 : i32
      %dma_start3A_49 = arith.constant 0 : i32
      %dma_start3A_50 = tpu.memref_slice %arg2[%dma_start3A_48, %dma_start3A_49] : memref<10000x128xf32, #tpu.memory_space<hbm>> -> memref<10000x128xf32, #tpu.memory_space<hbm>>
      tpu.enqueue_indirect_dma source(%dma_start3A_50 : memref<10000x128xf32, #tpu.memory_space<hbm>>) target(%arg8 : memref<80x128xf32, #tpu.memory_space<vmem>>) offsets(%dma_start3A_47 : memref<80xi32, #tpu.memory_space<vmem>>) semaphore(%arg13 : memref<!tpu.dma_semaphore, #tpu.memory_space<semaphore_mem>>)
      %dma_start3A_51 = arith.constant 2 : i32
      %dma_start3A_52 = arith.constant 0 : i32
      %dma_start3A_53 = tpu.memref_slice %arg6[%dma_start3A_51, %dma_start3A_52] : memref<8x80xi32, #tpu.memory_space<vmem>> -> memref<1x80xi32, #tpu.memory_space<vmem>>
      %dma_start3A_54 = tpu.memref_squeeze %dma_start3A_53 : memref<1x80xi32, #tpu.memory_space<vmem>> -> memref<80xi32, #tpu.memory_space<vmem>>
      %dma_start3A_55 = arith.constant 0 : i32
      %dma_start3A_56 = arith.constant 0 : i32
      %dma_start3A_57 = tpu.memref_slice %arg2[%dma_start3A_55, %dma_start3A_56] : memref<10000x128xf32, #tpu.memory_space<hbm>> -> memref<10000x128xf32, #tpu.memory_space<hbm>>
      tpu.enqueue_indirect_dma source(%dma_start3A_57 : memref<10000x128xf32, #tpu.memory_space<hbm>>) target(%arg9 : memref<80x128xf32, #tpu.memory_space<vmem>>) offsets(%dma_start3A_54 : memref<80xi32, #tpu.memory_space<vmem>>) semaphore(%arg13 : memref<!tpu.dma_semaphore, #tpu.memory_space<semaphore_mem>>)
      %ne3A = arith.constant 0 : i32
      %ne3A_58 = arith.cmpi ne, %scan3A_35, %ne3A : i32
      %convert_element_type3A = arith.extui %ne3A_58 : i1 to i32
      %cond3A = arith.constant 0 : i32
      %cond3A_59 = arith.cmpi ne, %convert_element_type3A, %cond3A : i32
      scf.if %cond3A_59 {
        %dma_wait3A_281 = arith.constant 5 : i32
        %dma_wait3A_282 = arith.constant 0 : i32
        %dma_wait3A_283 = tpu.memref_slice %arg7[%dma_wait3A_281, %dma_wait3A_282] : memref<8x80xi32, #tpu.memory_space<vmem>> -> memref<1x80xi32, #tpu.memory_space<vmem>>
        %dma_wait3A_284 = tpu.memref_squeeze %dma_wait3A_283 : memref<1x80xi32, #tpu.memory_space<vmem>> -> memref<80xi32, #tpu.memory_space<vmem>>
        %dma_wait3A_285 = arith.constant 0 : i32
        %dma_wait3A_286 = arith.constant 0 : i32
        %dma_wait3A_287 = tpu.memref_slice %arg12[%dma_wait3A_285, %dma_wait3A_286] : memref<10240x128xf32, #tpu.memory_space<vmem_shared>> -> memref<10240x128xf32, #tpu.memory_space<vmem_shared>>
        tpu.wait_indirect_dma semaphore(%arg14 : memref<!tpu.dma_semaphore, #tpu.memory_space<semaphore_mem>>) src(%arg10 : memref<80x128xf32, #tpu.memory_space<vmem>>) dst(%dma_wait3A_287 : memref<10240x128xf32, #tpu.memory_space<vmem_shared>>)
        %dma_wait3A_288 = arith.constant 7 : i32
        %dma_wait3A_289 = arith.constant 0 : i32
        %dma_wait3A_290 = tpu.memref_slice %arg7[%dma_wait3A_288, %dma_wait3A_289] : memref<8x80xi32, #tpu.memory_space<vmem>> -> memref<1x80xi32, #tpu.memory_space<vmem>>
        %dma_wait3A_291 = tpu.memref_squeeze %dma_wait3A_290 : memref<1x80xi32, #tpu.memory_space<vmem>> -> memref<80xi32, #tpu.memory_space<vmem>>
        %dma_wait3A_292 = arith.constant 0 : i32
        %dma_wait3A_293 = arith.constant 0 : i32
        %dma_wait3A_294 = tpu.memref_slice %arg12[%dma_wait3A_292, %dma_wait3A_293] : memref<10240x128xf32, #tpu.memory_space<vmem_shared>> -> memref<10240x128xf32, #tpu.memory_space<vmem_shared>>
        tpu.wait_indirect_dma semaphore(%arg14 : memref<!tpu.dma_semaphore, #tpu.memory_space<semaphore_mem>>) src(%arg11 : memref<80x128xf32, #tpu.memory_space<vmem>>) dst(%dma_wait3A_294 : memref<10240x128xf32, #tpu.memory_space<vmem_shared>>)
      } else {
      }
      %mul3A_60 = arith.constant 16 : i32
      %mul3A_61 = arith.muli %mul3A_60, %scan3A_35 : i32
      %add3A_62 = arith.constant 8 : i32
      %add3A_63 = arith.addi %mul3A_61, %add3A_62 : i32
      %dma_start3A_64 = arith.constant 0 : i32
      %dma_start3A_65 = tpu.memref_slice %arg3[%add3A, %add3A_63, %dma_start3A_64] : memref<32x256x80xi32, #tpu.memory_space<hbm>> -> memref<1x8x80xi32, #tpu.memory_space<hbm>>
      %dma_start3A_66 = tpu.memref_squeeze %dma_start3A_65 : memref<1x8x80xi32, #tpu.memory_space<hbm>> -> memref<8x80xi32, #tpu.memory_space<hbm>>
      %dma_start3A_67 = arith.constant 0 : i32
      %dma_start3A_68 = tpu.memref_slice %arg3[%add3A, %add3A_63, %dma_start3A_67] : memref<32x256x80xi32, #tpu.memory_space<hbm>> -> memref<1x8x80xi32, #tpu.memory_space<hbm>>
      %dma_start3A_69 = tpu.memref_squeeze %dma_start3A_68 : memref<1x8x80xi32, #tpu.memory_space<hbm>> -> memref<8x80xi32, #tpu.memory_space<hbm>>
      tpu.enqueue_dma source(%dma_start3A_69 : memref<8x80xi32, #tpu.memory_space<hbm>>) target(%arg7 : memref<8x80xi32, #tpu.memory_space<vmem>>) target_semaphore(%arg15 : memref<!tpu.dma_semaphore, #tpu.memory_space<semaphore_mem>>)
      %dma_wait3A_70 = arith.constant 0 : i32
      %dma_wait3A_71 = arith.constant 0 : i32
      %dma_wait3A_72 = tpu.memref_slice %arg6[%dma_wait3A_70, %dma_wait3A_71] : memref<8x80xi32, #tpu.memory_space<vmem>> -> memref<1x80xi32, #tpu.memory_space<vmem>>
      %dma_wait3A_73 = tpu.memref_squeeze %dma_wait3A_72 : memref<1x80xi32, #tpu.memory_space<vmem>> -> memref<80xi32, #tpu.memory_space<vmem>>
      %dma_wait3A_74 = arith.constant 0 : i32
      %dma_wait3A_75 = arith.constant 0 : i32
      %dma_wait3A_76 = tpu.memref_slice %arg2[%dma_wait3A_74, %dma_wait3A_75] : memref<10000x128xf32, #tpu.memory_space<hbm>> -> memref<10000x128xf32, #tpu.memory_space<hbm>>
      tpu.wait_indirect_dma semaphore(%arg13 : memref<!tpu.dma_semaphore, #tpu.memory_space<semaphore_mem>>) src(%dma_wait3A_76 : memref<10000x128xf32, #tpu.memory_space<hbm>>) dst(%arg8 : memref<80x128xf32, #tpu.memory_space<vmem>>)
      %dma_wait3A_77 = arith.constant 2 : i32
      %dma_wait3A_78 = arith.constant 0 : i32
      %dma_wait3A_79 = tpu.memref_slice %arg6[%dma_wait3A_77, %dma_wait3A_78] : memref<8x80xi32, #tpu.memory_space<vmem>> -> memref<1x80xi32, #tpu.memory_space<vmem>>
      %dma_wait3A_80 = tpu.memref_squeeze %dma_wait3A_79 : memref<1x80xi32, #tpu.memory_space<vmem>> -> memref<80xi32, #tpu.memory_space<vmem>>
      %dma_wait3A_81 = arith.constant 0 : i32
      %dma_wait3A_82 = arith.constant 0 : i32
      %dma_wait3A_83 = tpu.memref_slice %arg2[%dma_wait3A_81, %dma_wait3A_82] : memref<10000x128xf32, #tpu.memory_space<hbm>> -> memref<10000x128xf32, #tpu.memory_space<hbm>>
      tpu.wait_indirect_dma semaphore(%arg13 : memref<!tpu.dma_semaphore, #tpu.memory_space<semaphore_mem>>) src(%dma_wait3A_83 : memref<10000x128xf32, #tpu.memory_space<hbm>>) dst(%arg9 : memref<80x128xf32, #tpu.memory_space<vmem>>)
      %dma_start3A_84 = arith.constant 1 : i32
      %dma_start3A_85 = arith.constant 0 : i32
      %dma_start3A_86 = tpu.memref_slice %arg6[%dma_start3A_84, %dma_start3A_85] : memref<8x80xi32, #tpu.memory_space<vmem>> -> memref<1x80xi32, #tpu.memory_space<vmem>>
      %dma_start3A_87 = tpu.memref_squeeze %dma_start3A_86 : memref<1x80xi32, #tpu.memory_space<vmem>> -> memref<80xi32, #tpu.memory_space<vmem>>
      %dma_start3A_88 = arith.constant 0 : i32
      %dma_start3A_89 = arith.constant 0 : i32
      %dma_start3A_90 = tpu.memref_slice %arg12[%dma_start3A_88, %dma_start3A_89] : memref<10240x128xf32, #tpu.memory_space<vmem_shared>> -> memref<10240x128xf32, #tpu.memory_space<vmem_shared>>
      tpu.enqueue_indirect_dma source(%arg8 : memref<80x128xf32, #tpu.memory_space<vmem>>) target(%dma_start3A_90 : memref<10240x128xf32, #tpu.memory_space<vmem_shared>>) offsets(%dma_start3A_87 : memref<80xi32, #tpu.memory_space<vmem>>) semaphore(%arg14 : memref<!tpu.dma_semaphore, #tpu.memory_space<semaphore_mem>>) {add = true}
      %dma_start3A_91 = arith.constant 3 : i32
      %dma_start3A_92 = arith.constant 0 : i32
      %dma_start3A_93 = tpu.memref_slice %arg6[%dma_start3A_91, %dma_start3A_92] : memref<8x80xi32, #tpu.memory_space<vmem>> -> memref<1x80xi32, #tpu.memory_space<vmem>>
      %dma_start3A_94 = tpu.memref_squeeze %dma_start3A_93 : memref<1x80xi32, #tpu.memory_space<vmem>> -> memref<80xi32, #tpu.memory_space<vmem>>
      %dma_start3A_95 = arith.constant 0 : i32
      %dma_start3A_96 = arith.constant 0 : i32
      %dma_start3A_97 = tpu.memref_slice %arg12[%dma_start3A_95, %dma_start3A_96] : memref<10240x128xf32, #tpu.memory_space<vmem_shared>> -> memref<10240x128xf32, #tpu.memory_space<vmem_shared>>
      tpu.enqueue_indirect_dma source(%arg9 : memref<80x128xf32, #tpu.memory_space<vmem>>) target(%dma_start3A_97 : memref<10240x128xf32, #tpu.memory_space<vmem_shared>>) offsets(%dma_start3A_94 : memref<80xi32, #tpu.memory_space<vmem>>) semaphore(%arg14 : memref<!tpu.dma_semaphore, #tpu.memory_space<semaphore_mem>>) {add = true}
      %dma_start3A_98 = arith.constant 4 : i32
      %dma_start3A_99 = arith.constant 0 : i32
      %dma_start3A_100 = tpu.memref_slice %arg6[%dma_start3A_98, %dma_start3A_99] : memref<8x80xi32, #tpu.memory_space<vmem>> -> memref<1x80xi32, #tpu.memory_space<vmem>>
      %dma_start3A_101 = tpu.memref_squeeze %dma_start3A_100 : memref<1x80xi32, #tpu.memory_space<vmem>> -> memref<80xi32, #tpu.memory_space<vmem>>
      %dma_start3A_102 = arith.constant 0 : i32
      %dma_start3A_103 = arith.constant 0 : i32
      %dma_start3A_104 = tpu.memref_slice %arg2[%dma_start3A_102, %dma_start3A_103] : memref<10000x128xf32, #tpu.memory_space<hbm>> -> memref<10000x128xf32, #tpu.memory_space<hbm>>
      tpu.enqueue_indirect_dma source(%dma_start3A_104 : memref<10000x128xf32, #tpu.memory_space<hbm>>) target(%arg10 : memref<80x128xf32, #tpu.memory_space<vmem>>) offsets(%dma_start3A_101 : memref<80xi32, #tpu.memory_space<vmem>>) semaphore(%arg13 : memref<!tpu.dma_semaphore, #tpu.memory_space<semaphore_mem>>)
      %dma_start3A_105 = arith.constant 6 : i32
      %dma_start3A_106 = arith.constant 0 : i32
      %dma_start3A_107 = tpu.memref_slice %arg6[%dma_start3A_105, %dma_start3A_106] : memref<8x80xi32, #tpu.memory_space<vmem>> -> memref<1x80xi32, #tpu.memory_space<vmem>>
      %dma_start3A_108 = tpu.memref_squeeze %dma_start3A_107 : memref<1x80xi32, #tpu.memory_space<vmem>> -> memref<80xi32, #tpu.memory_space<vmem>>
      %dma_start3A_109 = arith.constant 0 : i32
      %dma_start3A_110 = arith.constant 0 : i32
      %dma_start3A_111 = tpu.memref_slice %arg2[%dma_start3A_109, %dma_start3A_110] : memref<10000x128xf32, #tpu.memory_space<hbm>> -> memref<10000x128xf32, #tpu.memory_space<hbm>>
      tpu.enqueue_indirect_dma source(%dma_start3A_111 : memref<10000x128xf32, #tpu.memory_space<hbm>>) target(%arg11 : memref<80x128xf32, #tpu.memory_space<vmem>>) offsets(%dma_start3A_108 : memref<80xi32, #tpu.memory_space<vmem>>) semaphore(%arg13 : memref<!tpu.dma_semaphore, #tpu.memory_space<semaphore_mem>>)
      %dma_wait3A_112 = arith.constant 1 : i32
      %dma_wait3A_113 = arith.constant 0 : i32
      %dma_wait3A_114 = tpu.memref_slice %arg6[%dma_wait3A_112, %dma_wait3A_113] : memref<8x80xi32, #tpu.memory_space<vmem>> -> memref<1x80xi32, #tpu.memory_space<vmem>>
      %dma_wait3A_115 = tpu.memref_squeeze %dma_wait3A_114 : memref<1x80xi32, #tpu.memory_space<vmem>> -> memref<80xi32, #tpu.memory_space<vmem>>
      %dma_wait3A_116 = arith.constant 0 : i32
      %dma_wait3A_117 = arith.constant 0 : i32
      %dma_wait3A_118 = tpu.memref_slice %arg12[%dma_wait3A_116, %dma_wait3A_117] : memref<10240x128xf32, #tpu.memory_space<vmem_shared>> -> memref<10240x128xf32, #tpu.memory_space<vmem_shared>>
      tpu.wait_indirect_dma semaphore(%arg14 : memref<!tpu.dma_semaphore, #tpu.memory_space<semaphore_mem>>) src(%arg8 : memref<80x128xf32, #tpu.memory_space<vmem>>) dst(%dma_wait3A_118 : memref<10240x128xf32, #tpu.memory_space<vmem_shared>>)
      %dma_wait3A_119 = arith.constant 3 : i32
      %dma_wait3A_120 = arith.constant 0 : i32
      %dma_wait3A_121 = tpu.memref_slice %arg6[%dma_wait3A_119, %dma_wait3A_120] : memref<8x80xi32, #tpu.memory_space<vmem>> -> memref<1x80xi32, #tpu.memory_space<vmem>>
      %dma_wait3A_122 = tpu.memref_squeeze %dma_wait3A_121 : memref<1x80xi32, #tpu.memory_space<vmem>> -> memref<80xi32, #tpu.memory_space<vmem>>
      %dma_wait3A_123 = arith.constant 0 : i32
      %dma_wait3A_124 = arith.constant 0 : i32
      %dma_wait3A_125 = tpu.memref_slice %arg12[%dma_wait3A_123, %dma_wait3A_124] : memref<10240x128xf32, #tpu.memory_space<vmem_shared>> -> memref<10240x128xf32, #tpu.memory_space<vmem_shared>>
      tpu.wait_indirect_dma semaphore(%arg14 : memref<!tpu.dma_semaphore, #tpu.memory_space<semaphore_mem>>) src(%arg9 : memref<80x128xf32, #tpu.memory_space<vmem>>) dst(%dma_wait3A_125 : memref<10240x128xf32, #tpu.memory_space<vmem_shared>>)
      %dma_wait3A_126 = arith.constant 4 : i32
      %dma_wait3A_127 = arith.constant 0 : i32
      %dma_wait3A_128 = tpu.memref_slice %arg6[%dma_wait3A_126, %dma_wait3A_127] : memref<8x80xi32, #tpu.memory_space<vmem>> -> memref<1x80xi32, #tpu.memory_space<vmem>>
      %dma_wait3A_129 = tpu.memref_squeeze %dma_wait3A_128 : memref<1x80xi32, #tpu.memory_space<vmem>> -> memref<80xi32, #tpu.memory_space<vmem>>
      %dma_wait3A_130 = arith.constant 0 : i32
      %dma_wait3A_131 = arith.constant 0 : i32
      %dma_wait3A_132 = tpu.memref_slice %arg2[%dma_wait3A_130, %dma_wait3A_131] : memref<10000x128xf32, #tpu.memory_space<hbm>> -> memref<10000x128xf32, #tpu.memory_space<hbm>>
      tpu.wait_indirect_dma semaphore(%arg13 : memref<!tpu.dma_semaphore, #tpu.memory_space<semaphore_mem>>) src(%dma_wait3A_132 : memref<10000x128xf32, #tpu.memory_space<hbm>>) dst(%arg10 : memref<80x128xf32, #tpu.memory_space<vmem>>)
      %dma_wait3A_133 = arith.constant 6 : i32
      %dma_wait3A_134 = arith.constant 0 : i32
      %dma_wait3A_135 = tpu.memref_slice %arg6[%dma_wait3A_133, %dma_wait3A_134] : memref<8x80xi32, #tpu.memory_space<vmem>> -> memref<1x80xi32, #tpu.memory_space<vmem>>
      %dma_wait3A_136 = tpu.memref_squeeze %dma_wait3A_135 : memref<1x80xi32, #tpu.memory_space<vmem>> -> memref<80xi32, #tpu.memory_space<vmem>>
      %dma_wait3A_137 = arith.constant 0 : i32
      %dma_wait3A_138 = arith.constant 0 : i32
      %dma_wait3A_139 = tpu.memref_slice %arg2[%dma_wait3A_137, %dma_wait3A_138] : memref<10000x128xf32, #tpu.memory_space<hbm>> -> memref<10000x128xf32, #tpu.memory_space<hbm>>
      tpu.wait_indirect_dma semaphore(%arg13 : memref<!tpu.dma_semaphore, #tpu.memory_space<semaphore_mem>>) src(%dma_wait3A_139 : memref<10000x128xf32, #tpu.memory_space<hbm>>) dst(%arg11 : memref<80x128xf32, #tpu.memory_space<vmem>>)
      %dma_start3A_140 = arith.constant 5 : i32
      %dma_start3A_141 = arith.constant 0 : i32
      %dma_start3A_142 = tpu.memref_slice %arg6[%dma_start3A_140, %dma_start3A_141] : memref<8x80xi32, #tpu.memory_space<vmem>> -> memref<1x80xi32, #tpu.memory_space<vmem>>
      %dma_start3A_143 = tpu.memref_squeeze %dma_start3A_142 : memref<1x80xi32, #tpu.memory_space<vmem>> -> memref<80xi32, #tpu.memory_space<vmem>>
      %dma_start3A_144 = arith.constant 0 : i32
      %dma_start3A_145 = arith.constant 0 : i32
      %dma_start3A_146 = tpu.memref_slice %arg12[%dma_start3A_144, %dma_start3A_145] : memref<10240x128xf32, #tpu.memory_space<vmem_shared>> -> memref<10240x128xf32, #tpu.memory_space<vmem_shared>>
      tpu.enqueue_indirect_dma source(%arg10 : memref<80x128xf32, #tpu.memory_space<vmem>>) target(%dma_start3A_146 : memref<10240x128xf32, #tpu.memory_space<vmem_shared>>) offsets(%dma_start3A_143 : memref<80xi32, #tpu.memory_space<vmem>>) semaphore(%arg14 : memref<!tpu.dma_semaphore, #tpu.memory_space<semaphore_mem>>) {add = true}
      %dma_start3A_147 = arith.constant 7 : i32
      %dma_start3A_148 = arith.constant 0 : i32
      %dma_start3A_149 = tpu.memref_slice %arg6[%dma_start3A_147, %dma_start3A_148] : memref<8x80xi32, #tpu.memory_space<vmem>> -> memref<1x80xi32, #tpu.memory_space<vmem>>
      %dma_start3A_150 = tpu.memref_squeeze %dma_start3A_149 : memref<1x80xi32, #tpu.memory_space<vmem>> -> memref<80xi32, #tpu.memory_space<vmem>>
      %dma_start3A_151 = arith.constant 0 : i32
      %dma_start3A_152 = arith.constant 0 : i32
      %dma_start3A_153 = tpu.memref_slice %arg12[%dma_start3A_151, %dma_start3A_152] : memref<10240x128xf32, #tpu.memory_space<vmem_shared>> -> memref<10240x128xf32, #tpu.memory_space<vmem_shared>>
      tpu.enqueue_indirect_dma source(%arg11 : memref<80x128xf32, #tpu.memory_space<vmem>>) target(%dma_start3A_153 : memref<10240x128xf32, #tpu.memory_space<vmem_shared>>) offsets(%dma_start3A_150 : memref<80xi32, #tpu.memory_space<vmem>>) semaphore(%arg14 : memref<!tpu.dma_semaphore, #tpu.memory_space<semaphore_mem>>) {add = true}
      %mul3A_154 = arith.constant 16 : i32
      %mul3A_155 = arith.muli %mul3A_154, %scan3A_35 : i32
      %add3A_156 = arith.constant 8 : i32
      %add3A_157 = arith.addi %mul3A_155, %add3A_156 : i32
      %dma_wait3A_158 = arith.constant 0 : i32
      %dma_wait3A_159 = tpu.memref_slice %arg3[%add3A, %add3A_157, %dma_wait3A_158] : memref<32x256x80xi32, #tpu.memory_space<hbm>> -> memref<1x8x80xi32, #tpu.memory_space<hbm>>
      %dma_wait3A_160 = tpu.memref_squeeze %dma_wait3A_159 : memref<1x8x80xi32, #tpu.memory_space<hbm>> -> memref<8x80xi32, #tpu.memory_space<hbm>>
      %dma_wait3A_161 = arith.constant 0 : i32
      %dma_wait3A_162 = tpu.memref_slice %arg3[%add3A, %add3A_157, %dma_wait3A_161] : memref<32x256x80xi32, #tpu.memory_space<hbm>> -> memref<1x8x80xi32, #tpu.memory_space<hbm>>
      %dma_wait3A_163 = tpu.memref_squeeze %dma_wait3A_162 : memref<1x8x80xi32, #tpu.memory_space<hbm>> -> memref<8x80xi32, #tpu.memory_space<hbm>>
      tpu.wait_dma2 semaphore(%arg15 : memref<!tpu.dma_semaphore, #tpu.memory_space<semaphore_mem>>) src(%dma_wait3A_163 : memref<8x80xi32, #tpu.memory_space<hbm>>) dst(%arg7 : memref<8x80xi32, #tpu.memory_space<vmem>>)
      %dma_start3A_164 = arith.constant 0 : i32
      %dma_start3A_165 = arith.constant 0 : i32
      %dma_start3A_166 = tpu.memref_slice %arg7[%dma_start3A_164, %dma_start3A_165] : memref<8x80xi32, #tpu.memory_space<vmem>> -> memref<1x80xi32, #tpu.memory_space<vmem>>
      %dma_start3A_167 = tpu.memref_squeeze %dma_start3A_166 : memref<1x80xi32, #tpu.memory_space<vmem>> -> memref<80xi32, #tpu.memory_space<vmem>>
      %dma_start3A_168 = arith.constant 0 : i32
      %dma_start3A_169 = arith.constant 0 : i32
      %dma_start3A_170 = tpu.memref_slice %arg2[%dma_start3A_168, %dma_start3A_169] : memref<10000x128xf32, #tpu.memory_space<hbm>> -> memref<10000x128xf32, #tpu.memory_space<hbm>>
      tpu.enqueue_indirect_dma source(%dma_start3A_170 : memref<10000x128xf32, #tpu.memory_space<hbm>>) target(%arg8 : memref<80x128xf32, #tpu.memory_space<vmem>>) offsets(%dma_start3A_167 : memref<80xi32, #tpu.memory_space<vmem>>) semaphore(%arg13 : memref<!tpu.dma_semaphore, #tpu.memory_space<semaphore_mem>>)
      %dma_start3A_171 = arith.constant 2 : i32
      %dma_start3A_172 = arith.constant 0 : i32
      %dma_start3A_173 = tpu.memref_slice %arg7[%dma_start3A_171, %dma_start3A_172] : memref<8x80xi32, #tpu.memory_space<vmem>> -> memref<1x80xi32, #tpu.memory_space<vmem>>
      %dma_start3A_174 = tpu.memref_squeeze %dma_start3A_173 : memref<1x80xi32, #tpu.memory_space<vmem>> -> memref<80xi32, #tpu.memory_space<vmem>>
      %dma_start3A_175 = arith.constant 0 : i32
      %dma_start3A_176 = arith.constant 0 : i32
      %dma_start3A_177 = tpu.memref_slice %arg2[%dma_start3A_175, %dma_start3A_176] : memref<10000x128xf32, #tpu.memory_space<hbm>> -> memref<10000x128xf32, #tpu.memory_space<hbm>>
      tpu.enqueue_indirect_dma source(%dma_start3A_177 : memref<10000x128xf32, #tpu.memory_space<hbm>>) target(%arg9 : memref<80x128xf32, #tpu.memory_space<vmem>>) offsets(%dma_start3A_174 : memref<80xi32, #tpu.memory_space<vmem>>) semaphore(%arg13 : memref<!tpu.dma_semaphore, #tpu.memory_space<semaphore_mem>>)
      %dma_wait3A_178 = arith.constant 5 : i32
      %dma_wait3A_179 = arith.constant 0 : i32
      %dma_wait3A_180 = tpu.memref_slice %arg6[%dma_wait3A_178, %dma_wait3A_179] : memref<8x80xi32, #tpu.memory_space<vmem>> -> memref<1x80xi32, #tpu.memory_space<vmem>>
      %dma_wait3A_181 = tpu.memref_squeeze %dma_wait3A_180 : memref<1x80xi32, #tpu.memory_space<vmem>> -> memref<80xi32, #tpu.memory_space<vmem>>
      %dma_wait3A_182 = arith.constant 0 : i32
      %dma_wait3A_183 = arith.constant 0 : i32
      %dma_wait3A_184 = tpu.memref_slice %arg12[%dma_wait3A_182, %dma_wait3A_183] : memref<10240x128xf32, #tpu.memory_space<vmem_shared>> -> memref<10240x128xf32, #tpu.memory_space<vmem_shared>>
      tpu.wait_indirect_dma semaphore(%arg14 : memref<!tpu.dma_semaphore, #tpu.memory_space<semaphore_mem>>) src(%arg10 : memref<80x128xf32, #tpu.memory_space<vmem>>) dst(%dma_wait3A_184 : memref<10240x128xf32, #tpu.memory_space<vmem_shared>>)
      %dma_wait3A_185 = arith.constant 7 : i32
      %dma_wait3A_186 = arith.constant 0 : i32
      %dma_wait3A_187 = tpu.memref_slice %arg6[%dma_wait3A_185, %dma_wait3A_186] : memref<8x80xi32, #tpu.memory_space<vmem>> -> memref<1x80xi32, #tpu.memory_space<vmem>>
      %dma_wait3A_188 = tpu.memref_squeeze %dma_wait3A_187 : memref<1x80xi32, #tpu.memory_space<vmem>> -> memref<80xi32, #tpu.memory_space<vmem>>
      %dma_wait3A_189 = arith.constant 0 : i32
      %dma_wait3A_190 = arith.constant 0 : i32
      %dma_wait3A_191 = tpu.memref_slice %arg12[%dma_wait3A_189, %dma_wait3A_190] : memref<10240x128xf32, #tpu.memory_space<vmem_shared>> -> memref<10240x128xf32, #tpu.memory_space<vmem_shared>>
      tpu.wait_indirect_dma semaphore(%arg14 : memref<!tpu.dma_semaphore, #tpu.memory_space<semaphore_mem>>) src(%arg11 : memref<80x128xf32, #tpu.memory_space<vmem>>) dst(%dma_wait3A_191 : memref<10240x128xf32, #tpu.memory_space<vmem_shared>>)
      %ne3A_192 = arith.constant 15 : i32
      %ne3A_193 = arith.cmpi ne, %scan3A_35, %ne3A_192 : i32
      %convert_element_type3A_194 = arith.extui %ne3A_193 : i1 to i32
      %cond3A_195 = arith.constant 0 : i32
      %cond3A_196 = arith.cmpi ne, %convert_element_type3A_194, %cond3A_195 : i32
      scf.if %cond3A_196 {
        %mul3A_281 = arith.constant 16 : i32
        %mul3A_282 = arith.muli %mul3A_281, %scan3A_35 : i32
        %add3A_283 = arith.constant 16 : i32
        %add3A_284 = arith.addi %mul3A_282, %add3A_283 : i32
        %dma_start3A_285 = arith.constant 0 : i32
        %dma_start3A_286 = tpu.memref_slice %arg3[%add3A, %add3A_284, %dma_start3A_285] : memref<32x256x80xi32, #tpu.memory_space<hbm>> -> memref<1x8x80xi32, #tpu.memory_space<hbm>>
        %dma_start3A_287 = tpu.memref_squeeze %dma_start3A_286 : memref<1x8x80xi32, #tpu.memory_space<hbm>> -> memref<8x80xi32, #tpu.memory_space<hbm>>
        %dma_start3A_288 = arith.constant 0 : i32
        %dma_start3A_289 = tpu.memref_slice %arg3[%add3A, %add3A_284, %dma_start3A_288] : memref<32x256x80xi32, #tpu.memory_space<hbm>> -> memref<1x8x80xi32, #tpu.memory_space<hbm>>
        %dma_start3A_290 = tpu.memref_squeeze %dma_start3A_289 : memref<1x8x80xi32, #tpu.memory_space<hbm>> -> memref<8x80xi32, #tpu.memory_space<hbm>>
        tpu.enqueue_dma source(%dma_start3A_290 : memref<8x80xi32, #tpu.memory_space<hbm>>) target(%arg6 : memref<8x80xi32, #tpu.memory_space<vmem>>) target_semaphore(%arg15 : memref<!tpu.dma_semaphore, #tpu.memory_space<semaphore_mem>>)
      } else {
      }
      %dma_wait3A_197 = arith.constant 0 : i32
      %dma_wait3A_198 = arith.constant 0 : i32
      %dma_wait3A_199 = tpu.memref_slice %arg7[%dma_wait3A_197, %dma_wait3A_198] : memref<8x80xi32, #tpu.memory_space<vmem>> -> memref<1x80xi32, #tpu.memory_space<vmem>>
      %dma_wait3A_200 = tpu.memref_squeeze %dma_wait3A_199 : memref<1x80xi32, #tpu.memory_space<vmem>> -> memref<80xi32, #tpu.memory_space<vmem>>
      %dma_wait3A_201 = arith.constant 0 : i32
      %dma_wait3A_202 = arith.constant 0 : i32
      %dma_wait3A_203 = tpu.memref_slice %arg2[%dma_wait3A_201, %dma_wait3A_202] : memref<10000x128xf32, #tpu.memory_space<hbm>> -> memref<10000x128xf32, #tpu.memory_space<hbm>>
      tpu.wait_indirect_dma semaphore(%arg13 : memref<!tpu.dma_semaphore, #tpu.memory_space<semaphore_mem>>) src(%dma_wait3A_203 : memref<10000x128xf32, #tpu.memory_space<hbm>>) dst(%arg8 : memref<80x128xf32, #tpu.memory_space<vmem>>)
      %dma_wait3A_204 = arith.constant 2 : i32
      %dma_wait3A_205 = arith.constant 0 : i32
      %dma_wait3A_206 = tpu.memref_slice %arg7[%dma_wait3A_204, %dma_wait3A_205] : memref<8x80xi32, #tpu.memory_space<vmem>> -> memref<1x80xi32, #tpu.memory_space<vmem>>
      %dma_wait3A_207 = tpu.memref_squeeze %dma_wait3A_206 : memref<1x80xi32, #tpu.memory_space<vmem>> -> memref<80xi32, #tpu.memory_space<vmem>>
      %dma_wait3A_208 = arith.constant 0 : i32
      %dma_wait3A_209 = arith.constant 0 : i32
      %dma_wait3A_210 = tpu.memref_slice %arg2[%dma_wait3A_208, %dma_wait3A_209] : memref<10000x128xf32, #tpu.memory_space<hbm>> -> memref<10000x128xf32, #tpu.memory_space<hbm>>
      tpu.wait_indirect_dma semaphore(%arg13 : memref<!tpu.dma_semaphore, #tpu.memory_space<semaphore_mem>>) src(%dma_wait3A_210 : memref<10000x128xf32, #tpu.memory_space<hbm>>) dst(%arg9 : memref<80x128xf32, #tpu.memory_space<vmem>>)
      %dma_start3A_211 = arith.constant 1 : i32
      %dma_start3A_212 = arith.constant 0 : i32
      %dma_start3A_213 = tpu.memref_slice %arg7[%dma_start3A_211, %dma_start3A_212] : memref<8x80xi32, #tpu.memory_space<vmem>> -> memref<1x80xi32, #tpu.memory_space<vmem>>
      %dma_start3A_214 = tpu.memref_squeeze %dma_start3A_213 : memref<1x80xi32, #tpu.memory_space<vmem>> -> memref<80xi32, #tpu.memory_space<vmem>>
      %dma_start3A_215 = arith.constant 0 : i32
      %dma_start3A_216 = arith.constant 0 : i32
      %dma_start3A_217 = tpu.memref_slice %arg12[%dma_start3A_215, %dma_start3A_216] : memref<10240x128xf32, #tpu.memory_space<vmem_shared>> -> memref<10240x128xf32, #tpu.memory_space<vmem_shared>>
      tpu.enqueue_indirect_dma source(%arg8 : memref<80x128xf32, #tpu.memory_space<vmem>>) target(%dma_start3A_217 : memref<10240x128xf32, #tpu.memory_space<vmem_shared>>) offsets(%dma_start3A_214 : memref<80xi32, #tpu.memory_space<vmem>>) semaphore(%arg14 : memref<!tpu.dma_semaphore, #tpu.memory_space<semaphore_mem>>) {add = true}
      %dma_start3A_218 = arith.constant 3 : i32
      %dma_start3A_219 = arith.constant 0 : i32
      %dma_start3A_220 = tpu.memref_slice %arg7[%dma_start3A_218, %dma_start3A_219] : memref<8x80xi32, #tpu.memory_space<vmem>> -> memref<1x80xi32, #tpu.memory_space<vmem>>
      %dma_start3A_221 = tpu.memref_squeeze %dma_start3A_220 : memref<1x80xi32, #tpu.memory_space<vmem>> -> memref<80xi32, #tpu.memory_space<vmem>>
      %dma_start3A_222 = arith.constant 0 : i32
      %dma_start3A_223 = arith.constant 0 : i32
      %dma_start3A_224 = tpu.memref_slice %arg12[%dma_start3A_222, %dma_start3A_223] : memref<10240x128xf32, #tpu.memory_space<vmem_shared>> -> memref<10240x128xf32, #tpu.memory_space<vmem_shared>>
      tpu.enqueue_indirect_dma source(%arg9 : memref<80x128xf32, #tpu.memory_space<vmem>>) target(%dma_start3A_224 : memref<10240x128xf32, #tpu.memory_space<vmem_shared>>) offsets(%dma_start3A_221 : memref<80xi32, #tpu.memory_space<vmem>>) semaphore(%arg14 : memref<!tpu.dma_semaphore, #tpu.memory_space<semaphore_mem>>) {add = true}
      %dma_start3A_225 = arith.constant 4 : i32
      %dma_start3A_226 = arith.constant 0 : i32
      %dma_start3A_227 = tpu.memref_slice %arg7[%dma_start3A_225, %dma_start3A_226] : memref<8x80xi32, #tpu.memory_space<vmem>> -> memref<1x80xi32, #tpu.memory_space<vmem>>
      %dma_start3A_228 = tpu.memref_squeeze %dma_start3A_227 : memref<1x80xi32, #tpu.memory_space<vmem>> -> memref<80xi32, #tpu.memory_space<vmem>>
      %dma_start3A_229 = arith.constant 0 : i32
      %dma_start3A_230 = arith.constant 0 : i32
      %dma_start3A_231 = tpu.memref_slice %arg2[%dma_start3A_229, %dma_start3A_230] : memref<10000x128xf32, #tpu.memory_space<hbm>> -> memref<10000x128xf32, #tpu.memory_space<hbm>>
      tpu.enqueue_indirect_dma source(%dma_start3A_231 : memref<10000x128xf32, #tpu.memory_space<hbm>>) target(%arg10 : memref<80x128xf32, #tpu.memory_space<vmem>>) offsets(%dma_start3A_228 : memref<80xi32, #tpu.memory_space<vmem>>) semaphore(%arg13 : memref<!tpu.dma_semaphore, #tpu.memory_space<semaphore_mem>>)
      %dma_start3A_232 = arith.constant 6 : i32
      %dma_start3A_233 = arith.constant 0 : i32
      %dma_start3A_234 = tpu.memref_slice %arg7[%dma_start3A_232, %dma_start3A_233] : memref<8x80xi32, #tpu.memory_space<vmem>> -> memref<1x80xi32, #tpu.memory_space<vmem>>
      %dma_start3A_235 = tpu.memref_squeeze %dma_start3A_234 : memref<1x80xi32, #tpu.memory_space<vmem>> -> memref<80xi32, #tpu.memory_space<vmem>>
      %dma_start3A_236 = arith.constant 0 : i32
      %dma_start3A_237 = arith.constant 0 : i32
      %dma_start3A_238 = tpu.memref_slice %arg2[%dma_start3A_236, %dma_start3A_237] : memref<10000x128xf32, #tpu.memory_space<hbm>> -> memref<10000x128xf32, #tpu.memory_space<hbm>>
      tpu.enqueue_indirect_dma source(%dma_start3A_238 : memref<10000x128xf32, #tpu.memory_space<hbm>>) target(%arg11 : memref<80x128xf32, #tpu.memory_space<vmem>>) offsets(%dma_start3A_235 : memref<80xi32, #tpu.memory_space<vmem>>) semaphore(%arg13 : memref<!tpu.dma_semaphore, #tpu.memory_space<semaphore_mem>>)
      %dma_wait3A_239 = arith.constant 1 : i32
      %dma_wait3A_240 = arith.constant 0 : i32
      %dma_wait3A_241 = tpu.memref_slice %arg7[%dma_wait3A_239, %dma_wait3A_240] : memref<8x80xi32, #tpu.memory_space<vmem>> -> memref<1x80xi32, #tpu.memory_space<vmem>>
      %dma_wait3A_242 = tpu.memref_squeeze %dma_wait3A_241 : memref<1x80xi32, #tpu.memory_space<vmem>> -> memref<80xi32, #tpu.memory_space<vmem>>
      %dma_wait3A_243 = arith.constant 0 : i32
      %dma_wait3A_244 = arith.constant 0 : i32
      %dma_wait3A_245 = tpu.memref_slice %arg12[%dma_wait3A_243, %dma_wait3A_244] : memref<10240x128xf32, #tpu.memory_space<vmem_shared>> -> memref<10240x128xf32, #tpu.memory_space<vmem_shared>>
      tpu.wait_indirect_dma semaphore(%arg14 : memref<!tpu.dma_semaphore, #tpu.memory_space<semaphore_mem>>) src(%arg8 : memref<80x128xf32, #tpu.memory_space<vmem>>) dst(%dma_wait3A_245 : memref<10240x128xf32, #tpu.memory_space<vmem_shared>>)
      %dma_wait3A_246 = arith.constant 3 : i32
      %dma_wait3A_247 = arith.constant 0 : i32
      %dma_wait3A_248 = tpu.memref_slice %arg7[%dma_wait3A_246, %dma_wait3A_247] : memref<8x80xi32, #tpu.memory_space<vmem>> -> memref<1x80xi32, #tpu.memory_space<vmem>>
      %dma_wait3A_249 = tpu.memref_squeeze %dma_wait3A_248 : memref<1x80xi32, #tpu.memory_space<vmem>> -> memref<80xi32, #tpu.memory_space<vmem>>
      %dma_wait3A_250 = arith.constant 0 : i32
      %dma_wait3A_251 = arith.constant 0 : i32
      %dma_wait3A_252 = tpu.memref_slice %arg12[%dma_wait3A_250, %dma_wait3A_251] : memref<10240x128xf32, #tpu.memory_space<vmem_shared>> -> memref<10240x128xf32, #tpu.memory_space<vmem_shared>>
      tpu.wait_indirect_dma semaphore(%arg14 : memref<!tpu.dma_semaphore, #tpu.memory_space<semaphore_mem>>) src(%arg9 : memref<80x128xf32, #tpu.memory_space<vmem>>) dst(%dma_wait3A_252 : memref<10240x128xf32, #tpu.memory_space<vmem_shared>>)
      %dma_wait3A_253 = arith.constant 4 : i32
      %dma_wait3A_254 = arith.constant 0 : i32
      %dma_wait3A_255 = tpu.memref_slice %arg7[%dma_wait3A_253, %dma_wait3A_254] : memref<8x80xi32, #tpu.memory_space<vmem>> -> memref<1x80xi32, #tpu.memory_space<vmem>>
      %dma_wait3A_256 = tpu.memref_squeeze %dma_wait3A_255 : memref<1x80xi32, #tpu.memory_space<vmem>> -> memref<80xi32, #tpu.memory_space<vmem>>
      %dma_wait3A_257 = arith.constant 0 : i32
      %dma_wait3A_258 = arith.constant 0 : i32
      %dma_wait3A_259 = tpu.memref_slice %arg2[%dma_wait3A_257, %dma_wait3A_258] : memref<10000x128xf32, #tpu.memory_space<hbm>> -> memref<10000x128xf32, #tpu.memory_space<hbm>>
      tpu.wait_indirect_dma semaphore(%arg13 : memref<!tpu.dma_semaphore, #tpu.memory_space<semaphore_mem>>) src(%dma_wait3A_259 : memref<10000x128xf32, #tpu.memory_space<hbm>>) dst(%arg10 : memref<80x128xf32, #tpu.memory_space<vmem>>)
      %dma_wait3A_260 = arith.constant 6 : i32
      %dma_wait3A_261 = arith.constant 0 : i32
      %dma_wait3A_262 = tpu.memref_slice %arg7[%dma_wait3A_260, %dma_wait3A_261] : memref<8x80xi32, #tpu.memory_space<vmem>> -> memref<1x80xi32, #tpu.memory_space<vmem>>
      %dma_wait3A_263 = tpu.memref_squeeze %dma_wait3A_262 : memref<1x80xi32, #tpu.memory_space<vmem>> -> memref<80xi32, #tpu.memory_space<vmem>>
      %dma_wait3A_264 = arith.constant 0 : i32
      %dma_wait3A_265 = arith.constant 0 : i32
      %dma_wait3A_266 = tpu.memref_slice %arg2[%dma_wait3A_264, %dma_wait3A_265] : memref<10000x128xf32, #tpu.memory_space<hbm>> -> memref<10000x128xf32, #tpu.memory_space<hbm>>
      tpu.wait_indirect_dma semaphore(%arg13 : memref<!tpu.dma_semaphore, #tpu.memory_space<semaphore_mem>>) src(%dma_wait3A_266 : memref<10000x128xf32, #tpu.memory_space<hbm>>) dst(%arg11 : memref<80x128xf32, #tpu.memory_space<vmem>>)
      %dma_start3A_267 = arith.constant 5 : i32
      %dma_start3A_268 = arith.constant 0 : i32
      %dma_start3A_269 = tpu.memref_slice %arg7[%dma_start3A_267, %dma_start3A_268] : memref<8x80xi32, #tpu.memory_space<vmem>> -> memref<1x80xi32, #tpu.memory_space<vmem>>
      %dma_start3A_270 = tpu.memref_squeeze %dma_start3A_269 : memref<1x80xi32, #tpu.memory_space<vmem>> -> memref<80xi32, #tpu.memory_space<vmem>>
      %dma_start3A_271 = arith.constant 0 : i32
      %dma_start3A_272 = arith.constant 0 : i32
      %dma_start3A_273 = tpu.memref_slice %arg12[%dma_start3A_271, %dma_start3A_272] : memref<10240x128xf32, #tpu.memory_space<vmem_shared>> -> memref<10240x128xf32, #tpu.memory_space<vmem_shared>>
      tpu.enqueue_indirect_dma source(%arg10 : memref<80x128xf32, #tpu.memory_space<vmem>>) target(%dma_start3A_273 : memref<10240x128xf32, #tpu.memory_space<vmem_shared>>) offsets(%dma_start3A_270 : memref<80xi32, #tpu.memory_space<vmem>>) semaphore(%arg14 : memref<!tpu.dma_semaphore, #tpu.memory_space<semaphore_mem>>) {add = true}
      %dma_start3A_274 = arith.constant 7 : i32
      %dma_start3A_275 = arith.constant 0 : i32
      %dma_start3A_276 = tpu.memref_slice %arg7[%dma_start3A_274, %dma_start3A_275] : memref<8x80xi32, #tpu.memory_space<vmem>> -> memref<1x80xi32, #tpu.memory_space<vmem>>
      %dma_start3A_277 = tpu.memref_squeeze %dma_start3A_276 : memref<1x80xi32, #tpu.memory_space<vmem>> -> memref<80xi32, #tpu.memory_space<vmem>>
      %dma_start3A_278 = arith.constant 0 : i32
      %dma_start3A_279 = arith.constant 0 : i32
      %dma_start3A_280 = tpu.memref_slice %arg12[%dma_start3A_278, %dma_start3A_279] : memref<10240x128xf32, #tpu.memory_space<vmem_shared>> -> memref<10240x128xf32, #tpu.memory_space<vmem_shared>>
      tpu.enqueue_indirect_dma source(%arg11 : memref<80x128xf32, #tpu.memory_space<vmem>>) target(%dma_start3A_280 : memref<10240x128xf32, #tpu.memory_space<vmem_shared>>) offsets(%dma_start3A_277 : memref<80xi32, #tpu.memory_space<vmem>>) semaphore(%arg14 : memref<!tpu.dma_semaphore, #tpu.memory_space<semaphore_mem>>) {add = true}
    }
    %scan3A_16 = arith.constant 16 : i32
    %dma_wait3A = arith.constant 5 : i32
    %dma_wait3A_17 = arith.constant 0 : i32
    %dma_wait3A_18 = tpu.memref_slice %arg7[%dma_wait3A, %dma_wait3A_17] : memref<8x80xi32, #tpu.memory_space<vmem>> -> memref<1x80xi32, #tpu.memory_space<vmem>>
    %dma_wait3A_19 = tpu.memref_squeeze %dma_wait3A_18 : memref<1x80xi32, #tpu.memory_space<vmem>> -> memref<80xi32, #tpu.memory_space<vmem>>
    %dma_wait3A_20 = arith.constant 0 : i32
    %dma_wait3A_21 = arith.constant 0 : i32
    %dma_wait3A_22 = tpu.memref_slice %arg12[%dma_wait3A_20, %dma_wait3A_21] : memref<10240x128xf32, #tpu.memory_space<vmem_shared>> -> memref<10240x128xf32, #tpu.memory_space<vmem_shared>>
    tpu.wait_indirect_dma semaphore(%arg14 : memref<!tpu.dma_semaphore, #tpu.memory_space<semaphore_mem>>) src(%arg10 : memref<80x128xf32, #tpu.memory_space<vmem>>) dst(%dma_wait3A_22 : memref<10240x128xf32, #tpu.memory_space<vmem_shared>>)
    %dma_wait3A_23 = arith.constant 7 : i32
    %dma_wait3A_24 = arith.constant 0 : i32
    %dma_wait3A_25 = tpu.memref_slice %arg7[%dma_wait3A_23, %dma_wait3A_24] : memref<8x80xi32, #tpu.memory_space<vmem>> -> memref<1x80xi32, #tpu.memory_space<vmem>>
    %dma_wait3A_26 = tpu.memref_squeeze %dma_wait3A_25 : memref<1x80xi32, #tpu.memory_space<vmem>> -> memref<80xi32, #tpu.memory_space<vmem>>
    %dma_wait3A_27 = arith.constant 0 : i32
    %dma_wait3A_28 = arith.constant 0 : i32
    %dma_wait3A_29 = tpu.memref_slice %arg12[%dma_wait3A_27, %dma_wait3A_28] : memref<10240x128xf32, #tpu.memory_space<vmem_shared>> -> memref<10240x128xf32, #tpu.memory_space<vmem_shared>>
    tpu.wait_indirect_dma semaphore(%arg14 : memref<!tpu.dma_semaphore, #tpu.memory_space<semaphore_mem>>) src(%arg11 : memref<80x128xf32, #tpu.memory_space<vmem>>) dst(%dma_wait3A_29 : memref<10240x128xf32, #tpu.memory_space<vmem_shared>>)
    %barrier3A_30 = arith.constant 0 : index
    tpu.barrier barrier_id(%barrier3A_30)
    %mul3A_31 = arith.constant 640 : i32
    %mul3A_32 = arith.muli %arg1, %mul3A_31 : i32
    %mul3A_33 = arith.constant 640 : i32
    %mul3A_34 = arith.muli %arg1, %mul3A_33 : i32
    "tpu.region"() ({
      %run_scoped3A = tpu.sem_alloc : memref<!tpu.dma_semaphore, #tpu.memory_space<semaphore_mem>>
      %dma_start3A_35 = arith.constant 0 : i32
      %dma_start3A_36 = tpu.memref_slice %arg5[%arg0, %mul3A_34, %dma_start3A_35] : memref<2x10240x128xf32, #tpu.memory_space<hbm>> -> memref<1x640x128xf32, #tpu.memory_space<hbm>>
      %dma_start3A_37 = tpu.memref_squeeze %dma_start3A_36 : memref<1x640x128xf32, #tpu.memory_space<hbm>> -> memref<640x128xf32, #tpu.memory_space<hbm>>
      %dma_start3A_38 = arith.constant 0 : i32
      %dma_start3A_39 = tpu.memref_slice %arg12[%mul3A_32, %dma_start3A_38] : memref<10240x128xf32, #tpu.memory_space<vmem_shared>> -> memref<640x128xf32, #tpu.memory_space<vmem_shared>>
      tpu.enqueue_dma source(%dma_start3A_39 : memref<640x128xf32, #tpu.memory_space<vmem_shared>>) target(%dma_start3A_37 : memref<640x128xf32, #tpu.memory_space<hbm>>) target_semaphore(%run_scoped3A : memref<!tpu.dma_semaphore, #tpu.memory_space<semaphore_mem>>)
      %dma_wait3A_40 = arith.constant 0 : i32
      %dma_wait3A_41 = tpu.memref_slice %arg5[%arg0, %mul3A_34, %dma_wait3A_40] : memref<2x10240x128xf32, #tpu.memory_space<hbm>> -> memref<1x640x128xf32, #tpu.memory_space<hbm>>
      %dma_wait3A_42 = tpu.memref_squeeze %dma_wait3A_41 : memref<1x640x128xf32, #tpu.memory_space<hbm>> -> memref<640x128xf32, #tpu.memory_space<hbm>>
      %dma_wait3A_43 = arith.constant 0 : i32
      %dma_wait3A_44 = tpu.memref_slice %arg12[%mul3A_32, %dma_wait3A_43] : memref<10240x128xf32, #tpu.memory_space<vmem_shared>> -> memref<640x128xf32, #tpu.memory_space<vmem_shared>>
      tpu.wait_dma2 semaphore(%run_scoped3A : memref<!tpu.dma_semaphore, #tpu.memory_space<semaphore_mem>>) src(%dma_wait3A_44 : memref<640x128xf32, #tpu.memory_space<vmem_shared>>) dst(%dma_wait3A_42 : memref<640x128xf32, #tpu.memory_space<hbm>>)
      tpu.yield
    }) : () -> ()
    return
  }
}

module attributes {stable_mosaic.version = 14 : i64} {
  func.func @_mm1_body(%arg0: i32, %arg1: memref<1000x1xf32, #tpu.memory_space<vmem>>, %arg2: memref<1000x1xf32, #tpu.memory_space<vmem>>, %arg3: memref<1000x128xf32, #tpu.memory_space<vmem>>, %arg4: memref<128x128xf32, #tpu.memory_space<vmem>>, %arg5: memref<1000x128xf32, #tpu.memory_space<vmem>>, %arg6: memref<1000x1xf32, #tpu.memory_space<vmem>>) attributes {dimension_semantics = [#tpu.dimension_semantics<arbitrary>], iteration_bounds = array<i64: 10>, scalar_prefetch = 0 : i64, scratch_operands = 0 : i64, tpu.core_type = #tpu.core_type<tc>, window_params = [{transform_indices = @transform_0, window_bounds = array<i64: 1000, 1>}, {transform_indices = @transform_1, window_bounds = array<i64: 1000, 1>}, {transform_indices = @transform_2, window_bounds = array<i64: 1000, 128>}, {pipeline_mode = #tpu.pipeline_mode<synchronous>, transform_indices = @transform_3, window_bounds = array<i64: 128, 128>}, {transform_indices = @transform_4, window_bounds = array<i64: 1000, 128>}, {transform_indices = @transform_5, window_bounds = array<i64: 1000, 1>}]} {
    %get3A = arith.constant 0 : index
    %get3A_0 = arith.constant 0 : index
    %get3A_1 = vector.load %arg1[%get3A, %get3A_0] : memref<1000x1xf32, #tpu.memory_space<vmem>>, vector<1000x1xf32>
    %get3A_2 = arith.constant 0 : index
    %get3A_3 = arith.constant 0 : index
    %get3A_4 = vector.load %arg2[%get3A_2, %get3A_3] : memref<1000x1xf32, #tpu.memory_space<vmem>>, vector<1000x1xf32>
    %add3A = arith.addf %get3A_1, %get3A_4 : vector<1000x1xf32>
    %add3A_5 = arith.constant 1.000000e+00 : f32
    %add3A_6 = vector.broadcast %add3A_5 : f32 to vector<1000x1xf32>
    %add3A_7 = arith.addf %add3A, %add3A_6 : vector<1000x1xf32>
    %rsqrt3A = math.rsqrt %add3A_7 : vector<1000x1xf32>
    %get3A_8 = arith.constant 0 : index
    %get3A_9 = arith.constant 0 : index
    %get3A_10 = vector.load %arg3[%get3A_8, %get3A_9] : memref<1000x128xf32, #tpu.memory_space<vmem>>, vector<1000x128xf32>
    %get3A_11 = arith.constant 0 : index
    %get3A_12 = arith.constant 0 : index
    %get3A_13 = vector.load %arg4[%get3A_11, %get3A_12] : memref<128x128xf32, #tpu.memory_space<vmem>>, vector<128x128xf32>
    %dot_general3A = arith.constant dense<0.000000e+00> : vector<1000x128xf32>
    %dot_general3A_14 = tpu.matmul %get3A_10, %get3A_13, %dot_general3A {dimension_numbers = #tpu.dot_dimension_numbers<[1], [0], [0], [1], [0, 0, 1, 1], [], []>, transpose_lhs_hint = false} : vector<1000x128xf32>, vector<128x128xf32>, vector<1000x128xf32> -> vector<1000x128xf32>
    %mul3A = vector.broadcast %rsqrt3A : vector<1000x1xf32> to vector<1000x128xf32>
    %mul3A_15 = arith.mulf %dot_general3A_14, %mul3A : vector<1000x128xf32>
    %swap3A = arith.constant 0 : index
    %swap3A_16 = arith.constant 0 : index
    %swap3A_17 = vector.load %arg5[%swap3A, %swap3A_16] : memref<1000x128xf32, #tpu.memory_space<vmem>>, vector<1000x128xf32>
    tpu.vector_store %arg5[%swap3A, %swap3A_16], %mul3A_15 {strides = array<i32>} : memref<1000x128xf32, #tpu.memory_space<vmem>>, vector<1000x128xf32>,
    %swap3A_18 = arith.constant 0 : index
    %swap3A_19 = arith.constant 0 : index
    %swap3A_20 = vector.load %arg6[%swap3A_18, %swap3A_19] : memref<1000x1xf32, #tpu.memory_space<vmem>>, vector<1000x1xf32>
    tpu.vector_store %arg6[%swap3A_18, %swap3A_19], %rsqrt3A {strides = array<i32>} : memref<1000x1xf32, #tpu.memory_space<vmem>>, vector<1000x1xf32>,
    return
  }
  func.func @transform_0(%arg0: i32) -> (i32, i32) {
    %c0_i32 = arith.constant 0 : i32
    %c0_i32_0 = arith.constant 0 : i32
    return %arg0, %c0_i32 : i32, i32
  }
  func.func @transform_1(%arg0: i32) -> (i32, i32) {
    %c0_i32 = arith.constant 0 : i32
    %c0_i32_0 = arith.constant 0 : i32
    return %arg0, %c0_i32 : i32, i32
  }
  func.func @transform_2(%arg0: i32) -> (i32, i32) {
    %c0_i32 = arith.constant 0 : i32
    %c0_i32_0 = arith.constant 0 : i32
    return %arg0, %c0_i32 : i32, i32
  }
  func.func @transform_3(%arg0: i32) -> (i32, i32) {
    %c0_i32 = arith.constant 0 : i32
    %c0_i32_0 = arith.constant 0 : i32
    %c0_i32_1 = arith.constant 0 : i32
    return %c0_i32, %c0_i32_0 : i32, i32
  }
  func.func @transform_4(%arg0: i32) -> (i32, i32) {
    %c0_i32 = arith.constant 0 : i32
    %c0_i32_0 = arith.constant 0 : i32
    return %arg0, %c0_i32 : i32, i32
  }
  func.func @transform_5(%arg0: i32) -> (i32, i32) {
    %c0_i32 = arith.constant 0 : i32
    %c0_i32_0 = arith.constant 0 : i32
    return %arg0, %c0_i32 : i32, i32
  }
}

module attributes {stable_mosaic.version = 14 : i64} {
  func.func @_mid_body(%arg0: i32, %arg1: memref<2x1000x128xf32, #tpu.memory_space<vmem>>, %arg2: memref<1000x128xf32, #tpu.memory_space<vmem>>, %arg3: memref<1000x1xf32, #tpu.memory_space<vmem>>, %arg4: memref<1x128xf32, #tpu.memory_space<vmem>>, %arg5: memref<128x128xf32, #tpu.memory_space<vmem>>, %arg6: memref<1000x128xf32, #tpu.memory_space<vmem>>) attributes {dimension_semantics = [#tpu.dimension_semantics<arbitrary>], iteration_bounds = array<i64: 10>, scalar_prefetch = 0 : i64, scratch_operands = 0 : i64, tpu.core_type = #tpu.core_type<tc>, window_params = [{transform_indices = @transform_0, window_bounds = array<i64: 2, 1000, 128>}, {transform_indices = @transform_1, window_bounds = array<i64: 1000, 128>}, {transform_indices = @transform_2, window_bounds = array<i64: 1000, 1>}, {pipeline_mode = #tpu.pipeline_mode<synchronous>, transform_indices = @transform_3, window_bounds = array<i64: 1, 128>}, {pipeline_mode = #tpu.pipeline_mode<synchronous>, transform_indices = @transform_4, window_bounds = array<i64: 128, 128>}, {transform_indices = @transform_5, window_bounds = array<i64: 1000, 128>}]} {
    %get3A = arith.constant 0 : index
    %get3A_0 = arith.constant 0 : index
    %get3A_1 = arith.constant 0 : index
    %get3A_2 = vector.load %arg1[%get3A, %get3A_0, %get3A_1] : memref<2x1000x128xf32, #tpu.memory_space<vmem>>, vector<2x1000x128xf32>
    %slice3A = vector.extract_strided_slice %get3A_2 {offsets = [0, 0, 0], sizes = [1, 1000, 128], strides = [1, 1, 1]} : vector<2x1000x128xf32> to vector<1x1000x128xf32>
    %squeeze3A = vector.shape_cast %slice3A : vector<1x1000x128xf32> to vector<1000x128xf32>
    %slice3A_3 = vector.extract_strided_slice %get3A_2 {offsets = [1, 0, 0], sizes = [1, 1000, 128], strides = [1, 1, 1]} : vector<2x1000x128xf32> to vector<1x1000x128xf32>
    %squeeze3A_4 = vector.shape_cast %slice3A_3 : vector<1x1000x128xf32> to vector<1000x128xf32>
    %add3A = arith.addf %squeeze3A, %squeeze3A_4 : vector<1000x128xf32>
    %get3A_5 = arith.constant 0 : index
    %get3A_6 = arith.constant 0 : index
    %get3A_7 = vector.load %arg2[%get3A_5, %get3A_6] : memref<1000x128xf32, #tpu.memory_space<vmem>>, vector<1000x128xf32>
    %add3A_8 = arith.addf %add3A, %get3A_7 : vector<1000x128xf32>
    %get3A_9 = arith.constant 0 : index
    %get3A_10 = arith.constant 0 : index
    %get3A_11 = vector.load %arg3[%get3A_9, %get3A_10] : memref<1000x1xf32, #tpu.memory_space<vmem>>, vector<1000x1xf32>
    %mul3A = vector.broadcast %get3A_11 : vector<1000x1xf32> to vector<1000x128xf32>
    %mul3A_12 = arith.mulf %add3A_8, %mul3A : vector<1000x128xf32>
    %get3A_13 = arith.constant 0 : index
    %get3A_14 = arith.constant 0 : index
    %get3A_15 = vector.load %arg4[%get3A_13, %get3A_14] : memref<1x128xf32, #tpu.memory_space<vmem>>, vector<1x128xf32>
    %add3A_16 = vector.broadcast %get3A_15 : vector<1x128xf32> to vector<1000x128xf32>
    %add3A_17 = arith.addf %mul3A_12, %add3A_16 : vector<1000x128xf32>
    %max3A = arith.constant 0.000000e+00 : f32
    %max3A_18 = vector.broadcast %max3A : f32 to vector<1000x128xf32>
    %max3A_19 = arith.maximumf %add3A_17, %max3A_18 : vector<1000x128xf32>
    %get3A_20 = arith.constant 0 : index
    %get3A_21 = arith.constant 0 : index
    %get3A_22 = vector.load %arg5[%get3A_20, %get3A_21] : memref<128x128xf32, #tpu.memory_space<vmem>>, vector<128x128xf32>
    %dot_general3A = arith.constant dense<0.000000e+00> : vector<1000x128xf32>
    %dot_general3A_23 = tpu.matmul %max3A_19, %get3A_22, %dot_general3A {dimension_numbers = #tpu.dot_dimension_numbers<[1], [0], [0], [1], [0, 0, 1, 1], [], []>, transpose_lhs_hint = false} : vector<1000x128xf32>, vector<128x128xf32>, vector<1000x128xf32> -> vector<1000x128xf32>
    %get3A_24 = arith.constant 0 : index
    %get3A_25 = arith.constant 0 : index
    %get3A_26 = vector.load %arg3[%get3A_24, %get3A_25] : memref<1000x1xf32, #tpu.memory_space<vmem>>, vector<1000x1xf32>
    %mul3A_27 = vector.broadcast %get3A_26 : vector<1000x1xf32> to vector<1000x128xf32>
    %mul3A_28 = arith.mulf %dot_general3A_23, %mul3A_27 : vector<1000x128xf32>
    %swap3A = arith.constant 0 : index
    %swap3A_29 = arith.constant 0 : index
    %swap3A_30 = vector.load %arg6[%swap3A, %swap3A_29] : memref<1000x128xf32, #tpu.memory_space<vmem>>, vector<1000x128xf32>
    tpu.vector_store %arg6[%swap3A, %swap3A_29], %mul3A_28 {strides = array<i32>} : memref<1000x128xf32, #tpu.memory_space<vmem>>, vector<1000x128xf32>,
    return
  }
  func.func @transform_0(%arg0: i32) -> (i32, i32, i32) {
    %c0_i32 = arith.constant 0 : i32
    %c0_i32_0 = arith.constant 0 : i32
    %c0_i32_1 = arith.constant 0 : i32
    return %c0_i32, %arg0, %c0_i32_0 : i32, i32, i32
  }
  func.func @transform_1(%arg0: i32) -> (i32, i32) {
    %c0_i32 = arith.constant 0 : i32
    %c0_i32_0 = arith.constant 0 : i32
    return %arg0, %c0_i32 : i32, i32
  }
  func.func @transform_2(%arg0: i32) -> (i32, i32) {
    %c0_i32 = arith.constant 0 : i32
    %c0_i32_0 = arith.constant 0 : i32
    return %arg0, %c0_i32 : i32, i32
  }
  func.func @transform_3(%arg0: i32) -> (i32, i32) {
    %c0_i32 = arith.constant 0 : i32
    %c0_i32_0 = arith.constant 0 : i32
    %c0_i32_1 = arith.constant 0 : i32
    return %c0_i32, %c0_i32_0 : i32, i32
  }
  func.func @transform_4(%arg0: i32) -> (i32, i32) {
    %c0_i32 = arith.constant 0 : i32
    %c0_i32_0 = arith.constant 0 : i32
    %c0_i32_1 = arith.constant 0 : i32
    return %c0_i32, %c0_i32_0 : i32, i32
  }
  func.func @transform_5(%arg0: i32) -> (i32, i32) {
    %c0_i32 = arith.constant 0 : i32
    %c0_i32_0 = arith.constant 0 : i32
    return %arg0, %c0_i32 : i32, i32
  }
}

module attributes {stable_mosaic.version = 14 : i64} {
  func.func @_fin_body(%arg0: i32, %arg1: memref<2x1000x128xf32, #tpu.memory_space<vmem>>, %arg2: memref<1000x128xf32, #tpu.memory_space<vmem>>, %arg3: memref<1000x1xf32, #tpu.memory_space<vmem>>, %arg4: memref<1x128xf32, #tpu.memory_space<vmem>>, %arg5: memref<1000x1xi32, #tpu.memory_space<vmem>>, %arg6: memref<16x128xf32, #tpu.memory_space<vmem>>) attributes {dimension_semantics = [#tpu.dimension_semantics<arbitrary>], iteration_bounds = array<i64: 10>, scalar_prefetch = 0 : i64, scratch_operands = 0 : i64, tpu.core_type = #tpu.core_type<tc>, window_params = [{transform_indices = @transform_0, window_bounds = array<i64: 2, 1000, 128>}, {transform_indices = @transform_1, window_bounds = array<i64: 1000, 128>}, {transform_indices = @transform_2, window_bounds = array<i64: 1000, 1>}, {pipeline_mode = #tpu.pipeline_mode<synchronous>, transform_indices = @transform_3, window_bounds = array<i64: 1, 128>}, {transform_indices = @transform_4, window_bounds = array<i64: 1000, 1>}, {pipeline_mode = #tpu.pipeline_mode<synchronous>, transform_indices = @transform_5, window_bounds = array<i64: 16, 128>}]} {
    %get3A = arith.constant 0 : index
    %get3A_0 = arith.constant 0 : index
    %get3A_1 = arith.constant 0 : index
    %get3A_2 = vector.load %arg1[%get3A, %get3A_0, %get3A_1] : memref<2x1000x128xf32, #tpu.memory_space<vmem>>, vector<2x1000x128xf32>
    %slice3A = vector.extract_strided_slice %get3A_2 {offsets = [0, 0, 0], sizes = [1, 1000, 128], strides = [1, 1, 1]} : vector<2x1000x128xf32> to vector<1x1000x128xf32>
    %squeeze3A = vector.shape_cast %slice3A : vector<1x1000x128xf32> to vector<1000x128xf32>
    %slice3A_3 = vector.extract_strided_slice %get3A_2 {offsets = [1, 0, 0], sizes = [1, 1000, 128], strides = [1, 1, 1]} : vector<2x1000x128xf32> to vector<1x1000x128xf32>
    %squeeze3A_4 = vector.shape_cast %slice3A_3 : vector<1x1000x128xf32> to vector<1000x128xf32>
    %add3A = arith.addf %squeeze3A, %squeeze3A_4 : vector<1000x128xf32>
    %get3A_5 = arith.constant 0 : index
    %get3A_6 = arith.constant 0 : index
    %get3A_7 = vector.load %arg2[%get3A_5, %get3A_6] : memref<1000x128xf32, #tpu.memory_space<vmem>>, vector<1000x128xf32>
    %add3A_8 = arith.addf %add3A, %get3A_7 : vector<1000x128xf32>
    %get3A_9 = arith.constant 0 : index
    %get3A_10 = arith.constant 0 : index
    %get3A_11 = vector.load %arg3[%get3A_9, %get3A_10] : memref<1000x1xf32, #tpu.memory_space<vmem>>, vector<1000x1xf32>
    %mul3A = vector.broadcast %get3A_11 : vector<1000x1xf32> to vector<1000x128xf32>
    %mul3A_12 = arith.mulf %add3A_8, %mul3A : vector<1000x128xf32>
    %get3A_13 = arith.constant 0 : index
    %get3A_14 = arith.constant 0 : index
    %get3A_15 = vector.load %arg4[%get3A_13, %get3A_14] : memref<1x128xf32, #tpu.memory_space<vmem>>, vector<1x128xf32>
    %add3A_16 = vector.broadcast %get3A_15 : vector<1x128xf32> to vector<1000x128xf32>
    %add3A_17 = arith.addf %mul3A_12, %add3A_16 : vector<1000x128xf32>
    %get3A_18 = arith.constant 0 : index
    %get3A_19 = arith.constant 0 : index
    %get3A_20 = vector.load %arg5[%get3A_18, %get3A_19] : memref<1000x1xi32, #tpu.memory_space<vmem>>, vector<1000x1xi32>
    %eq3A = arith.constant 0 : i32
    %eq3A_21 = arith.cmpi eq, %arg0, %eq3A : i32
    %convert_element_type3A = arith.extui %eq3A_21 : i1 to i32
    %cond3A = arith.constant 0 : i32
    %cond3A_22 = arith.cmpi ne, %convert_element_type3A, %cond3A : i32
    scf.if %cond3A_22 {
      %broadcast_in_dim3A_337 = arith.constant 0xFF800000 : f32
      %broadcast_in_dim3A_338 = vector.broadcast %broadcast_in_dim3A_337 : f32 to vector<16x128xf32>
      %swap3A_339 = arith.constant 0 : index
      %swap3A_340 = arith.constant 0 : index
      %swap3A_341 = vector.load %arg6[%swap3A_339, %swap3A_340] : memref<16x128xf32, #tpu.memory_space<vmem>>, vector<16x128xf32>
      tpu.vector_store %arg6[%swap3A_339, %swap3A_340], %broadcast_in_dim3A_338 {strides = array<i32>} : memref<16x128xf32, #tpu.memory_space<vmem>>, vector<16x128xf32>,
    } else {
    }
    %eq3A_23 = arith.constant 0 : i32
    %eq3A_24 = vector.broadcast %eq3A_23 : i32 to vector<1000x1xi32>
    %eq3A_25 = arith.cmpi eq, %get3A_20, %eq3A_24 : vector<1000x1xi32>
    %jit3A = arith.constant 0xFF800000 : f32
    %broadcast_in_dim3A = vector.shape_cast %eq3A_25 : vector<1000x1xi1> to vector<1000x1xi1>
    %broadcast_in_dim3A_26 = vector.broadcast %broadcast_in_dim3A : vector<1000x1xi1> to vector<1000x128xi1>
    %broadcast_in_dim3A_27 = vector.broadcast %jit3A : f32 to vector<1000x128xf32>
    %select_n3A = arith.select %broadcast_in_dim3A_26, %add3A_17, %broadcast_in_dim3A_27 : vector<1000x128xi1>, vector<1000x128xf32>
    %reduce_max3A = arith.constant dense<0xFF800000> : vector<128xf32>
    %reduce_max3A_28 = vector.multi_reduction <maximumf>, %select_n3A, %reduce_max3A [0] : vector<1000x128xf32> to vector<128xf32>
    %get3A_29 = arith.constant 0 : index
    %get3A_30 = arith.constant 0 : index
    %get3A_31 = vector.load %arg6[%get3A_29, %get3A_30] : memref<16x128xf32, #tpu.memory_space<vmem>>, vector<1x128xf32>
    %get3A_32 = vector.shape_cast %get3A_31 : vector<1x128xf32> to vector<128xf32>
    %max3A = arith.maximumf %get3A_32, %reduce_max3A_28 : vector<128xf32>
    %swap3A = arith.constant 0 : index
    %swap3A_33 = arith.constant 0 : index
    %swap3A_34 = vector.load %arg6[%swap3A, %swap3A_33] : memref<16x128xf32, #tpu.memory_space<vmem>>, vector<1x128xf32>
    %swap3A_35 = vector.shape_cast %swap3A_34 : vector<1x128xf32> to vector<128xf32>
    %swap3A_36 = vector.shape_cast %max3A : vector<128xf32> to vector<1x128xf32>
    tpu.vector_store %arg6[%swap3A, %swap3A_33], %swap3A_36 {strides = array<i32>} : memref<16x128xf32, #tpu.memory_space<vmem>>, vector<1x128xf32>,
    %eq3A_37 = arith.constant 1 : i32
    %eq3A_38 = vector.broadcast %eq3A_37 : i32 to vector<1000x1xi32>
    %eq3A_39 = arith.cmpi eq, %get3A_20, %eq3A_38 : vector<1000x1xi32>
    %jit3A_40 = arith.constant 0xFF800000 : f32
    %broadcast_in_dim3A_41 = vector.shape_cast %eq3A_39 : vector<1000x1xi1> to vector<1000x1xi1>
    %broadcast_in_dim3A_42 = vector.broadcast %broadcast_in_dim3A_41 : vector<1000x1xi1> to vector<1000x128xi1>
    %broadcast_in_dim3A_43 = vector.broadcast %jit3A_40 : f32 to vector<1000x128xf32>
    %select_n3A_44 = arith.select %broadcast_in_dim3A_42, %add3A_17, %broadcast_in_dim3A_43 : vector<1000x128xi1>, vector<1000x128xf32>
    %reduce_max3A_45 = arith.constant dense<0xFF800000> : vector<128xf32>
    %reduce_max3A_46 = vector.multi_reduction <maximumf>, %select_n3A_44, %reduce_max3A_45 [0] : vector<1000x128xf32> to vector<128xf32>
    %get3A_47 = arith.constant 1 : index
    %get3A_48 = arith.constant 0 : index
    %get3A_49 = vector.load %arg6[%get3A_47, %get3A_48] : memref<16x128xf32, #tpu.memory_space<vmem>>, vector<1x128xf32>
    %get3A_50 = vector.shape_cast %get3A_49 : vector<1x128xf32> to vector<128xf32>
    %max3A_51 = arith.maximumf %get3A_50, %reduce_max3A_46 : vector<128xf32>
    %swap3A_52 = arith.constant 1 : index
    %swap3A_53 = arith.constant 0 : index
    %swap3A_54 = vector.load %arg6[%swap3A_52, %swap3A_53] : memref<16x128xf32, #tpu.memory_space<vmem>>, vector<1x128xf32>
    %swap3A_55 = vector.shape_cast %swap3A_54 : vector<1x128xf32> to vector<128xf32>
    %swap3A_56 = vector.shape_cast %max3A_51 : vector<128xf32> to vector<1x128xf32>
    tpu.vector_store %arg6[%swap3A_52, %swap3A_53], %swap3A_56 {strides = array<i32>} : memref<16x128xf32, #tpu.memory_space<vmem>>, vector<1x128xf32>,
    %eq3A_57 = arith.constant 2 : i32
    %eq3A_58 = vector.broadcast %eq3A_57 : i32 to vector<1000x1xi32>
    %eq3A_59 = arith.cmpi eq, %get3A_20, %eq3A_58 : vector<1000x1xi32>
    %jit3A_60 = arith.constant 0xFF800000 : f32
    %broadcast_in_dim3A_61 = vector.shape_cast %eq3A_59 : vector<1000x1xi1> to vector<1000x1xi1>
    %broadcast_in_dim3A_62 = vector.broadcast %broadcast_in_dim3A_61 : vector<1000x1xi1> to vector<1000x128xi1>
    %broadcast_in_dim3A_63 = vector.broadcast %jit3A_60 : f32 to vector<1000x128xf32>
    %select_n3A_64 = arith.select %broadcast_in_dim3A_62, %add3A_17, %broadcast_in_dim3A_63 : vector<1000x128xi1>, vector<1000x128xf32>
    %reduce_max3A_65 = arith.constant dense<0xFF800000> : vector<128xf32>
    %reduce_max3A_66 = vector.multi_reduction <maximumf>, %select_n3A_64, %reduce_max3A_65 [0] : vector<1000x128xf32> to vector<128xf32>
    %get3A_67 = arith.constant 2 : index
    %get3A_68 = arith.constant 0 : index
    %get3A_69 = vector.load %arg6[%get3A_67, %get3A_68] : memref<16x128xf32, #tpu.memory_space<vmem>>, vector<1x128xf32>
    %get3A_70 = vector.shape_cast %get3A_69 : vector<1x128xf32> to vector<128xf32>
    %max3A_71 = arith.maximumf %get3A_70, %reduce_max3A_66 : vector<128xf32>
    %swap3A_72 = arith.constant 2 : index
    %swap3A_73 = arith.constant 0 : index
    %swap3A_74 = vector.load %arg6[%swap3A_72, %swap3A_73] : memref<16x128xf32, #tpu.memory_space<vmem>>, vector<1x128xf32>
    %swap3A_75 = vector.shape_cast %swap3A_74 : vector<1x128xf32> to vector<128xf32>
    %swap3A_76 = vector.shape_cast %max3A_71 : vector<128xf32> to vector<1x128xf32>
    tpu.vector_store %arg6[%swap3A_72, %swap3A_73], %swap3A_76 {strides = array<i32>} : memref<16x128xf32, #tpu.memory_space<vmem>>, vector<1x128xf32>,
    %eq3A_77 = arith.constant 3 : i32
    %eq3A_78 = vector.broadcast %eq3A_77 : i32 to vector<1000x1xi32>
    %eq3A_79 = arith.cmpi eq, %get3A_20, %eq3A_78 : vector<1000x1xi32>
    %jit3A_80 = arith.constant 0xFF800000 : f32
    %broadcast_in_dim3A_81 = vector.shape_cast %eq3A_79 : vector<1000x1xi1> to vector<1000x1xi1>
    %broadcast_in_dim3A_82 = vector.broadcast %broadcast_in_dim3A_81 : vector<1000x1xi1> to vector<1000x128xi1>
    %broadcast_in_dim3A_83 = vector.broadcast %jit3A_80 : f32 to vector<1000x128xf32>
    %select_n3A_84 = arith.select %broadcast_in_dim3A_82, %add3A_17, %broadcast_in_dim3A_83 : vector<1000x128xi1>, vector<1000x128xf32>
    %reduce_max3A_85 = arith.constant dense<0xFF800000> : vector<128xf32>
    %reduce_max3A_86 = vector.multi_reduction <maximumf>, %select_n3A_84, %reduce_max3A_85 [0] : vector<1000x128xf32> to vector<128xf32>
    %get3A_87 = arith.constant 3 : index
    %get3A_88 = arith.constant 0 : index
    %get3A_89 = vector.load %arg6[%get3A_87, %get3A_88] : memref<16x128xf32, #tpu.memory_space<vmem>>, vector<1x128xf32>
    %get3A_90 = vector.shape_cast %get3A_89 : vector<1x128xf32> to vector<128xf32>
    %max3A_91 = arith.maximumf %get3A_90, %reduce_max3A_86 : vector<128xf32>
    %swap3A_92 = arith.constant 3 : index
    %swap3A_93 = arith.constant 0 : index
    %swap3A_94 = vector.load %arg6[%swap3A_92, %swap3A_93] : memref<16x128xf32, #tpu.memory_space<vmem>>, vector<1x128xf32>
    %swap3A_95 = vector.shape_cast %swap3A_94 : vector<1x128xf32> to vector<128xf32>
    %swap3A_96 = vector.shape_cast %max3A_91 : vector<128xf32> to vector<1x128xf32>
    tpu.vector_store %arg6[%swap3A_92, %swap3A_93], %swap3A_96 {strides = array<i32>} : memref<16x128xf32, #tpu.memory_space<vmem>>, vector<1x128xf32>,
    %eq3A_97 = arith.constant 4 : i32
    %eq3A_98 = vector.broadcast %eq3A_97 : i32 to vector<1000x1xi32>
    %eq3A_99 = arith.cmpi eq, %get3A_20, %eq3A_98 : vector<1000x1xi32>
    %jit3A_100 = arith.constant 0xFF800000 : f32
    %broadcast_in_dim3A_101 = vector.shape_cast %eq3A_99 : vector<1000x1xi1> to vector<1000x1xi1>
    %broadcast_in_dim3A_102 = vector.broadcast %broadcast_in_dim3A_101 : vector<1000x1xi1> to vector<1000x128xi1>
    %broadcast_in_dim3A_103 = vector.broadcast %jit3A_100 : f32 to vector<1000x128xf32>
    %select_n3A_104 = arith.select %broadcast_in_dim3A_102, %add3A_17, %broadcast_in_dim3A_103 : vector<1000x128xi1>, vector<1000x128xf32>
    %reduce_max3A_105 = arith.constant dense<0xFF800000> : vector<128xf32>
    %reduce_max3A_106 = vector.multi_reduction <maximumf>, %select_n3A_104, %reduce_max3A_105 [0] : vector<1000x128xf32> to vector<128xf32>
    %get3A_107 = arith.constant 4 : index
    %get3A_108 = arith.constant 0 : index
    %get3A_109 = vector.load %arg6[%get3A_107, %get3A_108] : memref<16x128xf32, #tpu.memory_space<vmem>>, vector<1x128xf32>
    %get3A_110 = vector.shape_cast %get3A_109 : vector<1x128xf32> to vector<128xf32>
    %max3A_111 = arith.maximumf %get3A_110, %reduce_max3A_106 : vector<128xf32>
    %swap3A_112 = arith.constant 4 : index
    %swap3A_113 = arith.constant 0 : index
    %swap3A_114 = vector.load %arg6[%swap3A_112, %swap3A_113] : memref<16x128xf32, #tpu.memory_space<vmem>>, vector<1x128xf32>
    %swap3A_115 = vector.shape_cast %swap3A_114 : vector<1x128xf32> to vector<128xf32>
    %swap3A_116 = vector.shape_cast %max3A_111 : vector<128xf32> to vector<1x128xf32>
    tpu.vector_store %arg6[%swap3A_112, %swap3A_113], %swap3A_116 {strides = array<i32>} : memref<16x128xf32, #tpu.memory_space<vmem>>, vector<1x128xf32>,
    %eq3A_117 = arith.constant 5 : i32
    %eq3A_118 = vector.broadcast %eq3A_117 : i32 to vector<1000x1xi32>
    %eq3A_119 = arith.cmpi eq, %get3A_20, %eq3A_118 : vector<1000x1xi32>
    %jit3A_120 = arith.constant 0xFF800000 : f32
    %broadcast_in_dim3A_121 = vector.shape_cast %eq3A_119 : vector<1000x1xi1> to vector<1000x1xi1>
    %broadcast_in_dim3A_122 = vector.broadcast %broadcast_in_dim3A_121 : vector<1000x1xi1> to vector<1000x128xi1>
    %broadcast_in_dim3A_123 = vector.broadcast %jit3A_120 : f32 to vector<1000x128xf32>
    %select_n3A_124 = arith.select %broadcast_in_dim3A_122, %add3A_17, %broadcast_in_dim3A_123 : vector<1000x128xi1>, vector<1000x128xf32>
    %reduce_max3A_125 = arith.constant dense<0xFF800000> : vector<128xf32>
    %reduce_max3A_126 = vector.multi_reduction <maximumf>, %select_n3A_124, %reduce_max3A_125 [0] : vector<1000x128xf32> to vector<128xf32>
    %get3A_127 = arith.constant 5 : index
    %get3A_128 = arith.constant 0 : index
    %get3A_129 = vector.load %arg6[%get3A_127, %get3A_128] : memref<16x128xf32, #tpu.memory_space<vmem>>, vector<1x128xf32>
    %get3A_130 = vector.shape_cast %get3A_129 : vector<1x128xf32> to vector<128xf32>
    %max3A_131 = arith.maximumf %get3A_130, %reduce_max3A_126 : vector<128xf32>
    %swap3A_132 = arith.constant 5 : index
    %swap3A_133 = arith.constant 0 : index
    %swap3A_134 = vector.load %arg6[%swap3A_132, %swap3A_133] : memref<16x128xf32, #tpu.memory_space<vmem>>, vector<1x128xf32>
    %swap3A_135 = vector.shape_cast %swap3A_134 : vector<1x128xf32> to vector<128xf32>
    %swap3A_136 = vector.shape_cast %max3A_131 : vector<128xf32> to vector<1x128xf32>
    tpu.vector_store %arg6[%swap3A_132, %swap3A_133], %swap3A_136 {strides = array<i32>} : memref<16x128xf32, #tpu.memory_space<vmem>>, vector<1x128xf32>,
    %eq3A_137 = arith.constant 6 : i32
    %eq3A_138 = vector.broadcast %eq3A_137 : i32 to vector<1000x1xi32>
    %eq3A_139 = arith.cmpi eq, %get3A_20, %eq3A_138 : vector<1000x1xi32>
    %jit3A_140 = arith.constant 0xFF800000 : f32
    %broadcast_in_dim3A_141 = vector.shape_cast %eq3A_139 : vector<1000x1xi1> to vector<1000x1xi1>
    %broadcast_in_dim3A_142 = vector.broadcast %broadcast_in_dim3A_141 : vector<1000x1xi1> to vector<1000x128xi1>
    %broadcast_in_dim3A_143 = vector.broadcast %jit3A_140 : f32 to vector<1000x128xf32>
    %select_n3A_144 = arith.select %broadcast_in_dim3A_142, %add3A_17, %broadcast_in_dim3A_143 : vector<1000x128xi1>, vector<1000x128xf32>
    %reduce_max3A_145 = arith.constant dense<0xFF800000> : vector<128xf32>
    %reduce_max3A_146 = vector.multi_reduction <maximumf>, %select_n3A_144, %reduce_max3A_145 [0] : vector<1000x128xf32> to vector<128xf32>
    %get3A_147 = arith.constant 6 : index
    %get3A_148 = arith.constant 0 : index
    %get3A_149 = vector.load %arg6[%get3A_147, %get3A_148] : memref<16x128xf32, #tpu.memory_space<vmem>>, vector<1x128xf32>
    %get3A_150 = vector.shape_cast %get3A_149 : vector<1x128xf32> to vector<128xf32>
    %max3A_151 = arith.maximumf %get3A_150, %reduce_max3A_146 : vector<128xf32>
    %swap3A_152 = arith.constant 6 : index
    %swap3A_153 = arith.constant 0 : index
    %swap3A_154 = vector.load %arg6[%swap3A_152, %swap3A_153] : memref<16x128xf32, #tpu.memory_space<vmem>>, vector<1x128xf32>
    %swap3A_155 = vector.shape_cast %swap3A_154 : vector<1x128xf32> to vector<128xf32>
    %swap3A_156 = vector.shape_cast %max3A_151 : vector<128xf32> to vector<1x128xf32>
    tpu.vector_store %arg6[%swap3A_152, %swap3A_153], %swap3A_156 {strides = array<i32>} : memref<16x128xf32, #tpu.memory_space<vmem>>, vector<1x128xf32>,
    %eq3A_157 = arith.constant 7 : i32
    %eq3A_158 = vector.broadcast %eq3A_157 : i32 to vector<1000x1xi32>
    %eq3A_159 = arith.cmpi eq, %get3A_20, %eq3A_158 : vector<1000x1xi32>
    %jit3A_160 = arith.constant 0xFF800000 : f32
    %broadcast_in_dim3A_161 = vector.shape_cast %eq3A_159 : vector<1000x1xi1> to vector<1000x1xi1>
    %broadcast_in_dim3A_162 = vector.broadcast %broadcast_in_dim3A_161 : vector<1000x1xi1> to vector<1000x128xi1>
    %broadcast_in_dim3A_163 = vector.broadcast %jit3A_160 : f32 to vector<1000x128xf32>
    %select_n3A_164 = arith.select %broadcast_in_dim3A_162, %add3A_17, %broadcast_in_dim3A_163 : vector<1000x128xi1>, vector<1000x128xf32>
    %reduce_max3A_165 = arith.constant dense<0xFF800000> : vector<128xf32>
    %reduce_max3A_166 = vector.multi_reduction <maximumf>, %select_n3A_164, %reduce_max3A_165 [0] : vector<1000x128xf32> to vector<128xf32>
    %get3A_167 = arith.constant 7 : index
    %get3A_168 = arith.constant 0 : index
    %get3A_169 = vector.load %arg6[%get3A_167, %get3A_168] : memref<16x128xf32, #tpu.memory_space<vmem>>, vector<1x128xf32>
    %get3A_170 = vector.shape_cast %get3A_169 : vector<1x128xf32> to vector<128xf32>
    %max3A_171 = arith.maximumf %get3A_170, %reduce_max3A_166 : vector<128xf32>
    %swap3A_172 = arith.constant 7 : index
    %swap3A_173 = arith.constant 0 : index
    %swap3A_174 = vector.load %arg6[%swap3A_172, %swap3A_173] : memref<16x128xf32, #tpu.memory_space<vmem>>, vector<1x128xf32>
    %swap3A_175 = vector.shape_cast %swap3A_174 : vector<1x128xf32> to vector<128xf32>
    %swap3A_176 = vector.shape_cast %max3A_171 : vector<128xf32> to vector<1x128xf32>
    tpu.vector_store %arg6[%swap3A_172, %swap3A_173], %swap3A_176 {strides = array<i32>} : memref<16x128xf32, #tpu.memory_space<vmem>>, vector<1x128xf32>,
    %eq3A_177 = arith.constant 8 : i32
    %eq3A_178 = vector.broadcast %eq3A_177 : i32 to vector<1000x1xi32>
    %eq3A_179 = arith.cmpi eq, %get3A_20, %eq3A_178 : vector<1000x1xi32>
    %jit3A_180 = arith.constant 0xFF800000 : f32
    %broadcast_in_dim3A_181 = vector.shape_cast %eq3A_179 : vector<1000x1xi1> to vector<1000x1xi1>
    %broadcast_in_dim3A_182 = vector.broadcast %broadcast_in_dim3A_181 : vector<1000x1xi1> to vector<1000x128xi1>
    %broadcast_in_dim3A_183 = vector.broadcast %jit3A_180 : f32 to vector<1000x128xf32>
    %select_n3A_184 = arith.select %broadcast_in_dim3A_182, %add3A_17, %broadcast_in_dim3A_183 : vector<1000x128xi1>, vector<1000x128xf32>
    %reduce_max3A_185 = arith.constant dense<0xFF800000> : vector<128xf32>
    %reduce_max3A_186 = vector.multi_reduction <maximumf>, %select_n3A_184, %reduce_max3A_185 [0] : vector<1000x128xf32> to vector<128xf32>
    %get3A_187 = arith.constant 8 : index
    %get3A_188 = arith.constant 0 : index
    %get3A_189 = vector.load %arg6[%get3A_187, %get3A_188] : memref<16x128xf32, #tpu.memory_space<vmem>>, vector<1x128xf32>
    %get3A_190 = vector.shape_cast %get3A_189 : vector<1x128xf32> to vector<128xf32>
    %max3A_191 = arith.maximumf %get3A_190, %reduce_max3A_186 : vector<128xf32>
    %swap3A_192 = arith.constant 8 : index
    %swap3A_193 = arith.constant 0 : index
    %swap3A_194 = vector.load %arg6[%swap3A_192, %swap3A_193] : memref<16x128xf32, #tpu.memory_space<vmem>>, vector<1x128xf32>
    %swap3A_195 = vector.shape_cast %swap3A_194 : vector<1x128xf32> to vector<128xf32>
    %swap3A_196 = vector.shape_cast %max3A_191 : vector<128xf32> to vector<1x128xf32>
    tpu.vector_store %arg6[%swap3A_192, %swap3A_193], %swap3A_196 {strides = array<i32>} : memref<16x128xf32, #tpu.memory_space<vmem>>, vector<1x128xf32>,
    %eq3A_197 = arith.constant 9 : i32
    %eq3A_198 = vector.broadcast %eq3A_197 : i32 to vector<1000x1xi32>
    %eq3A_199 = arith.cmpi eq, %get3A_20, %eq3A_198 : vector<1000x1xi32>
    %jit3A_200 = arith.constant 0xFF800000 : f32
    %broadcast_in_dim3A_201 = vector.shape_cast %eq3A_199 : vector<1000x1xi1> to vector<1000x1xi1>
    %broadcast_in_dim3A_202 = vector.broadcast %broadcast_in_dim3A_201 : vector<1000x1xi1> to vector<1000x128xi1>
    %broadcast_in_dim3A_203 = vector.broadcast %jit3A_200 : f32 to vector<1000x128xf32>
    %select_n3A_204 = arith.select %broadcast_in_dim3A_202, %add3A_17, %broadcast_in_dim3A_203 : vector<1000x128xi1>, vector<1000x128xf32>
    %reduce_max3A_205 = arith.constant dense<0xFF800000> : vector<128xf32>
    %reduce_max3A_206 = vector.multi_reduction <maximumf>, %select_n3A_204, %reduce_max3A_205 [0] : vector<1000x128xf32> to vector<128xf32>
    %get3A_207 = arith.constant 9 : index
    %get3A_208 = arith.constant 0 : index
    %get3A_209 = vector.load %arg6[%get3A_207, %get3A_208] : memref<16x128xf32, #tpu.memory_space<vmem>>, vector<1x128xf32>
    %get3A_210 = vector.shape_cast %get3A_209 : vector<1x128xf32> to vector<128xf32>
    %max3A_211 = arith.maximumf %get3A_210, %reduce_max3A_206 : vector<128xf32>
    %swap3A_212 = arith.constant 9 : index
    %swap3A_213 = arith.constant 0 : index
    %swap3A_214 = vector.load %arg6[%swap3A_212, %swap3A_213] : memref<16x128xf32, #tpu.memory_space<vmem>>, vector<1x128xf32>
    %swap3A_215 = vector.shape_cast %swap3A_214 : vector<1x128xf32> to vector<128xf32>
    %swap3A_216 = vector.shape_cast %max3A_211 : vector<128xf32> to vector<1x128xf32>
    tpu.vector_store %arg6[%swap3A_212, %swap3A_213], %swap3A_216 {strides = array<i32>} : memref<16x128xf32, #tpu.memory_space<vmem>>, vector<1x128xf32>,
    %eq3A_217 = arith.constant 10 : i32
    %eq3A_218 = vector.broadcast %eq3A_217 : i32 to vector<1000x1xi32>
    %eq3A_219 = arith.cmpi eq, %get3A_20, %eq3A_218 : vector<1000x1xi32>
    %jit3A_220 = arith.constant 0xFF800000 : f32
    %broadcast_in_dim3A_221 = vector.shape_cast %eq3A_219 : vector<1000x1xi1> to vector<1000x1xi1>
    %broadcast_in_dim3A_222 = vector.broadcast %broadcast_in_dim3A_221 : vector<1000x1xi1> to vector<1000x128xi1>
    %broadcast_in_dim3A_223 = vector.broadcast %jit3A_220 : f32 to vector<1000x128xf32>
    %select_n3A_224 = arith.select %broadcast_in_dim3A_222, %add3A_17, %broadcast_in_dim3A_223 : vector<1000x128xi1>, vector<1000x128xf32>
    %reduce_max3A_225 = arith.constant dense<0xFF800000> : vector<128xf32>
    %reduce_max3A_226 = vector.multi_reduction <maximumf>, %select_n3A_224, %reduce_max3A_225 [0] : vector<1000x128xf32> to vector<128xf32>
    %get3A_227 = arith.constant 10 : index
    %get3A_228 = arith.constant 0 : index
    %get3A_229 = vector.load %arg6[%get3A_227, %get3A_228] : memref<16x128xf32, #tpu.memory_space<vmem>>, vector<1x128xf32>
    %get3A_230 = vector.shape_cast %get3A_229 : vector<1x128xf32> to vector<128xf32>
    %max3A_231 = arith.maximumf %get3A_230, %reduce_max3A_226 : vector<128xf32>
    %swap3A_232 = arith.constant 10 : index
    %swap3A_233 = arith.constant 0 : index
    %swap3A_234 = vector.load %arg6[%swap3A_232, %swap3A_233] : memref<16x128xf32, #tpu.memory_space<vmem>>, vector<1x128xf32>
    %swap3A_235 = vector.shape_cast %swap3A_234 : vector<1x128xf32> to vector<128xf32>
    %swap3A_236 = vector.shape_cast %max3A_231 : vector<128xf32> to vector<1x128xf32>
    tpu.vector_store %arg6[%swap3A_232, %swap3A_233], %swap3A_236 {strides = array<i32>} : memref<16x128xf32, #tpu.memory_space<vmem>>, vector<1x128xf32>,
    %eq3A_237 = arith.constant 11 : i32
    %eq3A_238 = vector.broadcast %eq3A_237 : i32 to vector<1000x1xi32>
    %eq3A_239 = arith.cmpi eq, %get3A_20, %eq3A_238 : vector<1000x1xi32>
    %jit3A_240 = arith.constant 0xFF800000 : f32
    %broadcast_in_dim3A_241 = vector.shape_cast %eq3A_239 : vector<1000x1xi1> to vector<1000x1xi1>
    %broadcast_in_dim3A_242 = vector.broadcast %broadcast_in_dim3A_241 : vector<1000x1xi1> to vector<1000x128xi1>
    %broadcast_in_dim3A_243 = vector.broadcast %jit3A_240 : f32 to vector<1000x128xf32>
    %select_n3A_244 = arith.select %broadcast_in_dim3A_242, %add3A_17, %broadcast_in_dim3A_243 : vector<1000x128xi1>, vector<1000x128xf32>
    %reduce_max3A_245 = arith.constant dense<0xFF800000> : vector<128xf32>
    %reduce_max3A_246 = vector.multi_reduction <maximumf>, %select_n3A_244, %reduce_max3A_245 [0] : vector<1000x128xf32> to vector<128xf32>
    %get3A_247 = arith.constant 11 : index
    %get3A_248 = arith.constant 0 : index
    %get3A_249 = vector.load %arg6[%get3A_247, %get3A_248] : memref<16x128xf32, #tpu.memory_space<vmem>>, vector<1x128xf32>
    %get3A_250 = vector.shape_cast %get3A_249 : vector<1x128xf32> to vector<128xf32>
    %max3A_251 = arith.maximumf %get3A_250, %reduce_max3A_246 : vector<128xf32>
    %swap3A_252 = arith.constant 11 : index
    %swap3A_253 = arith.constant 0 : index
    %swap3A_254 = vector.load %arg6[%swap3A_252, %swap3A_253] : memref<16x128xf32, #tpu.memory_space<vmem>>, vector<1x128xf32>
    %swap3A_255 = vector.shape_cast %swap3A_254 : vector<1x128xf32> to vector<128xf32>
    %swap3A_256 = vector.shape_cast %max3A_251 : vector<128xf32> to vector<1x128xf32>
    tpu.vector_store %arg6[%swap3A_252, %swap3A_253], %swap3A_256 {strides = array<i32>} : memref<16x128xf32, #tpu.memory_space<vmem>>, vector<1x128xf32>,
    %eq3A_257 = arith.constant 12 : i32
    %eq3A_258 = vector.broadcast %eq3A_257 : i32 to vector<1000x1xi32>
    %eq3A_259 = arith.cmpi eq, %get3A_20, %eq3A_258 : vector<1000x1xi32>
    %jit3A_260 = arith.constant 0xFF800000 : f32
    %broadcast_in_dim3A_261 = vector.shape_cast %eq3A_259 : vector<1000x1xi1> to vector<1000x1xi1>
    %broadcast_in_dim3A_262 = vector.broadcast %broadcast_in_dim3A_261 : vector<1000x1xi1> to vector<1000x128xi1>
    %broadcast_in_dim3A_263 = vector.broadcast %jit3A_260 : f32 to vector<1000x128xf32>
    %select_n3A_264 = arith.select %broadcast_in_dim3A_262, %add3A_17, %broadcast_in_dim3A_263 : vector<1000x128xi1>, vector<1000x128xf32>
    %reduce_max3A_265 = arith.constant dense<0xFF800000> : vector<128xf32>
    %reduce_max3A_266 = vector.multi_reduction <maximumf>, %select_n3A_264, %reduce_max3A_265 [0] : vector<1000x128xf32> to vector<128xf32>
    %get3A_267 = arith.constant 12 : index
    %get3A_268 = arith.constant 0 : index
    %get3A_269 = vector.load %arg6[%get3A_267, %get3A_268] : memref<16x128xf32, #tpu.memory_space<vmem>>, vector<1x128xf32>
    %get3A_270 = vector.shape_cast %get3A_269 : vector<1x128xf32> to vector<128xf32>
    %max3A_271 = arith.maximumf %get3A_270, %reduce_max3A_266 : vector<128xf32>
    %swap3A_272 = arith.constant 12 : index
    %swap3A_273 = arith.constant 0 : index
    %swap3A_274 = vector.load %arg6[%swap3A_272, %swap3A_273] : memref<16x128xf32, #tpu.memory_space<vmem>>, vector<1x128xf32>
    %swap3A_275 = vector.shape_cast %swap3A_274 : vector<1x128xf32> to vector<128xf32>
    %swap3A_276 = vector.shape_cast %max3A_271 : vector<128xf32> to vector<1x128xf32>
    tpu.vector_store %arg6[%swap3A_272, %swap3A_273], %swap3A_276 {strides = array<i32>} : memref<16x128xf32, #tpu.memory_space<vmem>>, vector<1x128xf32>,
    %eq3A_277 = arith.constant 13 : i32
    %eq3A_278 = vector.broadcast %eq3A_277 : i32 to vector<1000x1xi32>
    %eq3A_279 = arith.cmpi eq, %get3A_20, %eq3A_278 : vector<1000x1xi32>
    %jit3A_280 = arith.constant 0xFF800000 : f32
    %broadcast_in_dim3A_281 = vector.shape_cast %eq3A_279 : vector<1000x1xi1> to vector<1000x1xi1>
    %broadcast_in_dim3A_282 = vector.broadcast %broadcast_in_dim3A_281 : vector<1000x1xi1> to vector<1000x128xi1>
    %broadcast_in_dim3A_283 = vector.broadcast %jit3A_280 : f32 to vector<1000x128xf32>
    %select_n3A_284 = arith.select %broadcast_in_dim3A_282, %add3A_17, %broadcast_in_dim3A_283 : vector<1000x128xi1>, vector<1000x128xf32>
    %reduce_max3A_285 = arith.constant dense<0xFF800000> : vector<128xf32>
    %reduce_max3A_286 = vector.multi_reduction <maximumf>, %select_n3A_284, %reduce_max3A_285 [0] : vector<1000x128xf32> to vector<128xf32>
    %get3A_287 = arith.constant 13 : index
    %get3A_288 = arith.constant 0 : index
    %get3A_289 = vector.load %arg6[%get3A_287, %get3A_288] : memref<16x128xf32, #tpu.memory_space<vmem>>, vector<1x128xf32>
    %get3A_290 = vector.shape_cast %get3A_289 : vector<1x128xf32> to vector<128xf32>
    %max3A_291 = arith.maximumf %get3A_290, %reduce_max3A_286 : vector<128xf32>
    %swap3A_292 = arith.constant 13 : index
    %swap3A_293 = arith.constant 0 : index
    %swap3A_294 = vector.load %arg6[%swap3A_292, %swap3A_293] : memref<16x128xf32, #tpu.memory_space<vmem>>, vector<1x128xf32>
    %swap3A_295 = vector.shape_cast %swap3A_294 : vector<1x128xf32> to vector<128xf32>
    %swap3A_296 = vector.shape_cast %max3A_291 : vector<128xf32> to vector<1x128xf32>
    tpu.vector_store %arg6[%swap3A_292, %swap3A_293], %swap3A_296 {strides = array<i32>} : memref<16x128xf32, #tpu.memory_space<vmem>>, vector<1x128xf32>,
    %eq3A_297 = arith.constant 14 : i32
    %eq3A_298 = vector.broadcast %eq3A_297 : i32 to vector<1000x1xi32>
    %eq3A_299 = arith.cmpi eq, %get3A_20, %eq3A_298 : vector<1000x1xi32>
    %jit3A_300 = arith.constant 0xFF800000 : f32
    %broadcast_in_dim3A_301 = vector.shape_cast %eq3A_299 : vector<1000x1xi1> to vector<1000x1xi1>
    %broadcast_in_dim3A_302 = vector.broadcast %broadcast_in_dim3A_301 : vector<1000x1xi1> to vector<1000x128xi1>
    %broadcast_in_dim3A_303 = vector.broadcast %jit3A_300 : f32 to vector<1000x128xf32>
    %select_n3A_304 = arith.select %broadcast_in_dim3A_302, %add3A_17, %broadcast_in_dim3A_303 : vector<1000x128xi1>, vector<1000x128xf32>
    %reduce_max3A_305 = arith.constant dense<0xFF800000> : vector<128xf32>
    %reduce_max3A_306 = vector.multi_reduction <maximumf>, %select_n3A_304, %reduce_max3A_305 [0] : vector<1000x128xf32> to vector<128xf32>
    %get3A_307 = arith.constant 14 : index
    %get3A_308 = arith.constant 0 : index
    %get3A_309 = vector.load %arg6[%get3A_307, %get3A_308] : memref<16x128xf32, #tpu.memory_space<vmem>>, vector<1x128xf32>
    %get3A_310 = vector.shape_cast %get3A_309 : vector<1x128xf32> to vector<128xf32>
    %max3A_311 = arith.maximumf %get3A_310, %reduce_max3A_306 : vector<128xf32>
    %swap3A_312 = arith.constant 14 : index
    %swap3A_313 = arith.constant 0 : index
    %swap3A_314 = vector.load %arg6[%swap3A_312, %swap3A_313] : memref<16x128xf32, #tpu.memory_space<vmem>>, vector<1x128xf32>
    %swap3A_315 = vector.shape_cast %swap3A_314 : vector<1x128xf32> to vector<128xf32>
    %swap3A_316 = vector.shape_cast %max3A_311 : vector<128xf32> to vector<1x128xf32>
    tpu.vector_store %arg6[%swap3A_312, %swap3A_313], %swap3A_316 {strides = array<i32>} : memref<16x128xf32, #tpu.memory_space<vmem>>, vector<1x128xf32>,
    %eq3A_317 = arith.constant 15 : i32
    %eq3A_318 = vector.broadcast %eq3A_317 : i32 to vector<1000x1xi32>
    %eq3A_319 = arith.cmpi eq, %get3A_20, %eq3A_318 : vector<1000x1xi32>
    %jit3A_320 = arith.constant 0xFF800000 : f32
    %broadcast_in_dim3A_321 = vector.shape_cast %eq3A_319 : vector<1000x1xi1> to vector<1000x1xi1>
    %broadcast_in_dim3A_322 = vector.broadcast %broadcast_in_dim3A_321 : vector<1000x1xi1> to vector<1000x128xi1>
    %broadcast_in_dim3A_323 = vector.broadcast %jit3A_320 : f32 to vector<1000x128xf32>
    %select_n3A_324 = arith.select %broadcast_in_dim3A_322, %add3A_17, %broadcast_in_dim3A_323 : vector<1000x128xi1>, vector<1000x128xf32>
    %reduce_max3A_325 = arith.constant dense<0xFF800000> : vector<128xf32>
    %reduce_max3A_326 = vector.multi_reduction <maximumf>, %select_n3A_324, %reduce_max3A_325 [0] : vector<1000x128xf32> to vector<128xf32>
    %get3A_327 = arith.constant 15 : index
    %get3A_328 = arith.constant 0 : index
    %get3A_329 = vector.load %arg6[%get3A_327, %get3A_328] : memref<16x128xf32, #tpu.memory_space<vmem>>, vector<1x128xf32>
    %get3A_330 = vector.shape_cast %get3A_329 : vector<1x128xf32> to vector<128xf32>
    %max3A_331 = arith.maximumf %get3A_330, %reduce_max3A_326 : vector<128xf32>
    %swap3A_332 = arith.constant 15 : index
    %swap3A_333 = arith.constant 0 : index
    %swap3A_334 = vector.load %arg6[%swap3A_332, %swap3A_333] : memref<16x128xf32, #tpu.memory_space<vmem>>, vector<1x128xf32>
    %swap3A_335 = vector.shape_cast %swap3A_334 : vector<1x128xf32> to vector<128xf32>
    %swap3A_336 = vector.shape_cast %max3A_331 : vector<128xf32> to vector<1x128xf32>
    tpu.vector_store %arg6[%swap3A_332, %swap3A_333], %swap3A_336 {strides = array<i32>} : memref<16x128xf32, #tpu.memory_space<vmem>>, vector<1x128xf32>,
    return
  }
  func.func @transform_0(%arg0: i32) -> (i32, i32, i32) {
    %c0_i32 = arith.constant 0 : i32
    %c0_i32_0 = arith.constant 0 : i32
    %c0_i32_1 = arith.constant 0 : i32
    return %c0_i32, %arg0, %c0_i32_0 : i32, i32, i32
  }
  func.func @transform_1(%arg0: i32) -> (i32, i32) {
    %c0_i32 = arith.constant 0 : i32
    %c0_i32_0 = arith.constant 0 : i32
    return %arg0, %c0_i32 : i32, i32
  }
  func.func @transform_2(%arg0: i32) -> (i32, i32) {
    %c0_i32 = arith.constant 0 : i32
    %c0_i32_0 = arith.constant 0 : i32
    return %arg0, %c0_i32 : i32, i32
  }
  func.func @transform_3(%arg0: i32) -> (i32, i32) {
    %c0_i32 = arith.constant 0 : i32
    %c0_i32_0 = arith.constant 0 : i32
    %c0_i32_1 = arith.constant 0 : i32
    return %c0_i32, %c0_i32_0 : i32, i32
  }
  func.func @transform_4(%arg0: i32) -> (i32, i32) {
    %c0_i32 = arith.constant 0 : i32
    %c0_i32_0 = arith.constant 0 : i32
    return %arg0, %c0_i32 : i32, i32
  }
  func.func @transform_5(%arg0: i32) -> (i32, i32) {
    %c0_i32 = arith.constant 0 : i32
    %c0_i32_0 = arith.constant 0 : i32
    %c0_i32_1 = arith.constant 0 : i32
    return %c0_i32, %c0_i32_0 : i32, i32
  }
}

</mosaic_0001>

<sc_bundles>
// kernel: kernel.11.cloned.1.call-start
scs
__scs_entry_jumppad:
0x0: {  	(pc) =	sbr.rel $0x88, $3  }
0x1: {  	(tag) =	ssettag $0x0;
	lr =	simm.s32 $0x1  }
0x2: {  	[smem:$0x3F9A] =	sst lr;
	_ =	strace $0xD0000000  }
0x3: {  	_ = 	snop  }
0x4: {  	_ = 	snop  }
0x5: {  	_ = 	snop  }
0x6: {  	_ = 	snop  }
0x7: {  	_ = 	snop  }
__scs_overlays_trampoline_lowered:
0x8: {  	[smem:$0x3FA9] =	sst s0  }
0x9: {  	[smem:$0x3FAA] =	sst s1  }
0xa: {  	[smem:$0x3FAB] =	sst s2  }
0xb: {  	[smem:$0x3FAC] =	sst s3  }
0xc: {  	[smem:$0x3FAD] =	sst s4  }
0xd: {  	[smem:$0x3FAE] =	sst s5  }
0xe: {  	[smem:$0x3FAF] =	sst s6  }
0xf: {  	[smem:$0x3FB0] =	sst s7  }
0x10: {  	[smem:$0x3FB1] =	sst s8  }
0x11: {  	[smem:$0x3FB2] =	sst s9;
	s0 =	simm.s32 @!p0 $0x0  }
0x12: {  	s1 =	sld [smem:$0x3F98];
	s0 =	simm.s32 @p0 $0x1  }
0x13: {  	[smem:$0x3FB3] =	sst s0;
	s0 =	simm.s32 @!p1 $0x0  }
0x14: {  	s2 =	sld [smem:$0x3F97];
	s0 =	simm.s32 @p1 $0x1  }
0x15: {  	[smem:$0x3FB4] =	sst s0;
	s0 =	simm.s32 @!p2 $0x0  }
0x16: {  	s3 =	sld [smem:$0x3FDB];
	s0 =	simm.s32 @p2 $0x1  }
0x17: {  	s4 =	simm.s32 $0x1BF5;
	[smem:$0x3FB6] =	sst s0  }
0x18: {  	s0 =	sld [smem:$0x3F99];
	_ =	swait.ge [sflag:s4], $0x0  }
0x19: {  	s7 =	sld [smem:$0x3F9A]  }
0x1a: {  	s8 =	sadd.s32 $0xFFFFE003, lr  }
0x1b: {  	s9 =	sadd.s32 $0xFFFFFEF7, lr;
	s5 =	simm.s32 $0xFFFFFFFF;
	p2 =	slt.u32 s8, $0xFFFFF086  }
0x1c: {  	p1 =	slt.u32 s9, $0xF7A;
	s5 =	simm.s32 @!p2 $0x0  }
0x1d: {  	s5 =	simm.s32 @p1 $0x1;
	p0 =	seq.s32 s7, s2  }
0x1e: {  	s7 =	smul.u32 @!p0 $0xF7A, s2;
	p2 =	seq.s32 @!p0 s5, $0x0  }
0x1f: {  	s9 =	smul.u32 $0xF7A, s1;
	s8 =	simm.s32 @!p0 $0x1BF5;
	p2 =	por !p2, p0  }
0x20: {  	[sflag:s8] =	ssyncset.s32 @!p0 $0xFFFFF086;
	s6 =	sadd.s32 @!p0 s3, s7;
	s7 =	simm.s32 @!p0 $0x108  }
0x21: {  	s3 =	sadd.s32 s3, s9;
	s6 =	sadd.s32 @!p0 $0x88, s6;
	s7 =	simm.s32 @p2 $0x1082  }
0x22: {  	[simem:s7], [sflag:s8] =	dma.local @!p0 [hbm:s6], $0xF7A  }
0x23: {  	s9 =	sor.u32 $0xD0000000, s2;
	s6 =	simm.s32 $0x108;
	_ =	swait.ge @!p0 [sflag:s8], $0x0  }
0x24: {  	s3 =	sadd.s32 $0x88, s3;
	s6 =	simm.s32 @!p1 $0x1082;
	[sflag:s4] =	ssyncset.s32 $0xFFFFF086  }
0x25: {  	[simem:s6], [sflag:s4] =	dma.local [hbm:s3], $0xF7A  }
0x26: {  	[smem:$0x3F9A] =	sst s1;
	(tag) =	ssettag s2;
	_ =	strace s9  }
0x27: {  	s1 =	sld [smem:$0x3FAA]  }
0x28: {  	s2 =	sld [smem:$0x3FAB]  }
0x29: {  	s4 =	sld [smem:$0x3FAD]  }
0x2a: {  	p0 =	seq.s32 s5, $0x0;
	s5 =	sld [smem:$0x3FAE]  }
0x2b: {  	s6 =	sld [smem:$0x3FAF]  }
0x2c: {  	s7 =	sld [smem:$0x3FB0]  }
0x2d: {  	s3 =	simm.s32 $0x108;
	s8 =	sld [smem:$0x3FB1]  }
0x2e: {  	s3 =	simm.s32 @!p0 $0x1082;
	s9 =	sld [smem:$0x3FB2]  }
0x2f: {  	lr =	sadd.s32 s0, s3;
	s0 =	sld [smem:$0x3FA9]  }
0x30: {  	s3 =	sld [smem:$0x3FAC]  }
0x31: {  	[smem:$0x3FB5] =	sst s10  }
0x32: {  	s10 =	sld [smem:$0x3FB3];
	_ =	sdelay $0x3  }
0x33: {  	p0 =	seq.s32 s10, $0x1;
	s10 =	sld [smem:$0x3FB5];
	_ =	sdelay $0x3  }
0x34: {  	[smem:$0x3FB5] =	sst s10  }
0x35: {  	s10 =	sld [smem:$0x3FB4];
	_ =	sdelay $0x3  }
0x36: {  	p1 =	seq.s32 s10, $0x1;
	s10 =	sld [smem:$0x3FB5];
	_ =	sdelay $0x3  }
0x37: {  	[smem:$0x3FB5] =	sst s10  }
0x38: {  	s10 =	sld [smem:$0x3FB6]  }
0x39: {  	_ = 	snop;
	(pc) =	sbr.ind lr, $3  }
0x3a: {  	_ = 	snop  }
0x3b: {  	_ = 	snop  }
0x3c: {  	p2 =	seq.s32 s10, $0x1;
	s10 =	sld [smem:$0x3FB5]  }
0x3d: {  	_ =	shalt  }
0x3e: {  	_ =	shalt  }
0x3f: {  	_ =	shalt  }
0x40: {  	_ =	shalt  }
0x41: {  	_ =	shalt  }
0x42: {  	_ =	shalt  }
0x43: {  	_ =	shalt  }
0x44: {  	_ =	shalt  }
0x45: {  	_ =	shalt  }
0x46: {  	_ =	shalt  }
0x47: {  	_ =	shalt  }
0x48: {  	_ =	shalt  }
0x49: {  	_ =	shalt  }
0x4a: {  	_ =	shalt  }
0x4b: {  	_ =	shalt  }
0x4c: {  	_ =	shalt  }
0x4d: {  	_ =	shalt  }
0x4e: {  	_ =	shalt  }
0x4f: {  	_ =	shalt  }
0x50: {  	_ =	shalt  }
0x51: {  	_ =	shalt  }
0x52: {  	_ =	shalt  }
0x53: {  	_ =	shalt  }
0x54: {  	_ =	shalt  }
0x55: {  	_ =	shalt  }
0x56: {  	_ =	shalt  }
0x57: {  	_ =	shalt  }
0x58: {  	_ =	shalt  }
0x59: {  	_ =	shalt  }
0x5a: {  	_ =	shalt  }
0x5b: {  	_ =	shalt  }
0x5c: {  	_ =	shalt  }
0x5d: {  	_ =	shalt  }
0x5e: {  	_ =	shalt  }
0x5f: {  	_ =	shalt  }
0x60: {  	_ =	shalt  }
0x61: {  	_ =	shalt  }
0x62: {  	_ =	shalt  }
0x63: {  	_ =	shalt  }
0x64: {  	_ =	shalt  }
0x65: {  	_ =	shalt  }
0x66: {  	_ =	shalt  }
0x67: {  	_ =	shalt  }
0x68: {  	_ =	shalt  }
0x69: {  	_ =	shalt  }
0x6a: {  	_ =	shalt  }
0x6b: {  	_ =	shalt  }
0x6c: {  	_ =	shalt  }
0x6d: {  	_ =	shalt  }
0x6e: {  	_ =	shalt  }
0x6f: {  	_ =	shalt  }
0x70: {  	_ =	shalt  }
0x71: {  	_ =	shalt  }
0x72: {  	_ =	shalt  }
0x73: {  	_ =	shalt  }
0x74: {  	_ =	shalt  }
0x75: {  	_ =	shalt  }
0x76: {  	_ =	shalt  }
0x77: {  	_ =	shalt  }
0x78: {  	_ =	shalt  }
0x79: {  	_ =	shalt  }
0x7a: {  	_ =	shalt  }
0x7b: {  	_ =	shalt  }
0x7c: {  	_ =	shalt  }
0x7d: {  	_ =	shalt  }
0x7e: {  	_ =	shalt  }
0x7f: {  	_ =	shalt  }
0x80: {  	_ =	shalt  }
0x81: {  	_ =	shalt  }
0x82: {  	_ =	shalt  }
0x83: {  	_ =	shalt  }
0x84: {  	_ =	shalt  }
0x85: {  	_ =	shalt  }
0x86: {  	_ =	shalt  }
0x87: {  	_ =	shalt  }
.Lfunc_end0:
.L_simem_size_0:
called_computation.1_lowered:
.L_overlay_start_0:
0x88: {  	s2 =	sld [smem:$0x3FD9]  }
0x89: {  	s3 =	sld [smem:$0x3FFE];
	_ =	sdelay $0x1  }
0x8a: {  	s1 =	srdreg.scid  }
0x8b: {  	s0 =	sand.u32 $0x1, s1  }
0x8c: {  	s16 =	sshll.u32 s0, $0xA;
	s2 =	sadd.s32 s3, s2  }
0x8d: {  	s2 =	sadd.s32 s2, s16  }
0x8e: {  	[smem:$0x3FC1] =	sst s2  }
0x8f: {  	_ = 	snop  }
0x90: {  	(tm) =	ssettm $0x1  }
0x91: {  	s17 =	sld [smem:$0x3FFB];
	_ =	sdelay $0x3  }
0x92: {  	_ =	strace s17  }
0x93: {  	s2 =	sld [smem:$0x3FFC];
	_ =	sdelay $0x3  }
0x94: {  	_ =	strace s2  }
0x95: {  	s2 =	sld [smem:$0x3FFD];
	_ =	sdelay $0x3  }
0x96: {  	_ =	strace s2  }
0x97: {  	_ =	strace $0x8FFFFFFF  }
0x98: {  	s18 =	sld [smem:$0x3FDB];
	_ =	sdelay $0x1  }
0x99: {  	s19 =	simm.s32 $_scs_section_size  }
0x9a: {  	s4 =	simm.s32 $_size__tile_overlayer_lowered;
	s5 =	simm.s32 $_tile_overlayer_lowered  }
0x9b: {  	s22 =	simm.s32 $0x1BFF;
	s21 =	sshll.u32 s5, $0x1;
	s2 =	sadd.s32 s19, s18  }
0x9c: {  	s6 =	simm.s32 $0x0;
	s20 =	sshll.u32 s4, $0x1;
	s4 =	sadd.s32 s21, s2  }
0x9d: {  	[timem:s6], [sflag:s22] =	dma.local [hbm:s4], s20  }
0x9e: {  	_ =	swait.ge [sflag:s22], s20  }
0x9f: {  	s3 =	ssub.s32 $0x0, s20;
	[sflag:s22] =	ssyncset.done $0x0  }
0xa0: {  	[sflag:s22] =	ssyncadd.s32 s3;
	_ =	sdelay $0x1  }
0xa1: {  	s23 =	simm.s32 $0x1B8B  }
0xa2: {  	_ =	swait.ge [sflag:s23], $0x1  }
0xa3: {  	[sflag:s23] =	ssyncset.done $0x0  }
0xa4: {  	s25 =	simm.s32 $0x1B8E;
	s24 =	sld [smem:$0x3FFE];
	[sflag:s23] =	ssyncadd.s32 $0xFFFFFFFF  }
0xa5: {  	s26 =	simm.s32 $execute0_lowered;
	[smem:$0x3FD2] =	sst s25  }
0xa6: {  	s4 =	sshll.u32 s26, $0x1;
	_ =	strace $0x80000049;
	[dreg:$0x1] =	wrdreg $0xFFFFFFFF  }
0xa7: {  	s28 =	simm.s32 $_size_execute0_lowered;
	s2 =	sadd.s32 s2, s4;
	[dreg:$0x0] =	wrdreg $0x0  }
0xa8: {  	s4 =	sshll.u32 s28, $0x1;
	[dreg:$0x2] =	wrdreg s2  }
0xa9: {  	[dreg:$0x3] =	wrdreg s4  }
0xaa: {  	[dreg:$0x4] =	wrdreg $0xC0  }
0xab: {  	_ =	task [dreg:s6], $0x5FFFF  }
0xac: {  	[dreg:$0x1] =	wrdreg $0xFFFFFFFF  }
0xad: {  	[dreg:$0x0] =	wrdreg $0x60  }
0xae: {  	[dreg:$0x2] =	wrdreg s24  }
0xaf: {  	[dreg:$0x3] =	wrdreg $0xA8000  }
0xb0: {  	[dreg:$0x4] =	wrdreg $0x9  }
0xb1: {  	_ =	task.clear_ibuf [dreg:s6], $0x5FFFF;
	_ =	strace $0x90000049  }
0xb2: {  	s29 =	simm.s32 $0x9;
	_ =	strace $0x8000004B  }
0xb3: {  	_ =	swait.ge [sflag:s29], $0x1  }
0xb4: {  	[sflag:s29] =	ssyncadd.s32 $0xFFFFFFFF  }
0xb5: {  	_ =	strace $0x9000004B  }
0xb6: {  	_ =	sfence  }
0xb7: {  	s30 =	sld [smem:$0x0];
	_ =	sdelay $0x2  }
0xb8: {  	s31 =	sshll.u32 s1, $0xD;
	s1 =	sshrl.u32 s1, $0x2  }
0xb9: {  	s3 =	sand.u32 $0x4000, s31;
	s1 =	sadd.s32 s1, s30  }
0xba: {  	s0 =	sor.u32 s3, s0;
	s1 =	sshll.u32 s1, $0x11  }
0xbb: {  	s0 =	sor.u32 s1, s0  }
0xbc: {  	s0 =	sadd.s32 $0x8F2B, s0  }
0xbd: {  	[sflag:s0] =	ssyncadd.remote.s32 $0x1  }
0xbe: {  	_ =	sfence.sel $0xFFFF  }
0xbf: {  	[dreg:$0x0] =	wrdreg $0xFFFFFFFF;
	(pc) =	sbr.abs _section_cstart, $3  }
0xc0: {  	[dreg:$0x1] =	wrdreg $0xFFFFFFFF  }
0xc1: {  	_ =	task.clear_ibuf [dreg:s6], $0x2FFFF;
	_ =	strace $0x9FFFFFFF  }
0xc2: {  	(tm) =	ssettm $0x7FFFFFFF  }
0xc3: {  	_ =	shalt  }
tec
execute0_lowered:
.L_overlay_start_1:
0x0: {  	(tag) =	ssettag $0x1  }
0x1: {  	s0 =	rddreg [dreg:$0x0]  }
0x2: {  	s11 =	stileid.u32;
	s1 =	srdreg.scid  }
0x3: {  	s2 =	rddreg [dreg:$0x1];
	s3 =	simm.s32 $0x0;
	s12 =	simm.s32 $0x3  }
0x4: {  	s13 =	simm.s32 $0x50;
	s14 =	simm.s32 $0x800;
	s26 =	simm.s32 $0x100  }
0x5: {  	s15 =	simm.s32 $0x3000;
	s16 =	simm.s32 $0x400;
	s17 =	simm.s32 $0x1  }
0x6: {  	s18 =	simm.s32 $0x80;
	s19 =	simm.s32 $0x180;
	s28 =	simm.s32 $0x500  }
0x7: {  	s29 =	simm.s32 $0x480;
	s30 =	simm.s32 $0x580;
	s31 =	simm.s32 $0x600  }
0x8: {  	s5 =	smul.u32 $0x14000, s11;
	s1 =	sand.u32 $0x1, s1;
	[smem:$0x7FF] =	sst s3  }
0x9: {  	s4 =	sadd.s32 $0x2D600, s0;
	s8 =	sadd.s32 $0xD600, s0;
	s20 =	smul.u32 $0x50000, s11  }
0xa: {  	s9 =	sshll.u32 s11, $0xF;
	s23 =	sshll.u32 s11, $0x6;
	s11 =	simm.s32 $0x4  }
0xb: {  	s6 =	smul.u32 $0x140000, s1;
	_ =	strace $0x8000004A;
	s7 =	ssub.s32 $0x2, s1  }
0xc: {  	s1 =	sshll.u32 s1, $0x13;
	[dreg:$0x5] =	wrdreg s26;
	s26 =	simm.s32 $0x380  }
0xd: {  	s10 =	sshrl.u32 s7, $0x1;
	s1 =	sor.u32 s9, s1;
	s6 =	sadd.s32 s5, s6  }
0xe: {  	s5 =	sshrl.u32 s5, $0x3;
	s21 =	ssub.s32 s7, s10;
	s22 =	sshrl.u32 s1, $0x3  }
0xf: {  	s1 =	sor.u32 $0x800, s1;
	s6 =	sshrl.u32 s6, $0x3;
	s5 =	sadd.s32 s5, s0  }
0x10: {  	s7 =	sadd.s32 s22, s8;
	s1 =	sshrl.u32 s1, $0x3;
	s25 =	smax.u32 s21, $0x1  }
0x11: {  	s21 =	simm.s32 $0x5800;
	s22 =	simm.s32 $0x300;
	s0 =	sadd.s32 s6, s0  }
0x12: {  	s6 =	sshrl.u32 s20, $0x2;
	s5 =	sadd.s32 $0x54800, s5;
	[dreg:$0x7] =	wrdreg s7  }
0x13: {  	s24 =	sadd.s32 $0x80, s7;
	s7 =	sor.u32 $0x1C04, s23;
	[dreg:$0xa] =	wrdreg s25  }
0x14: {  	s1 =	sadd.s32 s1, s8;
	s20 =	simm.s32 $0x200;
	[dreg:$0x6] =	wrdreg s5  }
0x15: {  	s23 =	simm.s32 $0x8000;
	s25 =	simm.s32 $0x280;
	[dreg:$0x3] =	wrdreg s24  }
0x16: {  	s8 =	simm.s32 $0x0;
	s6 =	sadd.s32 s6, s2;
	[dreg:$0x4] =	wrdreg s1  }
0x17: {  	s0 =	sadd.s32 $0x7C800, s0;
	s24 =	simm.s32 $0x2;
	[dreg:$0x8] =	wrdreg s7  }
0x18: {  	s1 =	simm.s32 $0x700;
	[dreg:$0x9] =	wrdreg s0;
	s9 =	sshrl.u32 s6, $0x3  }
0x19: {  	s5 =	simm.s32 $0x780;
	s0 =	simm.s32 $0x680;
	[dreg:$0xb] =	wrdreg s9  }
.LBB2_1:
0x1a: {  	s6 =	rddreg [dreg:$0x6]  }
0x1b: {  	[spmem:s9], [sflag:s7] =	dma.local [hbm:s6], $0x2800  }
0x1c: {  	_ =	swait.ge [sflag:s11], $0x2800  }
0x1d: {  	[sflag:s11] =	ssyncset.done $0x0  }
0x1e: {  	[sflag:s11] =	ssyncadd.s32 $0xFFFFD800  }
0x1f: {  	[bflag:$0x0] =	sbarrier.arrive $0xFFFF  }
0x20: {  	s9 =	rddreg [dreg:$0x7]  }
0x21: {  	[tilespmem:s3], [sflag:$0x3] =	stream.linear.gather [hbm4b:s9+s3], $0x400, $0x38;
	[tilespmem:$0x1E800] =	vst v63  }
0x22: {  	_ =	swait.ge [sflag:s12], $0x400  }
0x23: {  	[sflag:s12] =	ssyncset.done $0x0  }
0x24: {  	p0 =	por $0x1, $0x1;
	[sflag:s12] =	ssyncadd.s32 $0xFFFFFC00  }
0x25: {  	[tilespmem:s14], [sflag:$0x1] =	stream.indirect.gather [hbm4b:s4+s13], $0x80, s3, s13, $0xb8;
	[tilespmem:$0x1E800] =	vst v63  }
0x26: {  	s6 =	simm.s32 @!p0 $0x2;
	s10 =	rddreg [dreg:$0x5]  }
0x27: {  	[tilespmem:s15], [sflag:$0x1] =	stream.indirect.gather [hbm4b:s4+s13], $0x80, s10, s13, $0xb8;
	[tilespmem:$0x1E800] =	vst v63  }
0x28: {  	_ =	swait.ge @!p0 [sflag:s6], $0x2800  }
0x29: {  	[sflag:s6] =	ssyncset.done @!p0 $0x0  }
0x2a: {  	[sflag:s6] =	ssyncadd.s32 @!p0 $0xFFFFD800  }
0x2b: {  	_ =	swait.ge @!p0 [sflag:s6], $0x2800  }
0x2c: {  	s7 =	rddreg [dreg:$0x3];
	[sflag:s6] =	ssyncset.done @!p0 $0x0  }
0x2d: {  	[sflag:s6] =	ssyncadd.s32 @!p0 $0xFFFFD800;
	s10 =	sadd.s32 $0x0, s7  }
0x2e: {  	[tilespmem:s16], [sflag:$0x3] =	stream.linear.gather [hbm4b:s10+s3], $0x400, $0x38;
	[tilespmem:$0x1E800] =	vst v63  }
0x2f: {  	_ =	swait.ge [sflag:s17], $0x2800  }
0x30: {  	[sflag:s17] =	ssyncset.done $0x0  }
0x31: {  	[sflag:s17] =	ssyncadd.s32 $0xFFFFD800  }
0x32: {  	_ =	swait.ge [sflag:s17], $0x2800  }
0x33: {  	[sflag:s17] =	ssyncset.done $0x0  }
0x34: {  	[sflag:s17] =	ssyncadd.s32 $0xFFFFD800  }
0x35: {  	[spmem:s2] =	stream.indirect.scatter.add.f32 [tilespmem:s14], [sflag:$0x2], $0x80, s18, s13, $0xb8;
	[tilespmem:$0x1E800] =	vst v63  }
0x36: {  	_ = 	snop  }
0x37: {  	[spmem:s2] =	stream.indirect.scatter.add.f32 [tilespmem:s15], [sflag:$0x2], $0x80, s19, s13, $0xb8;
	[tilespmem:$0x1E800] =	vst v63  }
0x38: {  	_ = 	snop  }
0x39: {  	[tilespmem:s21], [sflag:$0x1] =	stream.indirect.gather [hbm4b:s4+s13], $0x80, s20, s13, $0xb8;
	[tilespmem:$0x1E800] =	vst v63  }
0x3a: {  	_ = 	snop  }
0x3b: {  	[tilespmem:s23], [sflag:$0x1] =	stream.indirect.gather [hbm4b:s4+s13], $0x80, s22, s13, $0xb8;
	[tilespmem:$0x1E800] =	vst v63  }
0x3c: {  	_ =	swait.ge [sflag:s24], $0x2800  }
0x3d: {  	[sflag:s24] =	ssyncset.done $0x0  }
0x3e: {  	[sflag:s24] =	ssyncadd.s32 $0xFFFFD800  }
0x3f: {  	_ =	swait.ge [sflag:s24], $0x2800  }
0x40: {  	[sflag:s24] =	ssyncset.done $0x0  }
0x41: {  	[sflag:s24] =	ssyncadd.s32 $0xFFFFD800  }
0x42: {  	_ =	swait.ge [sflag:s17], $0x2800  }
0x43: {  	[sflag:s17] =	ssyncset.done $0x0  }
0x44: {  	[sflag:s17] =	ssyncadd.s32 $0xFFFFD800  }
0x45: {  	_ =	swait.ge [sflag:s17], $0x2800  }
0x46: {  	[sflag:s17] =	ssyncset.done $0x0  }
0x47: {  	[sflag:s17] =	ssyncadd.s32 $0xFFFFD800  }
0x48: {  	[spmem:s2] =	stream.indirect.scatter.add.f32 [tilespmem:s21], [sflag:$0x2], $0x80, s25, s13, $0xb8;
	[tilespmem:$0x1E800] =	vst v63  }
0x49: {  	_ = 	snop  }
0x4a: {  	[spmem:s2] =	stream.indirect.scatter.add.f32 [tilespmem:s23], [sflag:$0x2], $0x80, s26, s13, $0xb8;
	[tilespmem:$0x1E800] =	vst v63  }
0x4b: {  	_ =	swait.ge [sflag:s12], $0x400  }
0x4c: {  	[sflag:s12] =	ssyncset.done $0x0  }
0x4d: {  	[sflag:s12] =	ssyncadd.s32 $0xFFFFFC00  }
0x4e: {  	[tilespmem:s14], [sflag:$0x1] =	stream.indirect.gather [hbm4b:s4+s13], $0x80, s16, s13, $0xb8;
	[tilespmem:$0x1E800] =	vst v63  }
0x4f: {  	_ = 	snop  }
0x50: {  	[tilespmem:s15], [sflag:$0x1] =	stream.indirect.gather [hbm4b:s4+s13], $0x80, s28, s13, $0xb8;
	[tilespmem:$0x1E800] =	vst v63  }
0x51: {  	_ =	swait.ge [sflag:s24], $0x2800  }
0x52: {  	[sflag:s24] =	ssyncset.done $0x0  }
0x53: {  	[sflag:s24] =	ssyncadd.s32 $0xFFFFD800  }
0x54: {  	_ =	swait.ge [sflag:s24], $0x2800  }
0x55: {  	p0 =	por $0x0, $0x0;
	s6 =	rddreg [dreg:$0x4];
	[sflag:s24] =	ssyncset.done $0x0  }
0x56: {  	s9 =	simm.s32 @!p0 $0x0;
	[sflag:s24] =	ssyncadd.s32 $0xFFFFD800;
	s6 =	sadd.s32 @!p0 $0x0, s6  }
0x57: {  	[tilespmem:s9], [sflag:$0x3] =	stream.linear.gather @!p0 [hbm4b:s6+s9], $0x400, $0x38;
	[tilespmem:$0x1E800] =	vst v63  }
0x58: {  	_ =	swait.ge [sflag:s17], $0x2800  }
0x59: {  	[sflag:s17] =	ssyncset.done $0x0  }
0x5a: {  	[sflag:s17] =	ssyncadd.s32 $0xFFFFD800  }
0x5b: {  	_ =	swait.ge [sflag:s17], $0x2800  }
0x5c: {  	[sflag:s17] =	ssyncset.done $0x0  }
0x5d: {  	[sflag:s17] =	ssyncadd.s32 $0xFFFFD800  }
0x5e: {  	[spmem:s2] =	stream.indirect.scatter.add.f32 [tilespmem:s14], [sflag:$0x2], $0x80, s29, s13, $0xb8;
	[tilespmem:$0x1E800] =	vst v63  }
0x5f: {  	_ = 	snop  }
0x60: {  	[spmem:s2] =	stream.indirect.scatter.add.f32 [tilespmem:s15], [sflag:$0x2], $0x80, s30, s13, $0xb8;
	[tilespmem:$0x1E800] =	vst v63  }
0x61: {  	_ = 	snop  }
0x62: {  	[tilespmem:s21], [sflag:$0x1] =	stream.indirect.gather [hbm4b:s4+s13], $0x80, s31, s13, $0xb8;
	[tilespmem:$0x1E800] =	vst v63  }
0x63: {  	_ = 	snop  }
0x64: {  	[tilespmem:s23], [sflag:$0x1] =	stream.indirect.gather [hbm4b:s4+s13], $0x80, s1, s13, $0xb8;
	[tilespmem:$0x1E800] =	vst v63  }
0x65: {  	_ =	swait.ge [sflag:s24], $0x2800  }
0x66: {  	[sflag:s24] =	ssyncset.done $0x0  }
0x67: {  	[sflag:s24] =	ssyncadd.s32 $0xFFFFD800  }
0x68: {  	_ =	swait.ge [sflag:s24], $0x2800  }
0x69: {  	[sflag:s24] =	ssyncset.done $0x0  }
0x6a: {  	[sflag:s24] =	ssyncadd.s32 $0xFFFFD800  }
0x6b: {  	_ =	swait.ge [sflag:s17], $0x2800  }
0x6c: {  	[sflag:s17] =	ssyncset.done $0x0  }
0x6d: {  	[sflag:s17] =	ssyncadd.s32 $0xFFFFD800  }
0x6e: {  	_ =	swait.ge [sflag:s17], $0x2800  }
0x6f: {  	[sflag:s17] =	ssyncset.done $0x0  }
0x70: {  	s9 =	simm.s32 $0x100;
	[sflag:s17] =	ssyncadd.s32 $0xFFFFD800  }
0x71: {  	[spmem:s2] =	stream.indirect.scatter.add.f32 [tilespmem:s21], [sflag:$0x2], $0x80, s0, s13, $0xb8;
	[tilespmem:$0x1E800] =	vst v63  }
.LBB2_2:
0x72: {  	[spmem:s2] =	stream.indirect.scatter.add.f32 [tilespmem:s23], [sflag:$0x2], $0x80, s5, s13, $0xb8;
	[tilespmem:$0x1E800] =	vst v63  }
0x73: {  	_ =	swait.ge [sflag:s12], $0x400  }
0x74: {  	[sflag:s12] =	ssyncset.done $0x0  }
0x75: {  	s6 =	smov.u32 s9;
	[sflag:s12] =	ssyncadd.s32 $0xFFFFFC00  }
0x76: {  	[tilespmem:s14], [sflag:$0x1] =	stream.indirect.gather [hbm4b:s4+s13], $0x80, s3, s13, $0xb8;
	[tilespmem:$0x1E800] =	vst v63  }
0x77: {  	p1 =	seq.s32 s6, $0x0;
	s7 =	rddreg [dreg:$0x5]  }
0x78: {  	[tilespmem:s15], [sflag:$0x1] =	stream.indirect.gather [hbm4b:s4+s13], $0x80, s7, s13, $0xb8;
	[tilespmem:$0x1E800] =	vst v63  }
0x79: {  	s7 =	simm.s32 @!p1 $0x2  }
0x7a: {  	_ =	swait.ge @!p1 [sflag:s7], $0x2800  }
0x7b: {  	[sflag:s7] =	ssyncset.done @!p1 $0x0  }
0x7c: {  	[sflag:s7] =	ssyncadd.s32 @!p1 $0xFFFFD800  }
0x7d: {  	_ =	swait.ge @!p1 [sflag:s7], $0x2800  }
0x7e: {  	[sflag:s7] =	ssyncset.done @!p1 $0x0;
	s10 =	rddreg [dreg:$0x3]  }
0x7f: {  	[sflag:s7] =	ssyncadd.s32 @!p1 $0xFFFFD800;
	s10 =	sadd.s32 s6, s10  }
0x80: {  	[tilespmem:s16], [sflag:$0x3] =	stream.linear.gather [hbm4b:s10+s3], $0x400, $0x38;
	[tilespmem:$0x1E800] =	vst v63  }
0x81: {  	_ =	swait.ge [sflag:s17], $0x2800  }
0x82: {  	[sflag:s17] =	ssyncset.done $0x0  }
0x83: {  	[sflag:s17] =	ssyncadd.s32 $0xFFFFD800  }
0x84: {  	_ =	swait.ge [sflag:s17], $0x2800  }
0x85: {  	[sflag:s17] =	ssyncset.done $0x0  }
0x86: {  	[sflag:s17] =	ssyncadd.s32 $0xFFFFD800  }
0x87: {  	[spmem:s2] =	stream.indirect.scatter.add.f32 [tilespmem:s14], [sflag:$0x2], $0x80, s18, s13, $0xb8;
	[tilespmem:$0x1E800] =	vst v63  }
0x88: {  	_ = 	snop  }
0x89: {  	[spmem:s2] =	stream.indirect.scatter.add.f32 [tilespmem:s15], [sflag:$0x2], $0x80, s19, s13, $0xb8;
	[tilespmem:$0x1E800] =	vst v63  }
0x8a: {  	_ = 	snop  }
0x8b: {  	[tilespmem:s21], [sflag:$0x1] =	stream.indirect.gather [hbm4b:s4+s13], $0x80, s20, s13, $0xb8;
	[tilespmem:$0x1E800] =	vst v63  }
0x8c: {  	_ = 	snop  }
0x8d: {  	[tilespmem:s23], [sflag:$0x1] =	stream.indirect.gather [hbm4b:s4+s13], $0x80, s22, s13, $0xb8;
	[tilespmem:$0x1E800] =	vst v63  }
0x8e: {  	_ =	swait.ge [sflag:s24], $0x2800  }
0x8f: {  	[sflag:s24] =	ssyncset.done $0x0  }
0x90: {  	[sflag:s24] =	ssyncadd.s32 $0xFFFFD800  }
0x91: {  	_ =	swait.ge [sflag:s24], $0x2800  }
0x92: {  	[sflag:s24] =	ssyncset.done $0x0  }
0x93: {  	[sflag:s24] =	ssyncadd.s32 $0xFFFFD800  }
0x94: {  	_ =	swait.ge [sflag:s17], $0x2800  }
0x95: {  	[sflag:s17] =	ssyncset.done $0x0  }
0x96: {  	[sflag:s17] =	ssyncadd.s32 $0xFFFFD800  }
0x97: {  	_ =	swait.ge [sflag:s17], $0x2800  }
0x98: {  	[sflag:s17] =	ssyncset.done $0x0  }
0x99: {  	[sflag:s17] =	ssyncadd.s32 $0xFFFFD800  }
0x9a: {  	[spmem:s2] =	stream.indirect.scatter.add.f32 [tilespmem:s21], [sflag:$0x2], $0x80, s25, s13, $0xb8;
	[tilespmem:$0x1E800] =	vst v63  }
0x9b: {  	_ = 	snop  }
0x9c: {  	[spmem:s2] =	stream.indirect.scatter.add.f32 [tilespmem:s23], [sflag:$0x2], $0x80, s26, s13, $0xb8;
	[tilespmem:$0x1E800] =	vst v63  }
0x9d: {  	_ =	swait.ge [sflag:s12], $0x400  }
0x9e: {  	[sflag:s12] =	ssyncset.done $0x0  }
0x9f: {  	[sflag:s12] =	ssyncadd.s32 $0xFFFFFC00  }
0xa0: {  	[tilespmem:s14], [sflag:$0x1] =	stream.indirect.gather [hbm4b:s4+s13], $0x80, s16, s13, $0xb8;
	[tilespmem:$0x1E800] =	vst v63  }
0xa1: {  	_ = 	snop  }
0xa2: {  	[tilespmem:s15], [sflag:$0x1] =	stream.indirect.gather [hbm4b:s4+s13], $0x80, s28, s13, $0xb8;
	[tilespmem:$0x1E800] =	vst v63  }
0xa3: {  	_ =	swait.ge [sflag:s24], $0x2800  }
0xa4: {  	[sflag:s24] =	ssyncset.done $0x0  }
0xa5: {  	[sflag:s24] =	ssyncadd.s32 $0xFFFFD800  }
0xa6: {  	_ =	swait.ge [sflag:s24], $0x2800  }
0xa7: {  	p1 =	seq.s32 s6, $0xF00;
	s7 =	rddreg [dreg:$0x4];
	[sflag:s24] =	ssyncset.done $0x0  }
0xa8: {  	s10 =	simm.s32 @!p1 $0x0;
	[sflag:s24] =	ssyncadd.s32 $0xFFFFD800;
	s6 =	sadd.s32 @!p1 s6, s7  }
0xa9: {  	[tilespmem:s10], [sflag:$0x3] =	stream.linear.gather @!p1 [hbm4b:s6+s10], $0x400, $0x38;
	[tilespmem:$0x1E800] =	vst v63  }
0xaa: {  	_ =	swait.ge [sflag:s17], $0x2800  }
0xab: {  	[sflag:s17] =	ssyncset.done $0x0  }
0xac: {  	[sflag:s17] =	ssyncadd.s32 $0xFFFFD800  }
0xad: {  	_ =	swait.ge [sflag:s17], $0x2800  }
0xae: {  	[sflag:s17] =	ssyncset.done $0x0  }
0xaf: {  	[sflag:s17] =	ssyncadd.s32 $0xFFFFD800  }
0xb0: {  	[spmem:s2] =	stream.indirect.scatter.add.f32 [tilespmem:s14], [sflag:$0x2], $0x80, s29, s13, $0xb8;
	[tilespmem:$0x1E800] =	vst v63  }
0xb1: {  	_ = 	snop  }
0xb2: {  	[spmem:s2] =	stream.indirect.scatter.add.f32 [tilespmem:s15], [sflag:$0x2], $0x80, s30, s13, $0xb8;
	[tilespmem:$0x1E800] =	vst v63  }
0xb3: {  	_ = 	snop  }
0xb4: {  	[tilespmem:s21], [sflag:$0x1] =	stream.indirect.gather [hbm4b:s4+s13], $0x80, s31, s13, $0xb8;
	[tilespmem:$0x1E800] =	vst v63  }
0xb5: {  	_ = 	snop  }
0xb6: {  	[tilespmem:s23], [sflag:$0x1] =	stream.indirect.gather [hbm4b:s4+s13], $0x80, s1, s13, $0xb8;
	[tilespmem:$0x1E800] =	vst v63  }
0xb7: {  	_ =	swait.ge [sflag:s24], $0x2800  }
0xb8: {  	[sflag:s24] =	ssyncset.done $0x0  }
0xb9: {  	[sflag:s24] =	ssyncadd.s32 $0xFFFFD800  }
0xba: {  	_ =	swait.ge [sflag:s24], $0x2800  }
0xbb: {  	[sflag:s24] =	ssyncset.done $0x0  }
0xbc: {  	[sflag:s24] =	ssyncadd.s32 $0xFFFFD800  }
0xbd: {  	s9 =	sadd.s32 $0x100, s9;
	_ =	swait.ge [sflag:s17], $0x2800  }
0xbe: {  	p0 =	sne.s32 s9, $0x1000;
	[sflag:s17] =	ssyncset.done $0x0  }
.Ltmp0:
0xbf: {  	[sflag:s17] =	ssyncadd.s32 $0xFFFFD800;
	(pc) =	sbr.rel @p0 .LBB2_2-.Ltmp0, $4  }
0xc0: {  	_ =	swait.ge [sflag:s17], $0x2800  }
0xc1: {  	[sflag:s17] =	ssyncset.done $0x0  }
0xc2: {  	[sflag:s17] =	ssyncadd.s32 $0xFFFFD800  }
0xc3: {  	[spmem:s2] =	stream.indirect.scatter.add.f32 [tilespmem:s21], [sflag:$0x2], $0x80, s0, s13, $0xb8;
	[tilespmem:$0x1E800] =	vst v63  }
0xc4: {  	[spmem:s2] =	stream.indirect.scatter.add.f32 [tilespmem:s23], [sflag:$0x2], $0x80, s5, s13, $0xb8;
	[tilespmem:$0x1E800] =	vst v63  }
0xc5: {  	_ =	swait.ge [sflag:s24], $0x2800  }
0xc6: {  	[sflag:s24] =	ssyncset.done $0x0  }
0xc7: {  	[sflag:s24] =	ssyncadd.s32 $0xFFFFD800  }
0xc8: {  	_ =	swait.ge [sflag:s24], $0x2800  }
0xc9: {  	[sflag:s24] =	ssyncset.done $0x0  }
0xca: {  	[sflag:s24] =	ssyncadd.s32 $0xFFFFD800  }
0xcb: {  	[bflag:$0x0] =	sbarrier.arrive $0xFFFF  }
0xcc: {  	s7 =	rddreg [dreg:$0x8]  }
0xcd: {  	s6 =	rddreg [dreg:$0x9]  }
0xce: {  	s9 =	rddreg [dreg:$0xb]  }
0xcf: {  	[hbm:s6], [sflag:s7] =	dma.local [spmem:s9], $0x2800  }
0xd0: {  	_ =	swait.ge [sflag:s11], $0x2800  }
0xd1: {  	s8 =	sadd.s32 $0x1, s8;
	s10 =	rddreg [dreg:$0xa]  }
0xd2: {  	p0 =	sne.s32 s8, s10  }
.Ltmp1:
0xd3: {  	_ = 	snop;
	(pc) =	sbr.rel @p0 .LBB2_1-.Ltmp1, $3  }
0xd4: {  	_ =	sdelay $0x1  }
0xd5: {  	[sflag:s11] =	ssyncset.done $0x0  }
0xd6: {  	[sflag:s11] =	ssyncadd.s32 $0xFFFFD800  }
0xd7: {  	_ =	sfence.sel $0x180000  }
0xd8: {  	[bflag:$0x0] =	sbarrier.arrive $0xFFFF  }
0xd9: {  	_ =	strace $0x9000004A  }
0xda: {  	s0 =	stileid.u32;
	[bflag:$0x2] =	sbarrier.arrive $0xFFFF  }
0xdb: {  	p0 =	sne.s32 s0, $0x0;
	s0 =	rddreg [dreg:$0x2]  }
0xdc: {  	s0 =	sadd.s32 @!p0 $0x100000, s0  }
0xdd: {  	[sflag:s0] =	ssyncadd.tile.s32 @!p0 $0x1;
	_ =	shalt  }
.Lfunc_end2:
_tile_overlayer_lowered:
.L_overlay_start_2:
0xde: {  	(tag) =	ssettag $0x2  }
0xdf: {  	s0 =	rddreg [dreg:$0x0];
	s2 =	stileid.u32  }
0xe0: {  	s1 =	rddreg [dreg:$0x1];
	p0 =	sne.s32 s2, $0x0  }
0xe1: {  	s3 =	rddreg [dreg:$0x2];
	[bflag:$0x3] =	sbarrier.arrive $0xFFFF;
	s2 =	simm.s32 @!p0 $0x1C04  }
0xe2: {  	[timem:s3], [sflag:s2] =	dma.local @!p0 [hbm:s0], s1  }
0xe3: {  	s0 =	simm.s32 @!p0 $0x4  }
0xe4: {  	_ =	swait.ge @!p0 [sflag:s0], s1  }
0xe5: {  	s1 =	ssub.s32 @!p0 $0x0, s1;
	[sflag:s0] =	ssyncset.done @!p0 $0x0  }
0xe6: {  	[sflag:s0] =	ssyncadd.s32 @!p0 s1  }
0xe7: {  	[bflag:$0x3] =	sbarrier.arrive $0xFFFF  }
0xe8: {  	_ =	shalt  }

// kernel: kernel.14.cloned.1.call-start
scs
__scs_entry_jumppad:
0x0: {  	(pc) =	sbr.rel $0x88, $3  }
0x1: {  	(tag) =	ssettag $0x0;
	lr =	simm.s32 $0x1  }
0x2: {  	[smem:$0x3F9A] =	sst lr;
	_ =	strace $0xD0000000  }
0x3: {  	_ = 	snop  }
0x4: {  	_ = 	snop  }
0x5: {  	_ = 	snop  }
0x6: {  	_ = 	snop  }
0x7: {  	_ = 	snop  }
__scs_overlays_trampoline_lowered:
0x8: {  	[smem:$0x3FA9] =	sst s0  }
0x9: {  	[smem:$0x3FAA] =	sst s1  }
0xa: {  	[smem:$0x3FAB] =	sst s2  }
0xb: {  	[smem:$0x3FAC] =	sst s3  }
0xc: {  	[smem:$0x3FAD] =	sst s4  }
0xd: {  	[smem:$0x3FAE] =	sst s5  }
0xe: {  	[smem:$0x3FAF] =	sst s6  }
0xf: {  	[smem:$0x3FB0] =	sst s7  }
0x10: {  	[smem:$0x3FB1] =	sst s8  }
0x11: {  	[smem:$0x3FB2] =	sst s9;
	s0 =	simm.s32 @!p0 $0x0  }
0x12: {  	s1 =	sld [smem:$0x3F98];
	s0 =	simm.s32 @p0 $0x1  }
0x13: {  	[smem:$0x3FB3] =	sst s0;
	s0 =	simm.s32 @!p1 $0x0  }
0x14: {  	s2 =	sld [smem:$0x3F97];
	s0 =	simm.s32 @p1 $0x1  }
0x15: {  	[smem:$0x3FB4] =	sst s0;
	s0 =	simm.s32 @!p2 $0x0  }
0x16: {  	s3 =	sld [smem:$0x3FDB];
	s0 =	simm.s32 @p2 $0x1  }
0x17: {  	s4 =	simm.s32 $0x1BF5;
	[smem:$0x3FB6] =	sst s0  }
0x18: {  	s0 =	sld [smem:$0x3F99];
	_ =	swait.ge [sflag:s4], $0x0  }
0x19: {  	s7 =	sld [smem:$0x3F9A]  }
0x1a: {  	s8 =	sadd.s32 $0xFFFFE003, lr  }
0x1b: {  	s9 =	sadd.s32 $0xFFFFFEF7, lr;
	s5 =	simm.s32 $0xFFFFFFFF;
	p2 =	slt.u32 s8, $0xFFFFF086  }
0x1c: {  	p1 =	slt.u32 s9, $0xF7A;
	s5 =	simm.s32 @!p2 $0x0  }
0x1d: {  	s5 =	simm.s32 @p1 $0x1;
	p0 =	seq.s32 s7, s2  }
0x1e: {  	s7 =	smul.u32 @!p0 $0xF7A, s2;
	p2 =	seq.s32 @!p0 s5, $0x0  }
0x1f: {  	s9 =	smul.u32 $0xF7A, s1;
	s8 =	simm.s32 @!p0 $0x1BF5;
	p2 =	por !p2, p0  }
0x20: {  	[sflag:s8] =	ssyncset.s32 @!p0 $0xFFFFF086;
	s6 =	sadd.s32 @!p0 s3, s7;
	s7 =	simm.s32 @!p0 $0x108  }
0x21: {  	s3 =	sadd.s32 s3, s9;
	s6 =	sadd.s32 @!p0 $0x88, s6;
	s7 =	simm.s32 @p2 $0x1082  }
0x22: {  	[simem:s7], [sflag:s8] =	dma.local @!p0 [hbm:s6], $0xF7A  }
0x23: {  	s9 =	sor.u32 $0xD0000000, s2;
	s6 =	simm.s32 $0x108;
	_ =	swait.ge @!p0 [sflag:s8], $0x0  }
0x24: {  	s3 =	sadd.s32 $0x88, s3;
	s6 =	simm.s32 @!p1 $0x1082;
	[sflag:s4] =	ssyncset.s32 $0xFFFFF086  }
0x25: {  	[simem:s6], [sflag:s4] =	dma.local [hbm:s3], $0xF7A  }
0x26: {  	[smem:$0x3F9A] =	sst s1;
	(tag) =	ssettag s2;
	_ =	strace s9  }
0x27: {  	s1 =	sld [smem:$0x3FAA]  }
0x28: {  	s2 =	sld [smem:$0x3FAB]  }
0x29: {  	s4 =	sld [smem:$0x3FAD]  }
0x2a: {  	p0 =	seq.s32 s5, $0x0;
	s5 =	sld [smem:$0x3FAE]  }
0x2b: {  	s6 =	sld [smem:$0x3FAF]  }
0x2c: {  	s7 =	sld [smem:$0x3FB0]  }
0x2d: {  	s3 =	simm.s32 $0x108;
	s8 =	sld [smem:$0x3FB1]  }
0x2e: {  	s3 =	simm.s32 @!p0 $0x1082;
	s9 =	sld [smem:$0x3FB2]  }
0x2f: {  	lr =	sadd.s32 s0, s3;
	s0 =	sld [smem:$0x3FA9]  }
0x30: {  	s3 =	sld [smem:$0x3FAC]  }
0x31: {  	[smem:$0x3FB5] =	sst s10  }
0x32: {  	s10 =	sld [smem:$0x3FB3];
	_ =	sdelay $0x3  }
0x33: {  	p0 =	seq.s32 s10, $0x1;
	s10 =	sld [smem:$0x3FB5];
	_ =	sdelay $0x3  }
0x34: {  	[smem:$0x3FB5] =	sst s10  }
0x35: {  	s10 =	sld [smem:$0x3FB4];
	_ =	sdelay $0x3  }
0x36: {  	p1 =	seq.s32 s10, $0x1;
	s10 =	sld [smem:$0x3FB5];
	_ =	sdelay $0x3  }
0x37: {  	[smem:$0x3FB5] =	sst s10  }
0x38: {  	s10 =	sld [smem:$0x3FB6]  }
0x39: {  	_ = 	snop;
	(pc) =	sbr.ind lr, $3  }
0x3a: {  	_ = 	snop  }
0x3b: {  	_ = 	snop  }
0x3c: {  	p2 =	seq.s32 s10, $0x1;
	s10 =	sld [smem:$0x3FB5]  }
0x3d: {  	_ =	shalt  }
0x3e: {  	_ =	shalt  }
0x3f: {  	_ =	shalt  }
0x40: {  	_ =	shalt  }
0x41: {  	_ =	shalt  }
0x42: {  	_ =	shalt  }
0x43: {  	_ =	shalt  }
0x44: {  	_ =	shalt  }
0x45: {  	_ =	shalt  }
0x46: {  	_ =	shalt  }
0x47: {  	_ =	shalt  }
0x48: {  	_ =	shalt  }
0x49: {  	_ =	shalt  }
0x4a: {  	_ =	shalt  }
0x4b: {  	_ =	shalt  }
0x4c: {  	_ =	shalt  }
0x4d: {  	_ =	shalt  }
0x4e: {  	_ =	shalt  }
0x4f: {  	_ =	shalt  }
0x50: {  	_ =	shalt  }
0x51: {  	_ =	shalt  }
0x52: {  	_ =	shalt  }
0x53: {  	_ =	shalt  }
0x54: {  	_ =	shalt  }
0x55: {  	_ =	shalt  }
0x56: {  	_ =	shalt  }
0x57: {  	_ =	shalt  }
0x58: {  	_ =	shalt  }
0x59: {  	_ =	shalt  }
0x5a: {  	_ =	shalt  }
0x5b: {  	_ =	shalt  }
0x5c: {  	_ =	shalt  }
0x5d: {  	_ =	shalt  }
0x5e: {  	_ =	shalt  }
0x5f: {  	_ =	shalt  }
0x60: {  	_ =	shalt  }
0x61: {  	_ =	shalt  }
0x62: {  	_ =	shalt  }
0x63: {  	_ =	shalt  }
0x64: {  	_ =	shalt  }
0x65: {  	_ =	shalt  }
0x66: {  	_ =	shalt  }
0x67: {  	_ =	shalt  }
0x68: {  	_ =	shalt  }
0x69: {  	_ =	shalt  }
0x6a: {  	_ =	shalt  }
0x6b: {  	_ =	shalt  }
0x6c: {  	_ =	shalt  }
0x6d: {  	_ =	shalt  }
0x6e: {  	_ =	shalt  }
0x6f: {  	_ =	shalt  }
0x70: {  	_ =	shalt  }
0x71: {  	_ =	shalt  }
0x72: {  	_ =	shalt  }
0x73: {  	_ =	shalt  }
0x74: {  	_ =	shalt  }
0x75: {  	_ =	shalt  }
0x76: {  	_ =	shalt  }
0x77: {  	_ =	shalt  }
0x78: {  	_ =	shalt  }
0x79: {  	_ =	shalt  }
0x7a: {  	_ =	shalt  }
0x7b: {  	_ =	shalt  }
0x7c: {  	_ =	shalt  }
0x7d: {  	_ =	shalt  }
0x7e: {  	_ =	shalt  }
0x7f: {  	_ =	shalt  }
0x80: {  	_ =	shalt  }
0x81: {  	_ =	shalt  }
0x82: {  	_ =	shalt  }
0x83: {  	_ =	shalt  }
0x84: {  	_ =	shalt  }
0x85: {  	_ =	shalt  }
0x86: {  	_ =	shalt  }
0x87: {  	_ =	shalt  }
.Lfunc_end0:
.L_simem_size_0:
called_computation.2_lowered:
.L_overlay_start_0:
0x88: {  	s2 =	sld [smem:$0x3FD9]  }
0x89: {  	s3 =	sld [smem:$0x3FFE];
	_ =	sdelay $0x1  }
0x8a: {  	s1 =	srdreg.scid  }
0x8b: {  	s0 =	sand.u32 $0x1, s1  }
0x8c: {  	s16 =	sshll.u32 s0, $0xA;
	s2 =	sadd.s32 s3, s2  }
0x8d: {  	s2 =	sadd.s32 s2, s16  }
0x8e: {  	[smem:$0x3FC1] =	sst s2  }
0x8f: {  	_ = 	snop  }
0x90: {  	(tm) =	ssettm $0x1  }
0x91: {  	s17 =	sld [smem:$0x3FFB];
	_ =	sdelay $0x3  }
0x92: {  	_ =	strace s17  }
0x93: {  	s2 =	sld [smem:$0x3FFC];
	_ =	sdelay $0x3  }
0x94: {  	_ =	strace s2  }
0x95: {  	s2 =	sld [smem:$0x3FFD];
	_ =	sdelay $0x3  }
0x96: {  	_ =	strace s2  }
0x97: {  	_ =	strace $0x8FFFFFFF  }
0x98: {  	s18 =	sld [smem:$0x3FDB];
	_ =	sdelay $0x1  }
0x99: {  	s19 =	simm.s32 $_scs_section_size  }
0x9a: {  	s4 =	simm.s32 $_size__tile_overlayer_lowered;
	s5 =	simm.s32 $_tile_overlayer_lowered  }
0x9b: {  	s22 =	simm.s32 $0x1BFF;
	s21 =	sshll.u32 s5, $0x1;
	s2 =	sadd.s32 s19, s18  }
0x9c: {  	s6 =	simm.s32 $0x0;
	s20 =	sshll.u32 s4, $0x1;
	s4 =	sadd.s32 s21, s2  }
0x9d: {  	[timem:s6], [sflag:s22] =	dma.local [hbm:s4], s20  }
0x9e: {  	_ =	swait.ge [sflag:s22], s20  }
0x9f: {  	s3 =	ssub.s32 $0x0, s20;
	[sflag:s22] =	ssyncset.done $0x0  }
0xa0: {  	[sflag:s22] =	ssyncadd.s32 s3;
	_ =	sdelay $0x1  }
0xa1: {  	s23 =	simm.s32 $0x1B8B  }
0xa2: {  	_ =	swait.ge [sflag:s23], $0x1  }
0xa3: {  	[sflag:s23] =	ssyncset.done $0x0  }
0xa4: {  	s25 =	simm.s32 $0x1B8E;
	s24 =	sld [smem:$0x3FFE];
	[sflag:s23] =	ssyncadd.s32 $0xFFFFFFFF  }
0xa5: {  	s26 =	simm.s32 $execute0_lowered;
	[smem:$0x3FD2] =	sst s25  }
0xa6: {  	s4 =	sshll.u32 s26, $0x1;
	_ =	strace $0x8000004C;
	[dreg:$0x1] =	wrdreg $0xFFFFFFFF  }
0xa7: {  	s28 =	simm.s32 $_size_execute0_lowered;
	s2 =	sadd.s32 s2, s4;
	[dreg:$0x0] =	wrdreg $0x0  }
0xa8: {  	s4 =	sshll.u32 s28, $0x1;
	[dreg:$0x2] =	wrdreg s2  }
0xa9: {  	[dreg:$0x3] =	wrdreg s4  }
0xaa: {  	[dreg:$0x4] =	wrdreg $0xC0  }
0xab: {  	_ =	task [dreg:s6], $0x5FFFF  }
0xac: {  	[dreg:$0x1] =	wrdreg $0xFFFFFFFF  }
0xad: {  	[dreg:$0x0] =	wrdreg $0x60  }
0xae: {  	[dreg:$0x2] =	wrdreg s24  }
0xaf: {  	[dreg:$0x3] =	wrdreg $0xA8000  }
0xb0: {  	[dreg:$0x4] =	wrdreg $0x9  }
0xb1: {  	_ =	task.clear_ibuf [dreg:s6], $0x5FFFF;
	_ =	strace $0x9000004C  }
0xb2: {  	s29 =	simm.s32 $0x9;
	_ =	strace $0x8000004E  }
0xb3: {  	_ =	swait.ge [sflag:s29], $0x1  }
0xb4: {  	[sflag:s29] =	ssyncadd.s32 $0xFFFFFFFF  }
0xb5: {  	_ =	strace $0x9000004E  }
0xb6: {  	_ =	sfence  }
0xb7: {  	s30 =	sld [smem:$0x0];
	_ =	sdelay $0x2  }
0xb8: {  	s31 =	sshll.u32 s1, $0xD;
	s1 =	sshrl.u32 s1, $0x2  }
0xb9: {  	s3 =	sand.u32 $0x4000, s31;
	s1 =	sadd.s32 s1, s30  }
0xba: {  	s0 =	sor.u32 s3, s0;
	s1 =	sshll.u32 s1, $0x11  }
0xbb: {  	s0 =	sor.u32 s1, s0  }
0xbc: {  	s0 =	sadd.s32 $0x8F2B, s0  }
0xbd: {  	[sflag:s0] =	ssyncadd.remote.s32 $0x1  }
0xbe: {  	_ =	sfence.sel $0xFFFF  }
0xbf: {  	[dreg:$0x0] =	wrdreg $0xFFFFFFFF;
	(pc) =	sbr.abs _section_cstart, $3  }
0xc0: {  	[dreg:$0x1] =	wrdreg $0xFFFFFFFF  }
0xc1: {  	_ =	task.clear_ibuf [dreg:s6], $0x2FFFF;
	_ =	strace $0x9FFFFFFF  }
0xc2: {  	(tm) =	ssettm $0x7FFFFFFF  }
0xc3: {  	_ =	shalt  }
tec
execute0_lowered:
.L_overlay_start_1:
0x0: {  	(tag) =	ssettag $0x1  }
0x1: {  	s0 =	rddreg [dreg:$0x0]  }
0x2: {  	s11 =	stileid.u32;
	s1 =	srdreg.scid  }
0x3: {  	s2 =	rddreg [dreg:$0x1];
	s3 =	simm.s32 $0x0;
	s12 =	simm.s32 $0x3  }
0x4: {  	s13 =	simm.s32 $0x50;
	s14 =	simm.s32 $0x800;
	s26 =	simm.s32 $0x100  }
0x5: {  	s15 =	simm.s32 $0x3000;
	s16 =	simm.s32 $0x400;
	s17 =	simm.s32 $0x1  }
0x6: {  	s18 =	simm.s32 $0x80;
	s19 =	simm.s32 $0x180;
	s28 =	simm.s32 $0x500  }
0x7: {  	s29 =	simm.s32 $0x480;
	s30 =	simm.s32 $0x580;
	s31 =	simm.s32 $0x600  }
0x8: {  	s5 =	smul.u32 $0x14000, s11;
	s1 =	sand.u32 $0x1, s1;
	[smem:$0x7FF] =	sst s3  }
0x9: {  	s4 =	sadd.s32 $0x2D600, s0;
	s8 =	sadd.s32 $0xD600, s0;
	s20 =	smul.u32 $0x50000, s11  }
0xa: {  	s9 =	sshll.u32 s11, $0xF;
	s23 =	sshll.u32 s11, $0x6;
	s11 =	simm.s32 $0x4  }
0xb: {  	s6 =	smul.u32 $0x140000, s1;
	_ =	strace $0x8000004D;
	s7 =	ssub.s32 $0x2, s1  }
0xc: {  	s1 =	sshll.u32 s1, $0x13;
	[dreg:$0x5] =	wrdreg s26;
	s26 =	simm.s32 $0x380  }
0xd: {  	s10 =	sshrl.u32 s7, $0x1;
	s1 =	sor.u32 s9, s1;
	s6 =	sadd.s32 s5, s6  }
0xe: {  	s5 =	sshrl.u32 s5, $0x3;
	s21 =	ssub.s32 s7, s10;
	s22 =	sshrl.u32 s1, $0x3  }
0xf: {  	s1 =	sor.u32 $0x800, s1;
	s6 =	sshrl.u32 s6, $0x3;
	s5 =	sadd.s32 s5, s0  }
0x10: {  	s7 =	sadd.s32 s22, s8;
	s1 =	sshrl.u32 s1, $0x3;
	s25 =	smax.u32 s21, $0x1  }
0x11: {  	s21 =	simm.s32 $0x5800;
	s22 =	simm.s32 $0x300;
	s0 =	sadd.s32 s6, s0  }
0x12: {  	s6 =	sshrl.u32 s20, $0x2;
	s5 =	sadd.s32 $0x54800, s5;
	[dreg:$0x7] =	wrdreg s7  }
0x13: {  	s24 =	sadd.s32 $0x80, s7;
	s7 =	sor.u32 $0x1C04, s23;
	[dreg:$0xa] =	wrdreg s25  }
0x14: {  	s1 =	sadd.s32 s1, s8;
	s20 =	simm.s32 $0x200;
	[dreg:$0x6] =	wrdreg s5  }
0x15: {  	s23 =	simm.s32 $0x8000;
	s25 =	simm.s32 $0x280;
	[dreg:$0x3] =	wrdreg s24  }
0x16: {  	s8 =	simm.s32 $0x0;
	s6 =	sadd.s32 s6, s2;
	[dreg:$0x4] =	wrdreg s1  }
0x17: {  	s0 =	sadd.s32 $0x7C800, s0;
	s24 =	simm.s32 $0x2;
	[dreg:$0x8] =	wrdreg s7  }
0x18: {  	s1 =	simm.s32 $0x700;
	[dreg:$0x9] =	wrdreg s0;
	s9 =	sshrl.u32 s6, $0x3  }
0x19: {  	s5 =	simm.s32 $0x780;
	s0 =	simm.s32 $0x680;
	[dreg:$0xb] =	wrdreg s9  }
.LBB2_1:
0x1a: {  	s6 =	rddreg [dreg:$0x6]  }
0x1b: {  	[spmem:s9], [sflag:s7] =	dma.local [hbm:s6], $0x2800  }
0x1c: {  	_ =	swait.ge [sflag:s11], $0x2800  }
0x1d: {  	[sflag:s11] =	ssyncset.done $0x0  }
0x1e: {  	[sflag:s11] =	ssyncadd.s32 $0xFFFFD800  }
0x1f: {  	[bflag:$0x0] =	sbarrier.arrive $0xFFFF  }
0x20: {  	s9 =	rddreg [dreg:$0x7]  }
0x21: {  	[tilespmem:s3], [sflag:$0x3] =	stream.linear.gather [hbm4b:s9+s3], $0x400, $0x38;
	[tilespmem:$0x1E800] =	vst v63  }
0x22: {  	_ =	swait.ge [sflag:s12], $0x400  }
0x23: {  	[sflag:s12] =	ssyncset.done $0x0  }
0x24: {  	p0 =	por $0x1, $0x1;
	[sflag:s12] =	ssyncadd.s32 $0xFFFFFC00  }
0x25: {  	[tilespmem:s14], [sflag:$0x1] =	stream.indirect.gather [hbm4b:s4+s13], $0x80, s3, s13, $0xb8;
	[tilespmem:$0x1E800] =	vst v63  }
0x26: {  	s6 =	simm.s32 @!p0 $0x2;
	s10 =	rddreg [dreg:$0x5]  }
0x27: {  	[tilespmem:s15], [sflag:$0x1] =	stream.indirect.gather [hbm4b:s4+s13], $0x80, s10, s13, $0xb8;
	[tilespmem:$0x1E800] =	vst v63  }
0x28: {  	_ =	swait.ge @!p0 [sflag:s6], $0x2800  }
0x29: {  	[sflag:s6] =	ssyncset.done @!p0 $0x0  }
0x2a: {  	[sflag:s6] =	ssyncadd.s32 @!p0 $0xFFFFD800  }
0x2b: {  	_ =	swait.ge @!p0 [sflag:s6], $0x2800  }
0x2c: {  	s7 =	rddreg [dreg:$0x3];
	[sflag:s6] =	ssyncset.done @!p0 $0x0  }
0x2d: {  	[sflag:s6] =	ssyncadd.s32 @!p0 $0xFFFFD800;
	s10 =	sadd.s32 $0x0, s7  }
0x2e: {  	[tilespmem:s16], [sflag:$0x3] =	stream.linear.gather [hbm4b:s10+s3], $0x400, $0x38;
	[tilespmem:$0x1E800] =	vst v63  }
0x2f: {  	_ =	swait.ge [sflag:s17], $0x2800  }
0x30: {  	[sflag:s17] =	ssyncset.done $0x0  }
0x31: {  	[sflag:s17] =	ssyncadd.s32 $0xFFFFD800  }
0x32: {  	_ =	swait.ge [sflag:s17], $0x2800  }
0x33: {  	[sflag:s17] =	ssyncset.done $0x0  }
0x34: {  	[sflag:s17] =	ssyncadd.s32 $0xFFFFD800  }
0x35: {  	[spmem:s2] =	stream.indirect.scatter.add.f32 [tilespmem:s14], [sflag:$0x2], $0x80, s18, s13, $0xb8;
	[tilespmem:$0x1E800] =	vst v63  }
0x36: {  	_ = 	snop  }
0x37: {  	[spmem:s2] =	stream.indirect.scatter.add.f32 [tilespmem:s15], [sflag:$0x2], $0x80, s19, s13, $0xb8;
	[tilespmem:$0x1E800] =	vst v63  }
0x38: {  	_ = 	snop  }
0x39: {  	[tilespmem:s21], [sflag:$0x1] =	stream.indirect.gather [hbm4b:s4+s13], $0x80, s20, s13, $0xb8;
	[tilespmem:$0x1E800] =	vst v63  }
0x3a: {  	_ = 	snop  }
0x3b: {  	[tilespmem:s23], [sflag:$0x1] =	stream.indirect.gather [hbm4b:s4+s13], $0x80, s22, s13, $0xb8;
	[tilespmem:$0x1E800] =	vst v63  }
0x3c: {  	_ =	swait.ge [sflag:s24], $0x2800  }
0x3d: {  	[sflag:s24] =	ssyncset.done $0x0  }
0x3e: {  	[sflag:s24] =	ssyncadd.s32 $0xFFFFD800  }
0x3f: {  	_ =	swait.ge [sflag:s24], $0x2800  }
0x40: {  	[sflag:s24] =	ssyncset.done $0x0  }
0x41: {  	[sflag:s24] =	ssyncadd.s32 $0xFFFFD800  }
0x42: {  	_ =	swait.ge [sflag:s17], $0x2800  }
0x43: {  	[sflag:s17] =	ssyncset.done $0x0  }
0x44: {  	[sflag:s17] =	ssyncadd.s32 $0xFFFFD800  }
0x45: {  	_ =	swait.ge [sflag:s17], $0x2800  }
0x46: {  	[sflag:s17] =	ssyncset.done $0x0  }
0x47: {  	[sflag:s17] =	ssyncadd.s32 $0xFFFFD800  }
0x48: {  	[spmem:s2] =	stream.indirect.scatter.add.f32 [tilespmem:s21], [sflag:$0x2], $0x80, s25, s13, $0xb8;
	[tilespmem:$0x1E800] =	vst v63  }
0x49: {  	_ = 	snop  }
0x4a: {  	[spmem:s2] =	stream.indirect.scatter.add.f32 [tilespmem:s23], [sflag:$0x2], $0x80, s26, s13, $0xb8;
	[tilespmem:$0x1E800] =	vst v63  }
0x4b: {  	_ =	swait.ge [sflag:s12], $0x400  }
0x4c: {  	[sflag:s12] =	ssyncset.done $0x0  }
0x4d: {  	[sflag:s12] =	ssyncadd.s32 $0xFFFFFC00  }
0x4e: {  	[tilespmem:s14], [sflag:$0x1] =	stream.indirect.gather [hbm4b:s4+s13], $0x80, s16, s13, $0xb8;
	[tilespmem:$0x1E800] =	vst v63  }
0x4f: {  	_ = 	snop  }
0x50: {  	[tilespmem:s15], [sflag:$0x1] =	stream.indirect.gather [hbm4b:s4+s13], $0x80, s28, s13, $0xb8;
	[tilespmem:$0x1E800] =	vst v63  }
0x51: {  	_ =	swait.ge [sflag:s24], $0x2800  }
0x52: {  	[sflag:s24] =	ssyncset.done $0x0  }
0x53: {  	[sflag:s24] =	ssyncadd.s32 $0xFFFFD800  }
0x54: {  	_ =	swait.ge [sflag:s24], $0x2800  }
0x55: {  	p0 =	por $0x0, $0x0;
	s6 =	rddreg [dreg:$0x4];
	[sflag:s24] =	ssyncset.done $0x0  }
0x56: {  	s9 =	simm.s32 @!p0 $0x0;
	[sflag:s24] =	ssyncadd.s32 $0xFFFFD800;
	s6 =	sadd.s32 @!p0 $0x0, s6  }
0x57: {  	[tilespmem:s9], [sflag:$0x3] =	stream.linear.gather @!p0 [hbm4b:s6+s9], $0x400, $0x38;
	[tilespmem:$0x1E800] =	vst v63  }
0x58: {  	_ =	swait.ge [sflag:s17], $0x2800  }
0x59: {  	[sflag:s17] =	ssyncset.done $0x0  }
0x5a: {  	[sflag:s17] =	ssyncadd.s32 $0xFFFFD800  }
0x5b: {  	_ =	swait.ge [sflag:s17], $0x2800  }
0x5c: {  	[sflag:s17] =	ssyncset.done $0x0  }
0x5d: {  	[sflag:s17] =	ssyncadd.s32 $0xFFFFD800  }
0x5e: {  	[spmem:s2] =	stream.indirect.scatter.add.f32 [tilespmem:s14], [sflag:$0x2], $0x80, s29, s13, $0xb8;
	[tilespmem:$0x1E800] =	vst v63  }
0x5f: {  	_ = 	snop  }
0x60: {  	[spmem:s2] =	stream.indirect.scatter.add.f32 [tilespmem:s15], [sflag:$0x2], $0x80, s30, s13, $0xb8;
	[tilespmem:$0x1E800] =	vst v63  }
0x61: {  	_ = 	snop  }
0x62: {  	[tilespmem:s21], [sflag:$0x1] =	stream.indirect.gather [hbm4b:s4+s13], $0x80, s31, s13, $0xb8;
	[tilespmem:$0x1E800] =	vst v63  }
0x63: {  	_ = 	snop  }
0x64: {  	[tilespmem:s23], [sflag:$0x1] =	stream.indirect.gather [hbm4b:s4+s13], $0x80, s1, s13, $0xb8;
	[tilespmem:$0x1E800] =	vst v63  }
0x65: {  	_ =	swait.ge [sflag:s24], $0x2800  }
0x66: {  	[sflag:s24] =	ssyncset.done $0x0  }
0x67: {  	[sflag:s24] =	ssyncadd.s32 $0xFFFFD800  }
0x68: {  	_ =	swait.ge [sflag:s24], $0x2800  }
0x69: {  	[sflag:s24] =	ssyncset.done $0x0  }
0x6a: {  	[sflag:s24] =	ssyncadd.s32 $0xFFFFD800  }
0x6b: {  	_ =	swait.ge [sflag:s17], $0x2800  }
0x6c: {  	[sflag:s17] =	ssyncset.done $0x0  }
0x6d: {  	[sflag:s17] =	ssyncadd.s32 $0xFFFFD800  }
0x6e: {  	_ =	swait.ge [sflag:s17], $0x2800  }
0x6f: {  	[sflag:s17] =	ssyncset.done $0x0  }
0x70: {  	s9 =	simm.s32 $0x100;
	[sflag:s17] =	ssyncadd.s32 $0xFFFFD800  }
0x71: {  	[spmem:s2] =	stream.indirect.scatter.add.f32 [tilespmem:s21], [sflag:$0x2], $0x80, s0, s13, $0xb8;
	[tilespmem:$0x1E800] =	vst v63  }
.LBB2_2:
0x72: {  	[spmem:s2] =	stream.indirect.scatter.add.f32 [tilespmem:s23], [sflag:$0x2], $0x80, s5, s13, $0xb8;
	[tilespmem:$0x1E800] =	vst v63  }
0x73: {  	_ =	swait.ge [sflag:s12], $0x400  }
0x74: {  	[sflag:s12] =	ssyncset.done $0x0  }
0x75: {  	s6 =	smov.u32 s9;
	[sflag:s12] =	ssyncadd.s32 $0xFFFFFC00  }
0x76: {  	[tilespmem:s14], [sflag:$0x1] =	stream.indirect.gather [hbm4b:s4+s13], $0x80, s3, s13, $0xb8;
	[tilespmem:$0x1E800] =	vst v63  }
0x77: {  	p1 =	seq.s32 s6, $0x0;
	s7 =	rddreg [dreg:$0x5]  }
0x78: {  	[tilespmem:s15], [sflag:$0x1] =	stream.indirect.gather [hbm4b:s4+s13], $0x80, s7, s13, $0xb8;
	[tilespmem:$0x1E800] =	vst v63  }
0x79: {  	s7 =	simm.s32 @!p1 $0x2  }
0x7a: {  	_ =	swait.ge @!p1 [sflag:s7], $0x2800  }
0x7b: {  	[sflag:s7] =	ssyncset.done @!p1 $0x0  }
0x7c: {  	[sflag:s7] =	ssyncadd.s32 @!p1 $0xFFFFD800  }
0x7d: {  	_ =	swait.ge @!p1 [sflag:s7], $0x2800  }
0x7e: {  	[sflag:s7] =	ssyncset.done @!p1 $0x0;
	s10 =	rddreg [dreg:$0x3]  }
0x7f: {  	[sflag:s7] =	ssyncadd.s32 @!p1 $0xFFFFD800;
	s10 =	sadd.s32 s6, s10  }
0x80: {  	[tilespmem:s16], [sflag:$0x3] =	stream.linear.gather [hbm4b:s10+s3], $0x400, $0x38;
	[tilespmem:$0x1E800] =	vst v63  }
0x81: {  	_ =	swait.ge [sflag:s17], $0x2800  }
0x82: {  	[sflag:s17] =	ssyncset.done $0x0  }
0x83: {  	[sflag:s17] =	ssyncadd.s32 $0xFFFFD800  }
0x84: {  	_ =	swait.ge [sflag:s17], $0x2800  }
0x85: {  	[sflag:s17] =	ssyncset.done $0x0  }
0x86: {  	[sflag:s17] =	ssyncadd.s32 $0xFFFFD800  }
0x87: {  	[spmem:s2] =	stream.indirect.scatter.add.f32 [tilespmem:s14], [sflag:$0x2], $0x80, s18, s13, $0xb8;
	[tilespmem:$0x1E800] =	vst v63  }
0x88: {  	_ = 	snop  }
0x89: {  	[spmem:s2] =	stream.indirect.scatter.add.f32 [tilespmem:s15], [sflag:$0x2], $0x80, s19, s13, $0xb8;
	[tilespmem:$0x1E800] =	vst v63  }
0x8a: {  	_ = 	snop  }
0x8b: {  	[tilespmem:s21], [sflag:$0x1] =	stream.indirect.gather [hbm4b:s4+s13], $0x80, s20, s13, $0xb8;
	[tilespmem:$0x1E800] =	vst v63  }
0x8c: {  	_ = 	snop  }
0x8d: {  	[tilespmem:s23], [sflag:$0x1] =	stream.indirect.gather [hbm4b:s4+s13], $0x80, s22, s13, $0xb8;
	[tilespmem:$0x1E800] =	vst v63  }
0x8e: {  	_ =	swait.ge [sflag:s24], $0x2800  }
0x8f: {  	[sflag:s24] =	ssyncset.done $0x0  }
0x90: {  	[sflag:s24] =	ssyncadd.s32 $0xFFFFD800  }
0x91: {  	_ =	swait.ge [sflag:s24], $0x2800  }
0x92: {  	[sflag:s24] =	ssyncset.done $0x0  }
0x93: {  	[sflag:s24] =	ssyncadd.s32 $0xFFFFD800  }
0x94: {  	_ =	swait.ge [sflag:s17], $0x2800  }
0x95: {  	[sflag:s17] =	ssyncset.done $0x0  }
0x96: {  	[sflag:s17] =	ssyncadd.s32 $0xFFFFD800  }
0x97: {  	_ =	swait.ge [sflag:s17], $0x2800  }
0x98: {  	[sflag:s17] =	ssyncset.done $0x0  }
0x99: {  	[sflag:s17] =	ssyncadd.s32 $0xFFFFD800  }
0x9a: {  	[spmem:s2] =	stream.indirect.scatter.add.f32 [tilespmem:s21], [sflag:$0x2], $0x80, s25, s13, $0xb8;
	[tilespmem:$0x1E800] =	vst v63  }
0x9b: {  	_ = 	snop  }
0x9c: {  	[spmem:s2] =	stream.indirect.scatter.add.f32 [tilespmem:s23], [sflag:$0x2], $0x80, s26, s13, $0xb8;
	[tilespmem:$0x1E800] =	vst v63  }
0x9d: {  	_ =	swait.ge [sflag:s12], $0x400  }
0x9e: {  	[sflag:s12] =	ssyncset.done $0x0  }
0x9f: {  	[sflag:s12] =	ssyncadd.s32 $0xFFFFFC00  }
0xa0: {  	[tilespmem:s14], [sflag:$0x1] =	stream.indirect.gather [hbm4b:s4+s13], $0x80, s16, s13, $0xb8;
	[tilespmem:$0x1E800] =	vst v63  }
0xa1: {  	_ = 	snop  }
0xa2: {  	[tilespmem:s15], [sflag:$0x1] =	stream.indirect.gather [hbm4b:s4+s13], $0x80, s28, s13, $0xb8;
	[tilespmem:$0x1E800] =	vst v63  }
0xa3: {  	_ =	swait.ge [sflag:s24], $0x2800  }
0xa4: {  	[sflag:s24] =	ssyncset.done $0x0  }
0xa5: {  	[sflag:s24] =	ssyncadd.s32 $0xFFFFD800  }
0xa6: {  	_ =	swait.ge [sflag:s24], $0x2800  }
0xa7: {  	p1 =	seq.s32 s6, $0xF00;
	s7 =	rddreg [dreg:$0x4];
	[sflag:s24] =	ssyncset.done $0x0  }
0xa8: {  	s10 =	simm.s32 @!p1 $0x0;
	[sflag:s24] =	ssyncadd.s32 $0xFFFFD800;
	s6 =	sadd.s32 @!p1 s6, s7  }
0xa9: {  	[tilespmem:s10], [sflag:$0x3] =	stream.linear.gather @!p1 [hbm4b:s6+s10], $0x400, $0x38;
	[tilespmem:$0x1E800] =	vst v63  }
0xaa: {  	_ =	swait.ge [sflag:s17], $0x2800  }
0xab: {  	[sflag:s17] =	ssyncset.done $0x0  }
0xac: {  	[sflag:s17] =	ssyncadd.s32 $0xFFFFD800  }
0xad: {  	_ =	swait.ge [sflag:s17], $0x2800  }
0xae: {  	[sflag:s17] =	ssyncset.done $0x0  }
0xaf: {  	[sflag:s17] =	ssyncadd.s32 $0xFFFFD800  }
0xb0: {  	[spmem:s2] =	stream.indirect.scatter.add.f32 [tilespmem:s14], [sflag:$0x2], $0x80, s29, s13, $0xb8;
	[tilespmem:$0x1E800] =	vst v63  }
0xb1: {  	_ = 	snop  }
0xb2: {  	[spmem:s2] =	stream.indirect.scatter.add.f32 [tilespmem:s15], [sflag:$0x2], $0x80, s30, s13, $0xb8;
	[tilespmem:$0x1E800] =	vst v63  }
0xb3: {  	_ = 	snop  }
0xb4: {  	[tilespmem:s21], [sflag:$0x1] =	stream.indirect.gather [hbm4b:s4+s13], $0x80, s31, s13, $0xb8;
	[tilespmem:$0x1E800] =	vst v63  }
0xb5: {  	_ = 	snop  }
0xb6: {  	[tilespmem:s23], [sflag:$0x1] =	stream.indirect.gather [hbm4b:s4+s13], $0x80, s1, s13, $0xb8;
	[tilespmem:$0x1E800] =	vst v63  }
0xb7: {  	_ =	swait.ge [sflag:s24], $0x2800  }
0xb8: {  	[sflag:s24] =	ssyncset.done $0x0  }
0xb9: {  	[sflag:s24] =	ssyncadd.s32 $0xFFFFD800  }
0xba: {  	_ =	swait.ge [sflag:s24], $0x2800  }
0xbb: {  	[sflag:s24] =	ssyncset.done $0x0  }
0xbc: {  	[sflag:s24] =	ssyncadd.s32 $0xFFFFD800  }
0xbd: {  	s9 =	sadd.s32 $0x100, s9;
	_ =	swait.ge [sflag:s17], $0x2800  }
0xbe: {  	p0 =	sne.s32 s9, $0x1000;
	[sflag:s17] =	ssyncset.done $0x0  }
.Ltmp0:
0xbf: {  	[sflag:s17] =	ssyncadd.s32 $0xFFFFD800;
	(pc) =	sbr.rel @p0 .LBB2_2-.Ltmp0, $4  }
0xc0: {  	_ =	swait.ge [sflag:s17], $0x2800  }
0xc1: {  	[sflag:s17] =	ssyncset.done $0x0  }
0xc2: {  	[sflag:s17] =	ssyncadd.s32 $0xFFFFD800  }
0xc3: {  	[spmem:s2] =	stream.indirect.scatter.add.f32 [tilespmem:s21], [sflag:$0x2], $0x80, s0, s13, $0xb8;
	[tilespmem:$0x1E800] =	vst v63  }
0xc4: {  	[spmem:s2] =	stream.indirect.scatter.add.f32 [tilespmem:s23], [sflag:$0x2], $0x80, s5, s13, $0xb8;
	[tilespmem:$0x1E800] =	vst v63  }
0xc5: {  	_ =	swait.ge [sflag:s24], $0x2800  }
0xc6: {  	[sflag:s24] =	ssyncset.done $0x0  }
0xc7: {  	[sflag:s24] =	ssyncadd.s32 $0xFFFFD800  }
0xc8: {  	_ =	swait.ge [sflag:s24], $0x2800  }
0xc9: {  	[sflag:s24] =	ssyncset.done $0x0  }
0xca: {  	[sflag:s24] =	ssyncadd.s32 $0xFFFFD800  }
0xcb: {  	[bflag:$0x0] =	sbarrier.arrive $0xFFFF  }
0xcc: {  	s7 =	rddreg [dreg:$0x8]  }
0xcd: {  	s6 =	rddreg [dreg:$0x9]  }
0xce: {  	s9 =	rddreg [dreg:$0xb]  }
0xcf: {  	[hbm:s6], [sflag:s7] =	dma.local [spmem:s9], $0x2800  }
0xd0: {  	_ =	swait.ge [sflag:s11], $0x2800  }
0xd1: {  	s8 =	sadd.s32 $0x1, s8;
	s10 =	rddreg [dreg:$0xa]  }
0xd2: {  	p0 =	sne.s32 s8, s10  }
.Ltmp1:
0xd3: {  	_ = 	snop;
	(pc) =	sbr.rel @p0 .LBB2_1-.Ltmp1, $3  }
0xd4: {  	_ =	sdelay $0x1  }
0xd5: {  	[sflag:s11] =	ssyncset.done $0x0  }
0xd6: {  	[sflag:s11] =	ssyncadd.s32 $0xFFFFD800  }
0xd7: {  	_ =	sfence.sel $0x180000  }
0xd8: {  	[bflag:$0x0] =	sbarrier.arrive $0xFFFF  }
0xd9: {  	_ =	strace $0x9000004D  }
0xda: {  	s0 =	stileid.u32;
	[bflag:$0x2] =	sbarrier.arrive $0xFFFF  }
0xdb: {  	p0 =	sne.s32 s0, $0x0;
	s0 =	rddreg [dreg:$0x2]  }
0xdc: {  	s0 =	sadd.s32 @!p0 $0x100000, s0  }
0xdd: {  	[sflag:s0] =	ssyncadd.tile.s32 @!p0 $0x1;
	_ =	shalt  }
.Lfunc_end2:
_tile_overlayer_lowered:
.L_overlay_start_2:
0xde: {  	(tag) =	ssettag $0x2  }
0xdf: {  	s0 =	rddreg [dreg:$0x0];
	s2 =	stileid.u32  }
0xe0: {  	s1 =	rddreg [dreg:$0x1];
	p0 =	sne.s32 s2, $0x0  }
0xe1: {  	s3 =	rddreg [dreg:$0x2];
	[bflag:$0x3] =	sbarrier.arrive $0xFFFF;
	s2 =	simm.s32 @!p0 $0x1C04  }
0xe2: {  	[timem:s3], [sflag:s2] =	dma.local @!p0 [hbm:s0], s1  }
0xe3: {  	s0 =	simm.s32 @!p0 $0x4  }
0xe4: {  	_ =	swait.ge @!p0 [sflag:s0], s1  }
0xe5: {  	s1 =	ssub.s32 @!p0 $0x0, s1;
	[sflag:s0] =	ssyncset.done @!p0 $0x0  }
0xe6: {  	[sflag:s0] =	ssyncadd.s32 @!p0 s1  }
0xe7: {  	[bflag:$0x3] =	sbarrier.arrive $0xFFFF  }
0xe8: {  	_ =	shalt  }

// kernel: kernel.8.cloned.1.call-start
scs
__scs_entry_jumppad:
0x0: {  	(pc) =	sbr.rel $0x88, $3  }
0x1: {  	(tag) =	ssettag $0x0;
	lr =	simm.s32 $0x1  }
0x2: {  	[smem:$0x3F9A] =	sst lr;
	_ =	strace $0xD0000000  }
0x3: {  	_ = 	snop  }
0x4: {  	_ = 	snop  }
0x5: {  	_ = 	snop  }
0x6: {  	_ = 	snop  }
0x7: {  	_ = 	snop  }
__scs_overlays_trampoline_lowered:
0x8: {  	[smem:$0x3FA9] =	sst s0  }
0x9: {  	[smem:$0x3FAA] =	sst s1  }
0xa: {  	[smem:$0x3FAB] =	sst s2  }
0xb: {  	[smem:$0x3FAC] =	sst s3  }
0xc: {  	[smem:$0x3FAD] =	sst s4  }
0xd: {  	[smem:$0x3FAE] =	sst s5  }
0xe: {  	[smem:$0x3FAF] =	sst s6  }
0xf: {  	[smem:$0x3FB0] =	sst s7  }
0x10: {  	[smem:$0x3FB1] =	sst s8  }
0x11: {  	[smem:$0x3FB2] =	sst s9;
	s0 =	simm.s32 @!p0 $0x0  }
0x12: {  	s1 =	sld [smem:$0x3F98];
	s0 =	simm.s32 @p0 $0x1  }
0x13: {  	[smem:$0x3FB3] =	sst s0;
	s0 =	simm.s32 @!p1 $0x0  }
0x14: {  	s2 =	sld [smem:$0x3F97];
	s0 =	simm.s32 @p1 $0x1  }
0x15: {  	[smem:$0x3FB4] =	sst s0;
	s0 =	simm.s32 @!p2 $0x0  }
0x16: {  	s3 =	sld [smem:$0x3FDB];
	s0 =	simm.s32 @p2 $0x1  }
0x17: {  	s4 =	simm.s32 $0x1BF5;
	[smem:$0x3FB6] =	sst s0  }
0x18: {  	s0 =	sld [smem:$0x3F99];
	_ =	swait.ge [sflag:s4], $0x0  }
0x19: {  	s7 =	sld [smem:$0x3F9A]  }
0x1a: {  	s8 =	sadd.s32 $0xFFFFE003, lr  }
0x1b: {  	s9 =	sadd.s32 $0xFFFFFEF7, lr;
	s5 =	simm.s32 $0xFFFFFFFF;
	p2 =	slt.u32 s8, $0xFFFFF086  }
0x1c: {  	p1 =	slt.u32 s9, $0xF7A;
	s5 =	simm.s32 @!p2 $0x0  }
0x1d: {  	s5 =	simm.s32 @p1 $0x1;
	p0 =	seq.s32 s7, s2  }
0x1e: {  	s7 =	smul.u32 @!p0 $0xF7A, s2;
	p2 =	seq.s32 @!p0 s5, $0x0  }
0x1f: {  	s9 =	smul.u32 $0xF7A, s1;
	s8 =	simm.s32 @!p0 $0x1BF5;
	p2 =	por !p2, p0  }
0x20: {  	[sflag:s8] =	ssyncset.s32 @!p0 $0xFFFFF086;
	s6 =	sadd.s32 @!p0 s3, s7;
	s7 =	simm.s32 @!p0 $0x108  }
0x21: {  	s3 =	sadd.s32 s3, s9;
	s6 =	sadd.s32 @!p0 $0x88, s6;
	s7 =	simm.s32 @p2 $0x1082  }
0x22: {  	[simem:s7], [sflag:s8] =	dma.local @!p0 [hbm:s6], $0xF7A  }
0x23: {  	s9 =	sor.u32 $0xD0000000, s2;
	s6 =	simm.s32 $0x108;
	_ =	swait.ge @!p0 [sflag:s8], $0x0  }
0x24: {  	s3 =	sadd.s32 $0x88, s3;
	s6 =	simm.s32 @!p1 $0x1082;
	[sflag:s4] =	ssyncset.s32 $0xFFFFF086  }
0x25: {  	[simem:s6], [sflag:s4] =	dma.local [hbm:s3], $0xF7A  }
0x26: {  	[smem:$0x3F9A] =	sst s1;
	(tag) =	ssettag s2;
	_ =	strace s9  }
0x27: {  	s1 =	sld [smem:$0x3FAA]  }
0x28: {  	s2 =	sld [smem:$0x3FAB]  }
0x29: {  	s4 =	sld [smem:$0x3FAD]  }
0x2a: {  	p0 =	seq.s32 s5, $0x0;
	s5 =	sld [smem:$0x3FAE]  }
0x2b: {  	s6 =	sld [smem:$0x3FAF]  }
0x2c: {  	s7 =	sld [smem:$0x3FB0]  }
0x2d: {  	s3 =	simm.s32 $0x108;
	s8 =	sld [smem:$0x3FB1]  }
0x2e: {  	s3 =	simm.s32 @!p0 $0x1082;
	s9 =	sld [smem:$0x3FB2]  }
0x2f: {  	lr =	sadd.s32 s0, s3;
	s0 =	sld [smem:$0x3FA9]  }
0x30: {  	s3 =	sld [smem:$0x3FAC]  }
0x31: {  	[smem:$0x3FB5] =	sst s10  }
0x32: {  	s10 =	sld [smem:$0x3FB3];
	_ =	sdelay $0x3  }
0x33: {  	p0 =	seq.s32 s10, $0x1;
	s10 =	sld [smem:$0x3FB5];
	_ =	sdelay $0x3  }
0x34: {  	[smem:$0x3FB5] =	sst s10  }
0x35: {  	s10 =	sld [smem:$0x3FB4];
	_ =	sdelay $0x3  }
0x36: {  	p1 =	seq.s32 s10, $0x1;
	s10 =	sld [smem:$0x3FB5];
	_ =	sdelay $0x3  }
0x37: {  	[smem:$0x3FB5] =	sst s10  }
0x38: {  	s10 =	sld [smem:$0x3FB6]  }
0x39: {  	_ = 	snop;
	(pc) =	sbr.ind lr, $3  }
0x3a: {  	_ = 	snop  }
0x3b: {  	_ = 	snop  }
0x3c: {  	p2 =	seq.s32 s10, $0x1;
	s10 =	sld [smem:$0x3FB5]  }
0x3d: {  	_ =	shalt  }
0x3e: {  	_ =	shalt  }
0x3f: {  	_ =	shalt  }
0x40: {  	_ =	shalt  }
0x41: {  	_ =	shalt  }
0x42: {  	_ =	shalt  }
0x43: {  	_ =	shalt  }
0x44: {  	_ =	shalt  }
0x45: {  	_ =	shalt  }
0x46: {  	_ =	shalt  }
0x47: {  	_ =	shalt  }
0x48: {  	_ =	shalt  }
0x49: {  	_ =	shalt  }
0x4a: {  	_ =	shalt  }
0x4b: {  	_ =	shalt  }
0x4c: {  	_ =	shalt  }
0x4d: {  	_ =	shalt  }
0x4e: {  	_ =	shalt  }
0x4f: {  	_ =	shalt  }
0x50: {  	_ =	shalt  }
0x51: {  	_ =	shalt  }
0x52: {  	_ =	shalt  }
0x53: {  	_ =	shalt  }
0x54: {  	_ =	shalt  }
0x55: {  	_ =	shalt  }
0x56: {  	_ =	shalt  }
0x57: {  	_ =	shalt  }
0x58: {  	_ =	shalt  }
0x59: {  	_ =	shalt  }
0x5a: {  	_ =	shalt  }
0x5b: {  	_ =	shalt  }
0x5c: {  	_ =	shalt  }
0x5d: {  	_ =	shalt  }
0x5e: {  	_ =	shalt  }
0x5f: {  	_ =	shalt  }
0x60: {  	_ =	shalt  }
0x61: {  	_ =	shalt  }
0x62: {  	_ =	shalt  }
0x63: {  	_ =	shalt  }
0x64: {  	_ =	shalt  }
0x65: {  	_ =	shalt  }
0x66: {  	_ =	shalt  }
0x67: {  	_ =	shalt  }
0x68: {  	_ =	shalt  }
0x69: {  	_ =	shalt  }
0x6a: {  	_ =	shalt  }
0x6b: {  	_ =	shalt  }
0x6c: {  	_ =	shalt  }
0x6d: {  	_ =	shalt  }
0x6e: {  	_ =	shalt  }
0x6f: {  	_ =	shalt  }
0x70: {  	_ =	shalt  }
0x71: {  	_ =	shalt  }
0x72: {  	_ =	shalt  }
0x73: {  	_ =	shalt  }
0x74: {  	_ =	shalt  }
0x75: {  	_ =	shalt  }
0x76: {  	_ =	shalt  }
0x77: {  	_ =	shalt  }
0x78: {  	_ =	shalt  }
0x79: {  	_ =	shalt  }
0x7a: {  	_ =	shalt  }
0x7b: {  	_ =	shalt  }
0x7c: {  	_ =	shalt  }
0x7d: {  	_ =	shalt  }
0x7e: {  	_ =	shalt  }
0x7f: {  	_ =	shalt  }
0x80: {  	_ =	shalt  }
0x81: {  	_ =	shalt  }
0x82: {  	_ =	shalt  }
0x83: {  	_ =	shalt  }
0x84: {  	_ =	shalt  }
0x85: {  	_ =	shalt  }
0x86: {  	_ =	shalt  }
0x87: {  	_ =	shalt  }
.Lfunc_end0:
.L_simem_size_0:
called_computation_lowered:
.L_overlay_start_0:
0x88: {  	s2 =	sld [smem:$0x3FD9]  }
0x89: {  	s3 =	sld [smem:$0x3FFE];
	_ =	sdelay $0x1  }
0x8a: {  	s1 =	srdreg.scid  }
0x8b: {  	s0 =	sand.u32 $0x1, s1  }
0x8c: {  	s17 =	sshll.u32 s0, $0xA;
	s2 =	sadd.s32 s3, s2  }
0x8d: {  	s2 =	sadd.s32 s2, s17  }
0x8e: {  	[smem:$0x3FC1] =	sst s2  }
0x8f: {  	_ = 	snop  }
0x90: {  	s2 =	sld [smem:$0x3FD0];
	(tm) =	ssettm $0x1  }
0x91: {  	s18 =	sld [smem:$0x3FFB];
	_ =	sdelay $0x3  }
0x92: {  	_ =	strace s18  }
0x93: {  	s3 =	sld [smem:$0x3FFC];
	_ =	sdelay $0x3  }
0x94: {  	_ =	strace s3  }
0x95: {  	s3 =	sld [smem:$0x3FFD];
	_ =	sdelay $0x3  }
0x96: {  	_ =	strace s3  }
0x97: {  	_ =	strace $0x8FFFFFFF  }
0x98: {  	s19 =	sld [smem:$0x3FDB];
	_ =	sdelay $0x1  }
0x99: {  	s4 =	simm.s32 $_scs_section_size  }
0x9a: {  	s5 =	simm.s32 $_size__tile_overlayer_lowered;
	s6 =	simm.s32 $_tile_overlayer_lowered  }
0x9b: {  	s22 =	simm.s32 $0x1BFF;
	s21 =	sshll.u32 s6, $0x1;
	s3 =	sadd.s32 s4, s19  }
0x9c: {  	s7 =	simm.s32 $0x0;
	s20 =	sshll.u32 s5, $0x1;
	s5 =	sadd.s32 s21, s3  }
0x9d: {  	[timem:s7], [sflag:s22] =	dma.local [hbm:s5], s20  }
0x9e: {  	_ =	swait.ge [sflag:s22], s20  }
0x9f: {  	s4 =	ssub.s32 $0x0, s20;
	[sflag:s22] =	ssyncset.done $0x0  }
0xa0: {  	[sflag:s22] =	ssyncadd.s32 s4;
	_ =	sdelay $0x1  }
0xa1: {  	s23 =	simm.s32 $0x1B8B  }
0xa2: {  	_ =	swait.ge [sflag:s23], $0x1  }
0xa3: {  	[sflag:s23] =	ssyncset.done $0x0  }
0xa4: {  	s25 =	simm.s32 $0x1B8E;
	s24 =	sld [smem:$0x3FFE];
	[sflag:s23] =	ssyncadd.s32 $0xFFFFFFFF  }
0xa5: {  	s26 =	simm.s32 $execute0_lowered;
	[smem:$0x3FD2] =	sst s25  }
0xa6: {  	s5 =	sshll.u32 s26, $0x1;
	_ =	strace $0x80000046;
	[dreg:$0x1] =	wrdreg $0xFFFFFFFF  }
0xa7: {  	s28 =	simm.s32 $_size_execute0_lowered;
	s3 =	sadd.s32 s3, s5;
	[dreg:$0x0] =	wrdreg $0x0  }
0xa8: {  	s5 =	sshll.u32 s28, $0x1;
	[dreg:$0x2] =	wrdreg s3  }
0xa9: {  	[dreg:$0x3] =	wrdreg s5  }
0xaa: {  	[dreg:$0x4] =	wrdreg $0xC0  }
0xab: {  	_ =	task [dreg:s7], $0x5FFFF  }
0xac: {  	[dreg:$0x1] =	wrdreg $0xFFFFFFFF  }
0xad: {  	[dreg:$0x0] =	wrdreg $0x60  }
0xae: {  	[dreg:$0x2] =	wrdreg s24  }
0xaf: {  	[dreg:$0x3] =	wrdreg s2  }
0xb0: {  	[dreg:$0x4] =	wrdreg $0x8800  }
0xb1: {  	[dreg:$0x5] =	wrdreg $0x9  }
0xb2: {  	_ =	task.clear_ibuf [dreg:s7], $0x6FFFF;
	_ =	strace $0x90000046  }
0xb3: {  	s29 =	simm.s32 $0x9;
	_ =	strace $0x80000048  }
0xb4: {  	_ =	swait.ge [sflag:s29], $0x1  }
0xb5: {  	[sflag:s29] =	ssyncadd.s32 $0xFFFFFFFF  }
0xb6: {  	_ =	strace $0x90000048  }
0xb7: {  	_ =	sfence  }
0xb8: {  	s30 =	sld [smem:$0x0];
	_ =	sdelay $0x2  }
0xb9: {  	s31 =	sshll.u32 s1, $0xD;
	s1 =	sshrl.u32 s1, $0x2  }
0xba: {  	s3 =	sand.u32 $0x4000, s31;
	s1 =	sadd.s32 s1, s30  }
0xbb: {  	s0 =	sor.u32 s3, s0;
	s1 =	sshll.u32 s1, $0x11  }
0xbc: {  	s0 =	sor.u32 s1, s0  }
0xbd: {  	s0 =	sadd.s32 $0x8F2B, s0  }
0xbe: {  	[sflag:s0] =	ssyncadd.remote.s32 $0x1  }
0xbf: {  	_ =	sfence.sel $0xFFFF  }
0xc0: {  	[dreg:$0x0] =	wrdreg $0xFFFFFFFF;
	(pc) =	sbr.abs _section_cstart, $3  }
0xc1: {  	[dreg:$0x1] =	wrdreg $0xFFFFFFFF  }
0xc2: {  	_ =	task.clear_ibuf [dreg:s7], $0x2FFFF;
	_ =	strace $0x9FFFFFFF  }
0xc3: {  	(tm) =	ssettm $0x7FFFFFFF  }
tec
execute0_lowered:
.L_overlay_start_1:
0x0: {  	(tag) =	ssettag $0x1  }
0x1: {  	s0 =	rddreg [dreg:$0x0]  }
0x2: {  	s3 =	rddreg [dreg:$0x2];
	s4 =	simm.s32 $0x0  }
0x3: {  	s11 =	stileid.u32;
	s2 =	srdreg.scid;
	s14 =	simm.s32 $0x3  }
0x4: {  	s15 =	simm.s32 $0x800;
	s16 =	simm.s32 $0x2;
	s17 =	simm.s32 $0x400  }
0x5: {  	s18 =	simm.s32 $0x80;
	s19 =	simm.s32 $0x100;
	s20 =	simm.s32 $0x180  }
0x6: {  	s28 =	simm.s32 $0x500;
	s29 =	simm.s32 $0x580;
	s30 =	simm.s32 $0x600  }
0x7: {  	s31 =	simm.s32 $0x680;
	[smem:$0x7FF] =	sst s4;
	s1 =	smul.u32 $0x280, s11  }
0x8: {  	s5 =	sadd.s32 $0x2600, s0;
	s2 =	sand.u32 $0x1, s2;
	s7 =	smul.u32 $0x500, s11  }
0x9: {  	s22 =	smul.u32 $0x2800, s11;
	s23 =	sshll.u32 s11, $0x6;
	_ =	strace $0x80000047  }
0xa: {  	s8 =	sshll.u32 s2, $0x4;
	s9 =	sshll.u32 s2, $0x7;
	s21 =	ssub.s32 $0x2, s2  }
0xb: {  	s2 =	smul.u32 $0x28000, s2;
	s6 =	sshrl.u32 s1, $0x3;
	s8 =	sor.u32 s11, s8  }
0xc: {  	s7 =	sor.u32 s9, s7;
	s10 =	sshrl.u32 s21, $0x1;
	s1 =	sadd.s32 s1, s3  }
0xd: {  	s6 =	sadd.s32 s6, s0;
	s8 =	smul.u32 $0x2800, s8;
	s7 =	sshrl.u32 s7, $0x3  }
0xe: {  	s9 =	ssub.s32 s21, s10;
	s2 =	sadd.s32 s22, s2;
	s13 =	sshrl.u32 s1, $0x3  }
0xf: {  	s21 =	simm.s32 $0x200;
	s22 =	simm.s32 $0x280;
	s1 =	simm.s32 $0x0  }
0x10: {  	s0 =	sadd.s32 s7, s0;
	s6 =	sadd.s32 $0xC600, s6;
	s7 =	sor.u32 $0x1C03, s23  }
0x11: {  	s25 =	sor.u32 $0x400, s2;
	s26 =	smax.u32 s9, $0x1;
	s11 =	sadd.s32 $0x800, s2  }
0x12: {  	s23 =	simm.s32 $0x300;
	s2 =	simm.s32 $0x780;
	[dreg:$0x4] =	wrdreg s6  }
0x13: {  	s24 =	sshrl.u32 s8, $0x3;
	s0 =	sadd.s32 $0xCC00, s0;
	[dreg:$0x7] =	wrdreg s26  }
0x14: {  	s26 =	simm.s32 $0x480;
	s6 =	sadd.s32 s5, s24;
	[dreg:$0x6] =	wrdreg s0  }
0x15: {  	s0 =	sshrl.u32 s25, $0x3;
	s24 =	simm.s32 $0x380;
	s25 =	simm.s32 $0x1  }
0x16: {  	[dreg:$0x5] =	wrdreg s6;
	s12 =	sadd.s32 s0, s5;
	s0 =	simm.s32 $0x700  }
.LBB2_1:
0x17: {  	s6 =	rddreg [dreg:$0x4]  }
0x18: {  	[spmem:s13], [sflag:s7] =	dma.local [hbm:s6], $0x50  }
0x19: {  	_ =	swait.ge [sflag:s14], $0x50  }
0x1a: {  	[sflag:s14] =	ssyncset.done $0x0  }
0x1b: {  	[sflag:s14] =	ssyncadd.s32 $0xFFFFFFB0  }
0x1c: {  	s9 =	rddreg [dreg:$0x1]  }
0x1d: {  	[tilespmem:s15], [sflag:$0x3] =	stream.linear.gather [hbm4b:s9+s4], $0x80, $0x38;
	[tilespmem:$0xB00] =	vst v63  }
0x1e: {  	_ =	swait.ge [sflag:s14], $0x80  }
0x1f: {  	[sflag:s14] =	ssyncset.done $0x0  }
0x20: {  	[sflag:s14] =	ssyncadd.s32 $0xFFFFFF80  }
0x21: {  	[bflag:$0x0] =	sbarrier.arrive $0xFFFF  }
0x22: {  	s10 =	rddreg [dreg:$0x5]  }
0x23: {  	[tilespmem:s4], [sflag:$0x2] =	stream.linear.gather [hbm4b:s10+s4], $0x400, $0x38;
	[tilespmem:$0xB00] =	vst v63  }
0x24: {  	_ =	swait.ge [sflag:s16], $0x400  }
0x25: {  	p0 =	por $0x1, $0x1;
	[sflag:s16] =	ssyncset.done $0x0  }
0x26: {  	s6 =	simm.s32 @!p0 $0x1;
	[sflag:s16] =	ssyncadd.s32 $0xFFFFFC00  }
0x27: {  	_ =	swait.ge @!p0 [sflag:s6], $0x80  }
0x28: {  	[sflag:s6] =	ssyncset.done @!p0 $0x0  }
0x29: {  	[sflag:s6] =	ssyncadd.s32 @!p0 $0xFFFFFF80  }
0x2a: {  	_ =	swait.ge @!p0 [sflag:s6], $0x80  }
0x2b: {  	[sflag:s6] =	ssyncset.done @!p0 $0x0  }
0x2c: {  	[sflag:s6] =	ssyncadd.s32 @!p0 $0xFFFFFF80  }
0x2d: {  	_ =	swait.ge @!p0 [sflag:s6], $0x80  }
0x2e: {  	[sflag:s6] =	ssyncset.done @!p0 $0x0  }
0x2f: {  	[sflag:s6] =	ssyncadd.s32 @!p0 $0xFFFFFF80  }
0x30: {  	_ =	swait.ge @!p0 [sflag:s6], $0x80  }
0x31: {  	[sflag:s6] =	ssyncset.done @!p0 $0x0  }
0x32: {  	[sflag:s6] =	ssyncadd.s32 @!p0 $0xFFFFFF80  }
0x33: {  	_ =	swait.ge @!p0 [sflag:s6], $0x80  }
0x34: {  	[sflag:s6] =	ssyncset.done @!p0 $0x0  }
0x35: {  	[sflag:s6] =	ssyncadd.s32 @!p0 $0xFFFFFF80  }
0x36: {  	_ =	swait.ge @!p0 [sflag:s6], $0x80  }
0x37: {  	[sflag:s6] =	ssyncset.done @!p0 $0x0  }
0x38: {  	[sflag:s6] =	ssyncadd.s32 @!p0 $0xFFFFFF80  }
0x39: {  	_ =	swait.ge @!p0 [sflag:s6], $0x80  }
0x3a: {  	[sflag:s6] =	ssyncset.done @!p0 $0x0  }
0x3b: {  	[sflag:s6] =	ssyncadd.s32 @!p0 $0xFFFFFF80  }
0x3c: {  	_ =	swait.ge @!p0 [sflag:s6], $0x80  }
0x3d: {  	[sflag:s6] =	ssyncset.done @!p0 $0x0  }
0x3e: {  	[sflag:s6] =	ssyncadd.s32 @!p0 $0xFFFFFF80  }
0x3f: {  	[tilespmem:s17], [sflag:$0x2] =	stream.linear.gather [hbm4b:s12+s4], $0x400, $0x38;
	[tilespmem:$0xB00] =	vst v63  }
0x40: {  	_ = 	snop  }
0x41: {  	[spmem:s3] =	stream.indirect.scatter.add.f32 [tilespmem:s15], [sflag:$0x1], $0x1, s4, s18, $0xb8;
	[tilespmem:$0xB00] =	vst v63  }
0x42: {  	_ = 	snop  }
0x43: {  	[spmem:s3] =	stream.indirect.scatter.add.f32 [tilespmem:s15], [sflag:$0x1], $0x1, s18, s18, $0xb8;
	[tilespmem:$0xB00] =	vst v63  }
0x44: {  	_ = 	snop  }
0x45: {  	[spmem:s3] =	stream.indirect.scatter.add.f32 [tilespmem:s15], [sflag:$0x1], $0x1, s19, s18, $0xb8;
	[tilespmem:$0xB00] =	vst v63  }
0x46: {  	_ = 	snop  }
0x47: {  	[spmem:s3] =	stream.indirect.scatter.add.f32 [tilespmem:s15], [sflag:$0x1], $0x1, s20, s18, $0xb8;
	[tilespmem:$0xB00] =	vst v63  }
0x48: {  	_ = 	snop  }
0x49: {  	[spmem:s3] =	stream.indirect.scatter.add.f32 [tilespmem:s15], [sflag:$0x1], $0x1, s21, s18, $0xb8;
	[tilespmem:$0xB00] =	vst v63  }
0x4a: {  	_ = 	snop  }
0x4b: {  	[spmem:s3] =	stream.indirect.scatter.add.f32 [tilespmem:s15], [sflag:$0x1], $0x1, s22, s18, $0xb8;
	[tilespmem:$0xB00] =	vst v63  }
0x4c: {  	_ = 	snop  }
0x4d: {  	[spmem:s3] =	stream.indirect.scatter.add.f32 [tilespmem:s15], [sflag:$0x1], $0x1, s23, s18, $0xb8;
	[tilespmem:$0xB00] =	vst v63  }
0x4e: {  	_ = 	snop  }
0x4f: {  	[spmem:s3] =	stream.indirect.scatter.add.f32 [tilespmem:s15], [sflag:$0x1], $0x1, s24, s18, $0xb8;
	[tilespmem:$0xB00] =	vst v63  }
0x50: {  	_ =	swait.ge [sflag:s16], $0x400  }
0x51: {  	[sflag:s16] =	ssyncset.done $0x0  }
0x52: {  	[sflag:s16] =	ssyncadd.s32 $0xFFFFFC00  }
0x53: {  	_ =	swait.ge [sflag:s25], $0x80  }
0x54: {  	[sflag:s25] =	ssyncset.done $0x0  }
0x55: {  	[sflag:s25] =	ssyncadd.s32 $0xFFFFFF80  }
0x56: {  	_ =	swait.ge [sflag:s25], $0x80  }
0x57: {  	[sflag:s25] =	ssyncset.done $0x0  }
0x58: {  	[sflag:s25] =	ssyncadd.s32 $0xFFFFFF80  }
0x59: {  	_ =	swait.ge [sflag:s25], $0x80  }
0x5a: {  	[sflag:s25] =	ssyncset.done $0x0  }
0x5b: {  	[sflag:s25] =	ssyncadd.s32 $0xFFFFFF80  }
0x5c: {  	_ =	swait.ge [sflag:s25], $0x80  }
0x5d: {  	[sflag:s25] =	ssyncset.done $0x0  }
0x5e: {  	[sflag:s25] =	ssyncadd.s32 $0xFFFFFF80  }
0x5f: {  	_ =	swait.ge [sflag:s25], $0x80  }
0x60: {  	[sflag:s25] =	ssyncset.done $0x0  }
0x61: {  	[sflag:s25] =	ssyncadd.s32 $0xFFFFFF80  }
0x62: {  	_ =	swait.ge [sflag:s25], $0x80  }
0x63: {  	[sflag:s25] =	ssyncset.done $0x0  }
0x64: {  	[sflag:s25] =	ssyncadd.s32 $0xFFFFFF80  }
0x65: {  	_ =	swait.ge [sflag:s25], $0x80  }
0x66: {  	[sflag:s25] =	ssyncset.done $0x0  }
0x67: {  	p0 =	por $0x0, $0x0;
	[sflag:s25] =	ssyncadd.s32 $0xFFFFFF80  }
0x68: {  	s6 =	sadd.s32 @!p0 $0x0, s11;
	_ =	swait.ge [sflag:s25], $0x80  }
0x69: {  	s6 =	sshrl.u32 @!p0 s6, $0x3;
	[sflag:s25] =	ssyncset.done $0x0  }
0x6a: {  	s8 =	simm.s32 @!p0 $0x0;
	s6 =	sadd.s32 @!p0 s5, s6;
	[sflag:s25] =	ssyncadd.s32 $0xFFFFFF80  }
0x6b: {  	[tilespmem:s8], [sflag:$0x2] =	stream.linear.gather @!p0 [hbm4b:s6+s8], $0x400, $0x38;
	[tilespmem:$0xB00] =	vst v63  }
0x6c: {  	_ = 	snop  }
0x6d: {  	[spmem:s3] =	stream.indirect.scatter.add.f32 [tilespmem:s15], [sflag:$0x1], $0x1, s17, s18, $0xb8;
	[tilespmem:$0xB00] =	vst v63  }
0x6e: {  	_ = 	snop  }
0x6f: {  	[spmem:s3] =	stream.indirect.scatter.add.f32 [tilespmem:s15], [sflag:$0x1], $0x1, s26, s18, $0xb8;
	[tilespmem:$0xB00] =	vst v63  }
0x70: {  	_ = 	snop  }
0x71: {  	[spmem:s3] =	stream.indirect.scatter.add.f32 [tilespmem:s15], [sflag:$0x1], $0x1, s28, s18, $0xb8;
	[tilespmem:$0xB00] =	vst v63  }
0x72: {  	_ = 	snop  }
0x73: {  	[spmem:s3] =	stream.indirect.scatter.add.f32 [tilespmem:s15], [sflag:$0x1], $0x1, s29, s18, $0xb8;
	[tilespmem:$0xB00] =	vst v63  }
0x74: {  	_ = 	snop  }
0x75: {  	[spmem:s3] =	stream.indirect.scatter.add.f32 [tilespmem:s15], [sflag:$0x1], $0x1, s30, s18, $0xb8;
	[tilespmem:$0xB00] =	vst v63  }
0x76: {  	_ = 	snop  }
0x77: {  	[spmem:s3] =	stream.indirect.scatter.add.f32 [tilespmem:s15], [sflag:$0x1], $0x1, s31, s18, $0xb8;
	[tilespmem:$0xB00] =	vst v63  }
0x78: {  	s6 =	simm.s32 $0x800;
	s8 =	sadd.s32 $0x100, s12  }
0x79: {  	[spmem:s3] =	stream.indirect.scatter.add.f32 [tilespmem:s15], [sflag:$0x1], $0x1, s0, s18, $0xb8;
	[tilespmem:$0xB00] =	vst v63  }
.LBB2_2:
0x7a: {  	[spmem:s3] =	stream.indirect.scatter.add.f32 [tilespmem:s15], [sflag:$0x1], $0x1, s2, s18, $0xb8;
	[tilespmem:$0xB00] =	vst v63  }
0x7b: {  	s9 =	smov.u32 s6;
	s6 =	sadd.s32 $0x800, s6;
	_ =	swait.ge [sflag:s16], $0x400  }
0x7c: {  	p1 =	seq.s32 s9, $0x0;
	p0 =	sne.s32 s6, $0x2800;
	[sflag:s16] =	ssyncset.done $0x0  }
0x7d: {  	s10 =	simm.s32 @!p1 $0x1;
	[sflag:s16] =	ssyncadd.s32 $0xFFFFFC00  }
0x7e: {  	_ =	swait.ge @!p1 [sflag:s10], $0x80  }
0x7f: {  	[sflag:s10] =	ssyncset.done @!p1 $0x0  }
0x80: {  	[sflag:s10] =	ssyncadd.s32 @!p1 $0xFFFFFF80  }
0x81: {  	_ =	swait.ge @!p1 [sflag:s10], $0x80  }
0x82: {  	[sflag:s10] =	ssyncset.done @!p1 $0x0  }
0x83: {  	[sflag:s10] =	ssyncadd.s32 @!p1 $0xFFFFFF80  }
0x84: {  	_ =	swait.ge @!p1 [sflag:s10], $0x80  }
0x85: {  	[sflag:s10] =	ssyncset.done @!p1 $0x0  }
0x86: {  	[sflag:s10] =	ssyncadd.s32 @!p1 $0xFFFFFF80  }
0x87: {  	_ =	swait.ge @!p1 [sflag:s10], $0x80  }
0x88: {  	[sflag:s10] =	ssyncset.done @!p1 $0x0  }
0x89: {  	[sflag:s10] =	ssyncadd.s32 @!p1 $0xFFFFFF80  }
0x8a: {  	_ =	swait.ge @!p1 [sflag:s10], $0x80  }
0x8b: {  	[sflag:s10] =	ssyncset.done @!p1 $0x0  }
0x8c: {  	[sflag:s10] =	ssyncadd.s32 @!p1 $0xFFFFFF80  }
0x8d: {  	_ =	swait.ge @!p1 [sflag:s10], $0x80  }
0x8e: {  	[sflag:s10] =	ssyncset.done @!p1 $0x0  }
0x8f: {  	[sflag:s10] =	ssyncadd.s32 @!p1 $0xFFFFFF80  }
0x90: {  	_ =	swait.ge @!p1 [sflag:s10], $0x80  }
0x91: {  	[sflag:s10] =	ssyncset.done @!p1 $0x0  }
0x92: {  	[sflag:s10] =	ssyncadd.s32 @!p1 $0xFFFFFF80  }
0x93: {  	_ =	swait.ge @!p1 [sflag:s10], $0x80  }
0x94: {  	[sflag:s10] =	ssyncset.done @!p1 $0x0  }
0x95: {  	[sflag:s10] =	ssyncadd.s32 @!p1 $0xFFFFFF80  }
0x96: {  	[tilespmem:s17], [sflag:$0x2] =	stream.linear.gather [hbm4b:s8+s4], $0x400, $0x38;
	[tilespmem:$0xB00] =	vst v63  }
0x97: {  	_ = 	snop  }
0x98: {  	[spmem:s3] =	stream.indirect.scatter.add.f32 [tilespmem:s15], [sflag:$0x1], $0x1, s4, s18, $0xb8;
	[tilespmem:$0xB00] =	vst v63  }
0x99: {  	_ = 	snop  }
0x9a: {  	[spmem:s3] =	stream.indirect.scatter.add.f32 [tilespmem:s15], [sflag:$0x1], $0x1, s18, s18, $0xb8;
	[tilespmem:$0xB00] =	vst v63  }
0x9b: {  	_ = 	snop  }
0x9c: {  	[spmem:s3] =	stream.indirect.scatter.add.f32 [tilespmem:s15], [sflag:$0x1], $0x1, s19, s18, $0xb8;
	[tilespmem:$0xB00] =	vst v63  }
0x9d: {  	_ = 	snop  }
0x9e: {  	[spmem:s3] =	stream.indirect.scatter.add.f32 [tilespmem:s15], [sflag:$0x1], $0x1, s20, s18, $0xb8;
	[tilespmem:$0xB00] =	vst v63  }
0x9f: {  	_ = 	snop  }
0xa0: {  	[spmem:s3] =	stream.indirect.scatter.add.f32 [tilespmem:s15], [sflag:$0x1], $0x1, s21, s18, $0xb8;
	[tilespmem:$0xB00] =	vst v63  }
0xa1: {  	_ = 	snop  }
0xa2: {  	[spmem:s3] =	stream.indirect.scatter.add.f32 [tilespmem:s15], [sflag:$0x1], $0x1, s22, s18, $0xb8;
	[tilespmem:$0xB00] =	vst v63  }
0xa3: {  	_ = 	snop  }
0xa4: {  	[spmem:s3] =	stream.indirect.scatter.add.f32 [tilespmem:s15], [sflag:$0x1], $0x1, s23, s18, $0xb8;
	[tilespmem:$0xB00] =	vst v63  }
0xa5: {  	_ = 	snop  }
0xa6: {  	[spmem:s3] =	stream.indirect.scatter.add.f32 [tilespmem:s15], [sflag:$0x1], $0x1, s24, s18, $0xb8;
	[tilespmem:$0xB00] =	vst v63  }
0xa7: {  	_ =	swait.ge [sflag:s16], $0x400  }
0xa8: {  	[sflag:s16] =	ssyncset.done $0x0  }
0xa9: {  	[sflag:s16] =	ssyncadd.s32 $0xFFFFFC00  }
0xaa: {  	_ =	swait.ge [sflag:s25], $0x80  }
0xab: {  	[sflag:s25] =	ssyncset.done $0x0  }
0xac: {  	[sflag:s25] =	ssyncadd.s32 $0xFFFFFF80  }
0xad: {  	_ =	swait.ge [sflag:s25], $0x80  }
0xae: {  	[sflag:s25] =	ssyncset.done $0x0  }
0xaf: {  	[sflag:s25] =	ssyncadd.s32 $0xFFFFFF80  }
0xb0: {  	_ =	swait.ge [sflag:s25], $0x80  }
0xb1: {  	[sflag:s25] =	ssyncset.done $0x0  }
0xb2: {  	[sflag:s25] =	ssyncadd.s32 $0xFFFFFF80  }
0xb3: {  	_ =	swait.ge [sflag:s25], $0x80  }
0xb4: {  	[sflag:s25] =	ssyncset.done $0x0  }
0xb5: {  	[sflag:s25] =	ssyncadd.s32 $0xFFFFFF80  }
0xb6: {  	_ =	swait.ge [sflag:s25], $0x80  }
0xb7: {  	[sflag:s25] =	ssyncset.done $0x0  }
0xb8: {  	[sflag:s25] =	ssyncadd.s32 $0xFFFFFF80  }
0xb9: {  	_ =	swait.ge [sflag:s25], $0x80  }
0xba: {  	[sflag:s25] =	ssyncset.done $0x0  }
0xbb: {  	[sflag:s25] =	ssyncadd.s32 $0xFFFFFF80  }
0xbc: {  	_ =	swait.ge [sflag:s25], $0x80  }
0xbd: {  	[sflag:s25] =	ssyncset.done $0x0  }
0xbe: {  	p1 =	seq.s32 s9, $0x2000;
	[sflag:s25] =	ssyncadd.s32 $0xFFFFFF80  }
0xbf: {  	s9 =	sadd.s32 @!p1 s9, s11;
	_ =	swait.ge [sflag:s25], $0x80  }
0xc0: {  	s9 =	sshrl.u32 @!p1 s9, $0x3;
	[sflag:s25] =	ssyncset.done $0x0  }
0xc1: {  	s10 =	simm.s32 @!p1 $0x0;
	s9 =	sadd.s32 @!p1 s5, s9;
	[sflag:s25] =	ssyncadd.s32 $0xFFFFFF80  }
0xc2: {  	[tilespmem:s10], [sflag:$0x2] =	stream.linear.gather @!p1 [hbm4b:s9+s10], $0x400, $0x38;
	[tilespmem:$0xB00] =	vst v63  }
0xc3: {  	_ = 	snop  }
0xc4: {  	[spmem:s3] =	stream.indirect.scatter.add.f32 [tilespmem:s15], [sflag:$0x1], $0x1, s17, s18, $0xb8;
	[tilespmem:$0xB00] =	vst v63  }
0xc5: {  	_ = 	snop  }
0xc6: {  	[spmem:s3] =	stream.indirect.scatter.add.f32 [tilespmem:s15], [sflag:$0x1], $0x1, s26, s18, $0xb8;
	[tilespmem:$0xB00] =	vst v63  }
0xc7: {  	_ = 	snop  }
0xc8: {  	[spmem:s3] =	stream.indirect.scatter.add.f32 [tilespmem:s15], [sflag:$0x1], $0x1, s28, s18, $0xb8;
	[tilespmem:$0xB00] =	vst v63  }
0xc9: {  	_ = 	snop  }
0xca: {  	[spmem:s3] =	stream.indirect.scatter.add.f32 [tilespmem:s15], [sflag:$0x1], $0x1, s29, s18, $0xb8;
	[tilespmem:$0xB00] =	vst v63  }
0xcb: {  	_ = 	snop  }
0xcc: {  	[spmem:s3] =	stream.indirect.scatter.add.f32 [tilespmem:s15], [sflag:$0x1], $0x1, s30, s18, $0xb8;
	[tilespmem:$0xB00] =	vst v63  }
.Ltmp0:
0xcd: {  	(pc) =	sbr.rel @p0 .LBB2_2-.Ltmp0, $4  }
0xce: {  	[spmem:s3] =	stream.indirect.scatter.add.f32 [tilespmem:s15], [sflag:$0x1], $0x1, s31, s18, $0xb8;
	[tilespmem:$0xB00] =	vst v63  }
0xcf: {  	_ = 	snop  }
0xd0: {  	[spmem:s3] =	stream.indirect.scatter.add.f32 [tilespmem:s15], [sflag:$0x1], $0x1, s0, s18, $0xb8;
	[tilespmem:$0xB00] =	vst v63  }
0xd1: {  	s8 =	sadd.s32 $0x100, s8  }
0xd2: {  	[spmem:s3] =	stream.indirect.scatter.add.f32 [tilespmem:s15], [sflag:$0x1], $0x1, s2, s18, $0xb8;
	[tilespmem:$0xB00] =	vst v63  }
0xd3: {  	_ =	swait.ge [sflag:s25], $0x80  }
0xd4: {  	[sflag:s25] =	ssyncset.done $0x0  }
0xd5: {  	[sflag:s25] =	ssyncadd.s32 $0xFFFFFF80  }
0xd6: {  	_ =	swait.ge [sflag:s25], $0x80  }
0xd7: {  	[sflag:s25] =	ssyncset.done $0x0  }
0xd8: {  	[sflag:s25] =	ssyncadd.s32 $0xFFFFFF80  }
0xd9: {  	_ =	swait.ge [sflag:s25], $0x80  }
0xda: {  	[sflag:s25] =	ssyncset.done $0x0  }
0xdb: {  	[sflag:s25] =	ssyncadd.s32 $0xFFFFFF80  }
0xdc: {  	_ =	swait.ge [sflag:s25], $0x80  }
0xdd: {  	[sflag:s25] =	ssyncset.done $0x0  }
0xde: {  	[sflag:s25] =	ssyncadd.s32 $0xFFFFFF80  }
0xdf: {  	_ =	swait.ge [sflag:s25], $0x80  }
0xe0: {  	[sflag:s25] =	ssyncset.done $0x0  }
0xe1: {  	[sflag:s25] =	ssyncadd.s32 $0xFFFFFF80  }
0xe2: {  	_ =	swait.ge [sflag:s25], $0x80  }
0xe3: {  	[sflag:s25] =	ssyncset.done $0x0  }
0xe4: {  	[sflag:s25] =	ssyncadd.s32 $0xFFFFFF80  }
0xe5: {  	_ =	swait.ge [sflag:s25], $0x80  }
0xe6: {  	[sflag:s25] =	ssyncset.done $0x0  }
0xe7: {  	[sflag:s25] =	ssyncadd.s32 $0xFFFFFF80  }
0xe8: {  	_ =	swait.ge [sflag:s25], $0x80  }
0xe9: {  	[sflag:s25] =	ssyncset.done $0x0  }
0xea: {  	[sflag:s25] =	ssyncadd.s32 $0xFFFFFF80  }
0xeb: {  	[bflag:$0x0] =	sbarrier.arrive $0xFFFF  }
0xec: {  	s8 =	simm.s32 $0x20;
	s9 =	simm.s32 $0x10;
	s6 =	rddreg [dreg:$0x6]  }
0xed: {  	[hbm:s6@s8], [sflag:s7] =	dma.strided [spmem:s13@s9], $0x50, s25, $0x10   }
0xee: {  	_ =	swait.ge [sflag:s14], $0x50  }
0xef: {  	s1 =	sadd.s32 $0x1, s1;
	s10 =	rddreg [dreg:$0x7]  }
0xf0: {  	p0 =	sne.s32 s1, s10  }
.Ltmp1:
0xf1: {  	_ = 	snop;
	(pc) =	sbr.rel @p0 .LBB2_1-.Ltmp1, $3  }
0xf2: {  	_ =	sdelay $0x1  }
0xf3: {  	[sflag:s14] =	ssyncset.done $0x0  }
0xf4: {  	[sflag:s14] =	ssyncadd.s32 $0xFFFFFFB0  }
0xf5: {  	_ =	sfence.sel $0x180000  }
0xf6: {  	[bflag:$0x0] =	sbarrier.arrive $0xFFFF  }
0xf7: {  	_ =	strace $0x90000047  }
0xf8: {  	s0 =	stileid.u32;
	[bflag:$0x2] =	sbarrier.arrive $0xFFFF  }
0xf9: {  	p0 =	sne.s32 s0, $0x0;
	s0 =	rddreg [dreg:$0x3]  }
0xfa: {  	s0 =	sadd.s32 @!p0 $0x100000, s0  }
0xfb: {  	[sflag:s0] =	ssyncadd.tile.s32 @!p0 $0x1;
	_ =	shalt  }
.Lfunc_end2:
_tile_overlayer_lowered:
.L_overlay_start_2:
0xfc: {  	(tag) =	ssettag $0x2  }
0xfd: {  	s0 =	rddreg [dreg:$0x0];
	s2 =	stileid.u32  }
0xfe: {  	s1 =	rddreg [dreg:$0x1];
	p0 =	sne.s32 s2, $0x0  }
0xff: {  	s3 =	rddreg [dreg:$0x2];
	[bflag:$0x3] =	sbarrier.arrive $0xFFFF;
	s2 =	simm.s32 @!p0 $0x1C03  }
0x100: {  	[timem:s3], [sflag:s2] =	dma.local @!p0 [hbm:s0], s1  }
0x101: {  	s0 =	simm.s32 @!p0 $0x3  }
0x102: {  	_ =	swait.ge @!p0 [sflag:s0], s1  }
0x103: {  	s1 =	ssub.s32 @!p0 $0x0, s1;
	[sflag:s0] =	ssyncset.done @!p0 $0x0  }
0x104: {  	[sflag:s0] =	ssyncadd.s32 @!p0 s1  }
0x105: {  	[bflag:$0x3] =	sbarrier.arrive $0xFFFF  }
0x106: {  	_ =	shalt  }

</sc_bundles>
